<compile_context>
chip_gen: v7x
topology: tpu7x:2x2x1
jax: 0.10.2.dev20260603
libtpu: 0.0.44.dev20260713+nightly
codegen_flags: <defaults>
</compile_context>

<pallas_src>
import functools

import jax
import jax.numpy as jnp
from jax import lax
from jax.experimental import pallas as pl
from jax.experimental.pallas import tpu as pltpu
from jax.experimental.pallas import tpu_sc as plsc

NC = 2
NS = 16
NW = NC * NS
CHUNK = 128

_MESH = plsc.VectorSubcoreMesh(core_axis_name="c", subcore_axis_name="s")


def _hist_kernel(n2, nchunk, stripe):

    @functools.partial(
        pl.kernel,
        out_type=jax.ShapeDtypeStruct((NC * n2,), jnp.float32),
        mesh=_MESH,
        scratch_types=[
            pltpu.VMEM((nchunk, CHUNK), jnp.int32),
            pltpu.VMEM((CHUNK,), jnp.float32),
            pltpu.VMEM((stripe,), jnp.float32),
            pltpu.VMEM_SHARED((n2,), jnp.float32),
        ],
    )
    def hist(dst_hbm, ones_hbm, zeros_hbm, cnt_hbm, idx_v, ones_v, stage_v,
             cnt_sh):
        c = lax.axis_index("c")
        s = lax.axis_index("s")
        wid = c * NS + s
        pltpu.sync_copy(zeros_hbm, stage_v)
        pltpu.sync_copy(stage_v, cnt_sh.at[pl.ds(s * stripe, stripe)])
        pltpu.sync_copy(ones_hbm, ones_v)
        pltpu.sync_copy(dst_hbm.at[wid], idx_v)
        plsc.subcore_barrier()

        def body(j, carry):
            pltpu.sync_copy(ones_v, cnt_sh.at[idx_v.at[j]], add=True)
            return carry

        lax.fori_loop(0, nchunk, body, 0)
        plsc.subcore_barrier()
        pltpu.sync_copy(cnt_sh.at[pl.ds(s * stripe, stripe)], stage_v)
        pltpu.sync_copy(stage_v, cnt_hbm.at[pl.ds(c * n2 + s * stripe, stripe)])

    return hist


def _scatter_kernel(n2, nchunk, stripe, dh):
    nhalf = nchunk // 2

    @functools.partial(
        pl.kernel,
        out_type=jax.ShapeDtypeStruct((n2, 2 * dh), jnp.float32),
        mesh=_MESH,
        scratch_types=[
            pltpu.VMEM((nhalf + 1, CHUNK), jnp.int32),
            pltpu.VMEM((nhalf, CHUNK), jnp.int32),
            pltpu.VMEM((CHUNK, dh), jnp.float32),
            pltpu.VMEM((CHUNK, dh), jnp.float32),
            pltpu.VMEM((CHUNK, dh), jnp.float32),
            pltpu.VMEM((dh,), jnp.float32),
            pltpu.VMEM_SHARED((n2, dh), jnp.float32),
            pltpu.VMEM_SHARED((n2, dh), jnp.float32),
            pltpu.SemaphoreType.DMA,
            pltpu.SemaphoreType.DMA,
        ],
        compiler_params=pltpu.CompilerParams(use_tc_tiling_on_sc=False),
    )
    def scat(src_hbm, dst_hbm, g_hbm, disb_hbm, b_hbm, zeros_hbm, out_hbm,
             si_v, di_v, rows_v, rowsb_v, dbuf_v, bbuf_v,
             g_sh, acc_sh, sem, semb):
        c = lax.axis_index("c")
        s = lax.axis_index("s")
        npc = stripe // CHUNK
        pltpu.sync_copy(zeros_hbm, rows_v)
        for k in range(npc):
            pltpu.sync_copy(
                rows_v, acc_sh.at[pl.ds(s * stripe + k * CHUNK, CHUNK)])
        for k in range(npc):
            sl = pl.ds(s * stripe + k * CHUNK, CHUNK)
            pltpu.sync_copy(g_hbm.at[c, sl], rows_v)
            pltpu.sync_copy(rows_v, g_sh.at[sl])
        pltpu.sync_copy(b_hbm.at[c], bbuf_v)
        zero16 = jnp.zeros((16,), jnp.int32)
        for k in range(CHUNK // 16):
            si_v[nhalf, pl.ds(k * 16, 16)] = zero16
        plsc.subcore_barrier()

        for h in range(2):
            pltpu.sync_copy(
                src_hbm.at[s, pl.ds(h * nhalf, nhalf)],
                si_v.at[pl.ds(0, nhalf)])
            pltpu.sync_copy(dst_hbm.at[s, pl.ds(h * nhalf, nhalf)], di_v)
            pltpu.async_copy(g_sh.at[si_v.at[0]], rows_v, sem)

            def body(jj, carry):
                j0 = jj * 2
                pltpu.make_async_copy(
                    g_sh.at[si_v.at[0]], rows_v, sem).wait()
                pltpu.async_copy(g_sh.at[si_v.at[j0 + 1]], rowsb_v, semb)
                pltpu.sync_copy(rows_v, acc_sh.at[di_v.at[j0]], add=True)
                pltpu.make_async_copy(
                    g_sh.at[si_v.at[0]], rowsb_v, semb).wait()
                pltpu.async_copy(g_sh.at[si_v.at[j0 + 2]], rows_v, sem)
                pltpu.sync_copy(rowsb_v, acc_sh.at[di_v.at[j0 + 1]], add=True)
                return carry

            lax.fori_loop(0, nhalf // 2, body, 0)
            pltpu.make_async_copy(g_sh.at[si_v.at[0]], rows_v, sem).wait()
        plsc.subcore_barrier()
        for k in range(npc):
            sl = pl.ds(s * stripe + k * CHUNK, CHUNK)
            pltpu.sync_copy(acc_sh.at[sl], rows_v)
            pltpu.sync_copy(g_sh.at[sl], rowsb_v)
            pltpu.sync_copy(disb_hbm.at[sl], dbuf_v)

            def fin(r, carry):
                for kk in range(dh // 16):
                    s16 = pl.ds(kk * 16, 16)
                    rows_v[r, s16] = (
                        dbuf_v[r, s16] * (rows_v[r, s16] + rowsb_v[r, s16])
                        + bbuf_v[s16])
                return carry

            lax.fori_loop(0, CHUNK, fin, 0)
            pltpu.sync_copy(rows_v, out_hbm.at[sl, pl.ds(c * dh, dh)])

    return scat


def _mm_body(x_ref, w_ref, c0_ref, c1_ref, g_ref, d_ref):
    deg = c0_ref[...] + c1_ref[...] + 1.0
    dis = lax.rsqrt(deg)
    h = jnp.dot(x_ref[...], w_ref[0], preferred_element_type=jnp.float32)
    g_ref[0] = h * dis
    d_ref[...] = jnp.broadcast_to(dis, d_ref.shape)


def kernel(x, edge_index, W, b):
    n, d_in = x.shape
    d_out = W.shape[1]
    dh = d_out // 2
    e = edge_index.shape[1]

    stripe = -(-n // (NS * CHUNK)) * CHUNK
    n2 = stripe * NS
    epw_h = -(-e // (NW * CHUNK)) * CHUNK
    nch_h = epw_h // CHUNK
    e2_h = epw_h * NW
    epw_s = -(-e // (NS * 4 * CHUNK)) * 4 * CHUNK
    nch_s = epw_s // CHUNK
    e2_s = epw_s * NS

    src = edge_index[0].astype(jnp.int32)
    dst = edge_index[1].astype(jnp.int32)
    dst_h = jnp.concatenate(
        [dst, jnp.full((e2_h - e,), n, jnp.int32)]).reshape(NW, nch_h, CHUNK)
    src_s = jnp.concatenate(
        [src, jnp.zeros((e2_s - e,), jnp.int32)]).reshape(NS, nch_s, CHUNK)
    dst_s = jnp.concatenate(
        [dst, jnp.full((e2_s - e,), n, jnp.int32)]).reshape(NS, nch_s, CHUNK)

    ones_c = jnp.ones((CHUNK,), jnp.float32)
    zeros_s = jnp.zeros((stripe,), jnp.float32)
    zeros_cd = jnp.zeros((CHUNK, dh), jnp.float32)

    cnt = _hist_kernel(n2, nch_h, stripe)(dst_h, ones_c, zeros_s)
    cnt = cnt.reshape(NC, n2)
    c0 = cnt[0, :n].reshape(n, 1)
    c1 = cnt[1, :n].reshape(n, 1)

    blk = 2000
    grid = n // blk
    g2, disb = pl.pallas_call(
        _mm_body,
        grid=(NC, grid),
        in_specs=[
            pl.BlockSpec((blk, d_in), lambda j, i: (i, 0)),
            pl.BlockSpec((1, d_in, dh), lambda j, i: (j, 0, 0)),
            pl.BlockSpec((blk, 1), lambda j, i: (i, 0)),
            pl.BlockSpec((blk, 1), lambda j, i: (i, 0)),
        ],
        out_specs=[
            pl.BlockSpec((1, blk, dh), lambda j, i: (j, i, 0)),
            pl.BlockSpec((blk, dh), lambda j, i: (i, 0)),
        ],
        out_shape=[
            jax.ShapeDtypeStruct((NC, n2, dh), jnp.float32),
            jax.ShapeDtypeStruct((n2, dh), jnp.float32),
        ],
    )(x, jnp.moveaxis(W.reshape(d_in, NC, dh), 1, 0), c0, c1)

    out = _scatter_kernel(n2, nch_s, stripe, dh)(
        src_s, dst_s, g2, disb, b.reshape(NC, dh), zeros_cd)
    return out[:n]

# --- scband reference (transcript-rebuilt; emitter-appended) ---
"""Pipeline reference for scband-linear-encoder-22308060136296 (READ-ONLY COPY).

The authoritative reference and input builder live on the scoring server;
editing this copy changes nothing except your own understanding.
"""

import jax, jax.numpy as jnp
import numpy as np

N_NODES = 10000
N_EDGES = 320000
D_IN = 128
D_OUT = 128

def setup_inputs(seed: int = 0) -> dict:
    key = jax.random.key(seed)
    k1, k2, k3, k4 = jax.random.split(key, 4)
    x = jax.random.normal(k1, (N_NODES, D_IN), dtype=jnp.float32)
    edge_index = jax.random.randint(k2, (2, N_EDGES), 0, N_NODES, dtype=jnp.int64)
    # GCNConv linear weight (glorot) and zero bias, as in PyG defaults
    limit = float(np.sqrt(6.0 / (D_IN + D_OUT)))
    W = jax.random.uniform(k3, (D_IN, D_OUT), dtype=jnp.float32, minval=-limit, maxval=limit)
    b = jnp.zeros((D_OUT,), dtype=jnp.float32)
    return {"x": x, "edge_index": edge_index, "W": W, "b": b}

def reference(x, edge_index, W, b):
    # Faithful GCNConv: add self-loops, symmetric normalization, linear transform,
    # scatter-add aggregation at destination nodes, then bias.
    N = x.shape[0]
    src = edge_index[0]
    dst = edge_index[1]
    loop = jnp.arange(N, dtype=edge_index.dtype)
    src = jnp.concatenate([src, loop])
    dst = jnp.concatenate([dst, loop])
    # degree computed on destination (col) with edge_weight = 1
    deg = jnp.zeros((N,), dtype=x.dtype).at[dst].add(1.0)
    deg_inv_sqrt = jnp.where(deg > 0, 1.0 / jnp.sqrt(deg), 0.0)
    norm = deg_inv_sqrt[src] * deg_inv_sqrt[dst]
    h = x @ W
    msg = h[src] * norm[:, None]
    out = jnp.zeros((N, h.shape[1]), dtype=x.dtype).at[dst].add(msg)
    return out + b

if __name__ == "__main__":
    import jax
    _d = setup_inputs()
    print(jax.jit(kernel)(*tuple(_d.values())))

</pallas_src>

<mosaic_0001>
#map = affine_map<(d0, d1) -> (0, 0, 0)>
#map1 = affine_map<(d0, d1) -> (0, 0)>
module attributes {stable_mosaic.version = 14 : i64} {
  func.func @scat(%arg0: i32, %arg1: i32, %arg2: memref<16x160x128xi32, #tpu.memory_space<hbm>>, %arg3: memref<16x160x128xi32, #tpu.memory_space<hbm>>, %arg4: memref<2x10240x64xf32, #tpu.memory_space<hbm>>, %arg5: memref<10240x64xf32, #tpu.memory_space<hbm>>, %arg6: memref<2x64xf32, #tpu.memory_space<hbm>>, %arg7: memref<128x64xf32, #tpu.memory_space<hbm>>, %arg8: memref<10240x128xf32, #tpu.memory_space<hbm>>, %arg9: memref<81x128xi32, #tpu.memory_space<vmem>>, %arg10: memref<80x128xi32, #tpu.memory_space<vmem>>, %arg11: memref<128x64xf32, #tpu.memory_space<vmem>>, %arg12: memref<128x64xf32, #tpu.memory_space<vmem>>, %arg13: memref<128x64xf32, #tpu.memory_space<vmem>>, %arg14: memref<64xf32, #tpu.memory_space<vmem>>, %arg15: memref<10240x64xf32, #tpu.memory_space<vmem_shared>>, %arg16: memref<10240x64xf32, #tpu.memory_space<vmem_shared>>, %arg17: memref<!tpu.dma_semaphore, #tpu.memory_space<semaphore_mem>>, %arg18: memref<!tpu.dma_semaphore, #tpu.memory_space<semaphore_mem>>) attributes {dimension_semantics = [#tpu.dimension_semantics<core_parallel>, #tpu.dimension_semantics<subcore_parallel>], iteration_bounds = array<i64: 2, 16>, scalar_prefetch = 0 : i64, scratch_operands = 10 : i64, tpu.core_type = #tpu.core_type<sc_vector_subcore>, window_params = [{transform_indices = #map}, {transform_indices = #map}, {transform_indices = #map}, {transform_indices = #map1}, {transform_indices = #map1}, {transform_indices = #map1}, {transform_indices = #map1}]} {
    "tpu.region"() ({
      %run_scoped3A = tpu.sem_alloc : memref<!tpu.dma_semaphore, #tpu.memory_space<semaphore_mem>>
      tpu.enqueue_dma source(%arg7 : memref<128x64xf32, #tpu.memory_space<hbm>>) target(%arg11 : memref<128x64xf32, #tpu.memory_space<vmem>>) target_semaphore(%run_scoped3A : memref<!tpu.dma_semaphore, #tpu.memory_space<semaphore_mem>>)
      tpu.wait_dma2 semaphore(%run_scoped3A : memref<!tpu.dma_semaphore, #tpu.memory_space<semaphore_mem>>) src(%arg7 : memref<128x64xf32, #tpu.memory_space<hbm>>) dst(%arg11 : memref<128x64xf32, #tpu.memory_space<vmem>>)
      tpu.yield
    }) : () -> ()
    %mul3A = arith.constant 640 : i32
    %mul3A_0 = arith.muli %arg1, %mul3A : i32
    %add3A = arith.constant 0 : i32
    %add3A_1 = arith.addi %mul3A_0, %add3A : i32
    "tpu.region"() ({
      %run_scoped3A = tpu.sem_alloc : memref<!tpu.dma_semaphore, #tpu.memory_space<semaphore_mem>>
      %dma_start3A_184 = arith.constant 0 : i32
      %dma_start3A_185 = tpu.memref_slice %arg16[%add3A_1, %dma_start3A_184] : memref<10240x64xf32, #tpu.memory_space<vmem_shared>> -> memref<128x64xf32, #tpu.memory_space<vmem_shared>>
      %dma_start3A_186 = arith.constant 0 : i32
      %dma_start3A_187 = tpu.memref_slice %arg16[%add3A_1, %dma_start3A_186] : memref<10240x64xf32, #tpu.memory_space<vmem_shared>> -> memref<128x64xf32, #tpu.memory_space<vmem_shared>>
      tpu.enqueue_dma source(%arg11 : memref<128x64xf32, #tpu.memory_space<vmem>>) target(%dma_start3A_187 : memref<128x64xf32, #tpu.memory_space<vmem_shared>>) target_semaphore(%run_scoped3A : memref<!tpu.dma_semaphore, #tpu.memory_space<semaphore_mem>>)
      %dma_wait3A_188 = arith.constant 0 : i32
      %dma_wait3A_189 = tpu.memref_slice %arg16[%add3A_1, %dma_wait3A_188] : memref<10240x64xf32, #tpu.memory_space<vmem_shared>> -> memref<128x64xf32, #tpu.memory_space<vmem_shared>>
      %dma_wait3A_190 = arith.constant 0 : i32
      %dma_wait3A_191 = tpu.memref_slice %arg16[%add3A_1, %dma_wait3A_190] : memref<10240x64xf32, #tpu.memory_space<vmem_shared>> -> memref<128x64xf32, #tpu.memory_space<vmem_shared>>
      tpu.wait_dma2 semaphore(%run_scoped3A : memref<!tpu.dma_semaphore, #tpu.memory_space<semaphore_mem>>) src(%arg11 : memref<128x64xf32, #tpu.memory_space<vmem>>) dst(%dma_wait3A_191 : memref<128x64xf32, #tpu.memory_space<vmem_shared>>)
      tpu.yield
    }) : () -> ()
    %mul3A_2 = arith.constant 640 : i32
    %mul3A_3 = arith.muli %arg1, %mul3A_2 : i32
    %add3A_4 = arith.constant 128 : i32
    %add3A_5 = arith.addi %mul3A_3, %add3A_4 : i32
    "tpu.region"() ({
      %run_scoped3A = tpu.sem_alloc : memref<!tpu.dma_semaphore, #tpu.memory_space<semaphore_mem>>
      %dma_start3A_184 = arith.constant 0 : i32
      %dma_start3A_185 = tpu.memref_slice %arg16[%add3A_5, %dma_start3A_184] : memref<10240x64xf32, #tpu.memory_space<vmem_shared>> -> memref<128x64xf32, #tpu.memory_space<vmem_shared>>
      %dma_start3A_186 = arith.constant 0 : i32
      %dma_start3A_187 = tpu.memref_slice %arg16[%add3A_5, %dma_start3A_186] : memref<10240x64xf32, #tpu.memory_space<vmem_shared>> -> memref<128x64xf32, #tpu.memory_space<vmem_shared>>
      tpu.enqueue_dma source(%arg11 : memref<128x64xf32, #tpu.memory_space<vmem>>) target(%dma_start3A_187 : memref<128x64xf32, #tpu.memory_space<vmem_shared>>) target_semaphore(%run_scoped3A : memref<!tpu.dma_semaphore, #tpu.memory_space<semaphore_mem>>)
      %dma_wait3A_188 = arith.constant 0 : i32
      %dma_wait3A_189 = tpu.memref_slice %arg16[%add3A_5, %dma_wait3A_188] : memref<10240x64xf32, #tpu.memory_space<vmem_shared>> -> memref<128x64xf32, #tpu.memory_space<vmem_shared>>
      %dma_wait3A_190 = arith.constant 0 : i32
      %dma_wait3A_191 = tpu.memref_slice %arg16[%add3A_5, %dma_wait3A_190] : memref<10240x64xf32, #tpu.memory_space<vmem_shared>> -> memref<128x64xf32, #tpu.memory_space<vmem_shared>>
      tpu.wait_dma2 semaphore(%run_scoped3A : memref<!tpu.dma_semaphore, #tpu.memory_space<semaphore_mem>>) src(%arg11 : memref<128x64xf32, #tpu.memory_space<vmem>>) dst(%dma_wait3A_191 : memref<128x64xf32, #tpu.memory_space<vmem_shared>>)
      tpu.yield
    }) : () -> ()
    %mul3A_6 = arith.constant 640 : i32
    %mul3A_7 = arith.muli %arg1, %mul3A_6 : i32
    %add3A_8 = arith.constant 256 : i32
    %add3A_9 = arith.addi %mul3A_7, %add3A_8 : i32
    "tpu.region"() ({
      %run_scoped3A = tpu.sem_alloc : memref<!tpu.dma_semaphore, #tpu.memory_space<semaphore_mem>>
      %dma_start3A_184 = arith.constant 0 : i32
      %dma_start3A_185 = tpu.memref_slice %arg16[%add3A_9, %dma_start3A_184] : memref<10240x64xf32, #tpu.memory_space<vmem_shared>> -> memref<128x64xf32, #tpu.memory_space<vmem_shared>>
      %dma_start3A_186 = arith.constant 0 : i32
      %dma_start3A_187 = tpu.memref_slice %arg16[%add3A_9, %dma_start3A_186] : memref<10240x64xf32, #tpu.memory_space<vmem_shared>> -> memref<128x64xf32, #tpu.memory_space<vmem_shared>>
      tpu.enqueue_dma source(%arg11 : memref<128x64xf32, #tpu.memory_space<vmem>>) target(%dma_start3A_187 : memref<128x64xf32, #tpu.memory_space<vmem_shared>>) target_semaphore(%run_scoped3A : memref<!tpu.dma_semaphore, #tpu.memory_space<semaphore_mem>>)
      %dma_wait3A_188 = arith.constant 0 : i32
      %dma_wait3A_189 = tpu.memref_slice %arg16[%add3A_9, %dma_wait3A_188] : memref<10240x64xf32, #tpu.memory_space<vmem_shared>> -> memref<128x64xf32, #tpu.memory_space<vmem_shared>>
      %dma_wait3A_190 = arith.constant 0 : i32
      %dma_wait3A_191 = tpu.memref_slice %arg16[%add3A_9, %dma_wait3A_190] : memref<10240x64xf32, #tpu.memory_space<vmem_shared>> -> memref<128x64xf32, #tpu.memory_space<vmem_shared>>
      tpu.wait_dma2 semaphore(%run_scoped3A : memref<!tpu.dma_semaphore, #tpu.memory_space<semaphore_mem>>) src(%arg11 : memref<128x64xf32, #tpu.memory_space<vmem>>) dst(%dma_wait3A_191 : memref<128x64xf32, #tpu.memory_space<vmem_shared>>)
      tpu.yield
    }) : () -> ()
    %mul3A_10 = arith.constant 640 : i32
    %mul3A_11 = arith.muli %arg1, %mul3A_10 : i32
    %add3A_12 = arith.constant 384 : i32
    %add3A_13 = arith.addi %mul3A_11, %add3A_12 : i32
    "tpu.region"() ({
      %run_scoped3A = tpu.sem_alloc : memref<!tpu.dma_semaphore, #tpu.memory_space<semaphore_mem>>
      %dma_start3A_184 = arith.constant 0 : i32
      %dma_start3A_185 = tpu.memref_slice %arg16[%add3A_13, %dma_start3A_184] : memref<10240x64xf32, #tpu.memory_space<vmem_shared>> -> memref<128x64xf32, #tpu.memory_space<vmem_shared>>
      %dma_start3A_186 = arith.constant 0 : i32
      %dma_start3A_187 = tpu.memref_slice %arg16[%add3A_13, %dma_start3A_186] : memref<10240x64xf32, #tpu.memory_space<vmem_shared>> -> memref<128x64xf32, #tpu.memory_space<vmem_shared>>
      tpu.enqueue_dma source(%arg11 : memref<128x64xf32, #tpu.memory_space<vmem>>) target(%dma_start3A_187 : memref<128x64xf32, #tpu.memory_space<vmem_shared>>) target_semaphore(%run_scoped3A : memref<!tpu.dma_semaphore, #tpu.memory_space<semaphore_mem>>)
      %dma_wait3A_188 = arith.constant 0 : i32
      %dma_wait3A_189 = tpu.memref_slice %arg16[%add3A_13, %dma_wait3A_188] : memref<10240x64xf32, #tpu.memory_space<vmem_shared>> -> memref<128x64xf32, #tpu.memory_space<vmem_shared>>
      %dma_wait3A_190 = arith.constant 0 : i32
      %dma_wait3A_191 = tpu.memref_slice %arg16[%add3A_13, %dma_wait3A_190] : memref<10240x64xf32, #tpu.memory_space<vmem_shared>> -> memref<128x64xf32, #tpu.memory_space<vmem_shared>>
      tpu.wait_dma2 semaphore(%run_scoped3A : memref<!tpu.dma_semaphore, #tpu.memory_space<semaphore_mem>>) src(%arg11 : memref<128x64xf32, #tpu.memory_space<vmem>>) dst(%dma_wait3A_191 : memref<128x64xf32, #tpu.memory_space<vmem_shared>>)
      tpu.yield
    }) : () -> ()
    %mul3A_14 = arith.constant 640 : i32
    %mul3A_15 = arith.muli %arg1, %mul3A_14 : i32
    %add3A_16 = arith.constant 512 : i32
    %add3A_17 = arith.addi %mul3A_15, %add3A_16 : i32
    "tpu.region"() ({
      %run_scoped3A = tpu.sem_alloc : memref<!tpu.dma_semaphore, #tpu.memory_space<semaphore_mem>>
      %dma_start3A_184 = arith.constant 0 : i32
      %dma_start3A_185 = tpu.memref_slice %arg16[%add3A_17, %dma_start3A_184] : memref<10240x64xf32, #tpu.memory_space<vmem_shared>> -> memref<128x64xf32, #tpu.memory_space<vmem_shared>>
      %dma_start3A_186 = arith.constant 0 : i32
      %dma_start3A_187 = tpu.memref_slice %arg16[%add3A_17, %dma_start3A_186] : memref<10240x64xf32, #tpu.memory_space<vmem_shared>> -> memref<128x64xf32, #tpu.memory_space<vmem_shared>>
      tpu.enqueue_dma source(%arg11 : memref<128x64xf32, #tpu.memory_space<vmem>>) target(%dma_start3A_187 : memref<128x64xf32, #tpu.memory_space<vmem_shared>>) target_semaphore(%run_scoped3A : memref<!tpu.dma_semaphore, #tpu.memory_space<semaphore_mem>>)
      %dma_wait3A_188 = arith.constant 0 : i32
      %dma_wait3A_189 = tpu.memref_slice %arg16[%add3A_17, %dma_wait3A_188] : memref<10240x64xf32, #tpu.memory_space<vmem_shared>> -> memref<128x64xf32, #tpu.memory_space<vmem_shared>>
      %dma_wait3A_190 = arith.constant 0 : i32
      %dma_wait3A_191 = tpu.memref_slice %arg16[%add3A_17, %dma_wait3A_190] : memref<10240x64xf32, #tpu.memory_space<vmem_shared>> -> memref<128x64xf32, #tpu.memory_space<vmem_shared>>
      tpu.wait_dma2 semaphore(%run_scoped3A : memref<!tpu.dma_semaphore, #tpu.memory_space<semaphore_mem>>) src(%arg11 : memref<128x64xf32, #tpu.memory_space<vmem>>) dst(%dma_wait3A_191 : memref<128x64xf32, #tpu.memory_space<vmem_shared>>)
      tpu.yield
    }) : () -> ()
    %mul3A_18 = arith.constant 640 : i32
    %mul3A_19 = arith.muli %arg1, %mul3A_18 : i32
    %add3A_20 = arith.constant 0 : i32
    %add3A_21 = arith.addi %mul3A_19, %add3A_20 : i32
    "tpu.region"() ({
      %run_scoped3A = tpu.sem_alloc : memref<!tpu.dma_semaphore, #tpu.memory_space<semaphore_mem>>
      %dma_start3A_184 = arith.constant 0 : i32
      %dma_start3A_185 = tpu.memref_slice %arg4[%arg0, %add3A_21, %dma_start3A_184] : memref<2x10240x64xf32, #tpu.memory_space<hbm>> -> memref<1x128x64xf32, #tpu.memory_space<hbm>>
      %dma_start3A_186 = tpu.memref_squeeze %dma_start3A_185 : memref<1x128x64xf32, #tpu.memory_space<hbm>> -> memref<128x64xf32, #tpu.memory_space<hbm>>
      %dma_start3A_187 = arith.constant 0 : i32
      %dma_start3A_188 = tpu.memref_slice %arg4[%arg0, %add3A_21, %dma_start3A_187] : memref<2x10240x64xf32, #tpu.memory_space<hbm>> -> memref<1x128x64xf32, #tpu.memory_space<hbm>>
      %dma_start3A_189 = tpu.memref_squeeze %dma_start3A_188 : memref<1x128x64xf32, #tpu.memory_space<hbm>> -> memref<128x64xf32, #tpu.memory_space<hbm>>
      tpu.enqueue_dma source(%dma_start3A_189 : memref<128x64xf32, #tpu.memory_space<hbm>>) target(%arg11 : memref<128x64xf32, #tpu.memory_space<vmem>>) target_semaphore(%run_scoped3A : memref<!tpu.dma_semaphore, #tpu.memory_space<semaphore_mem>>)
      %dma_wait3A_190 = arith.constant 0 : i32
      %dma_wait3A_191 = tpu.memref_slice %arg4[%arg0, %add3A_21, %dma_wait3A_190] : memref<2x10240x64xf32, #tpu.memory_space<hbm>> -> memref<1x128x64xf32, #tpu.memory_space<hbm>>
      %dma_wait3A_192 = tpu.memref_squeeze %dma_wait3A_191 : memref<1x128x64xf32, #tpu.memory_space<hbm>> -> memref<128x64xf32, #tpu.memory_space<hbm>>
      %dma_wait3A_193 = arith.constant 0 : i32
      %dma_wait3A_194 = tpu.memref_slice %arg4[%arg0, %add3A_21, %dma_wait3A_193] : memref<2x10240x64xf32, #tpu.memory_space<hbm>> -> memref<1x128x64xf32, #tpu.memory_space<hbm>>
      %dma_wait3A_195 = tpu.memref_squeeze %dma_wait3A_194 : memref<1x128x64xf32, #tpu.memory_space<hbm>> -> memref<128x64xf32, #tpu.memory_space<hbm>>
      tpu.wait_dma2 semaphore(%run_scoped3A : memref<!tpu.dma_semaphore, #tpu.memory_space<semaphore_mem>>) src(%dma_wait3A_195 : memref<128x64xf32, #tpu.memory_space<hbm>>) dst(%arg11 : memref<128x64xf32, #tpu.memory_space<vmem>>)
      tpu.yield
    }) : () -> ()
    "tpu.region"() ({
      %run_scoped3A = tpu.sem_alloc : memref<!tpu.dma_semaphore, #tpu.memory_space<semaphore_mem>>
      %dma_start3A_184 = arith.constant 0 : i32
      %dma_start3A_185 = tpu.memref_slice %arg15[%add3A_21, %dma_start3A_184] : memref<10240x64xf32, #tpu.memory_space<vmem_shared>> -> memref<128x64xf32, #tpu.memory_space<vmem_shared>>
      %dma_start3A_186 = arith.constant 0 : i32
      %dma_start3A_187 = tpu.memref_slice %arg15[%add3A_21, %dma_start3A_186] : memref<10240x64xf32, #tpu.memory_space<vmem_shared>> -> memref<128x64xf32, #tpu.memory_space<vmem_shared>>
      tpu.enqueue_dma source(%arg11 : memref<128x64xf32, #tpu.memory_space<vmem>>) target(%dma_start3A_187 : memref<128x64xf32, #tpu.memory_space<vmem_shared>>) target_semaphore(%run_scoped3A : memref<!tpu.dma_semaphore, #tpu.memory_space<semaphore_mem>>)
      %dma_wait3A_188 = arith.constant 0 : i32
      %dma_wait3A_189 = tpu.memref_slice %arg15[%add3A_21, %dma_wait3A_188] : memref<10240x64xf32, #tpu.memory_space<vmem_shared>> -> memref<128x64xf32, #tpu.memory_space<vmem_shared>>
      %dma_wait3A_190 = arith.constant 0 : i32
      %dma_wait3A_191 = tpu.memref_slice %arg15[%add3A_21, %dma_wait3A_190] : memref<10240x64xf32, #tpu.memory_space<vmem_shared>> -> memref<128x64xf32, #tpu.memory_space<vmem_shared>>
      tpu.wait_dma2 semaphore(%run_scoped3A : memref<!tpu.dma_semaphore, #tpu.memory_space<semaphore_mem>>) src(%arg11 : memref<128x64xf32, #tpu.memory_space<vmem>>) dst(%dma_wait3A_191 : memref<128x64xf32, #tpu.memory_space<vmem_shared>>)
      tpu.yield
    }) : () -> ()
    %mul3A_22 = arith.constant 640 : i32
    %mul3A_23 = arith.muli %arg1, %mul3A_22 : i32
    %add3A_24 = arith.constant 128 : i32
    %add3A_25 = arith.addi %mul3A_23, %add3A_24 : i32
    "tpu.region"() ({
      %run_scoped3A = tpu.sem_alloc : memref<!tpu.dma_semaphore, #tpu.memory_space<semaphore_mem>>
      %dma_start3A_184 = arith.constant 0 : i32
      %dma_start3A_185 = tpu.memref_slice %arg4[%arg0, %add3A_25, %dma_start3A_184] : memref<2x10240x64xf32, #tpu.memory_space<hbm>> -> memref<1x128x64xf32, #tpu.memory_space<hbm>>
      %dma_start3A_186 = tpu.memref_squeeze %dma_start3A_185 : memref<1x128x64xf32, #tpu.memory_space<hbm>> -> memref<128x64xf32, #tpu.memory_space<hbm>>
      %dma_start3A_187 = arith.constant 0 : i32
      %dma_start3A_188 = tpu.memref_slice %arg4[%arg0, %add3A_25, %dma_start3A_187] : memref<2x10240x64xf32, #tpu.memory_space<hbm>> -> memref<1x128x64xf32, #tpu.memory_space<hbm>>
      %dma_start3A_189 = tpu.memref_squeeze %dma_start3A_188 : memref<1x128x64xf32, #tpu.memory_space<hbm>> -> memref<128x64xf32, #tpu.memory_space<hbm>>
      tpu.enqueue_dma source(%dma_start3A_189 : memref<128x64xf32, #tpu.memory_space<hbm>>) target(%arg11 : memref<128x64xf32, #tpu.memory_space<vmem>>) target_semaphore(%run_scoped3A : memref<!tpu.dma_semaphore, #tpu.memory_space<semaphore_mem>>)
      %dma_wait3A_190 = arith.constant 0 : i32
      %dma_wait3A_191 = tpu.memref_slice %arg4[%arg0, %add3A_25, %dma_wait3A_190] : memref<2x10240x64xf32, #tpu.memory_space<hbm>> -> memref<1x128x64xf32, #tpu.memory_space<hbm>>
      %dma_wait3A_192 = tpu.memref_squeeze %dma_wait3A_191 : memref<1x128x64xf32, #tpu.memory_space<hbm>> -> memref<128x64xf32, #tpu.memory_space<hbm>>
      %dma_wait3A_193 = arith.constant 0 : i32
      %dma_wait3A_194 = tpu.memref_slice %arg4[%arg0, %add3A_25, %dma_wait3A_193] : memref<2x10240x64xf32, #tpu.memory_space<hbm>> -> memref<1x128x64xf32, #tpu.memory_space<hbm>>
      %dma_wait3A_195 = tpu.memref_squeeze %dma_wait3A_194 : memref<1x128x64xf32, #tpu.memory_space<hbm>> -> memref<128x64xf32, #tpu.memory_space<hbm>>
      tpu.wait_dma2 semaphore(%run_scoped3A : memref<!tpu.dma_semaphore, #tpu.memory_space<semaphore_mem>>) src(%dma_wait3A_195 : memref<128x64xf32, #tpu.memory_space<hbm>>) dst(%arg11 : memref<128x64xf32, #tpu.memory_space<vmem>>)
      tpu.yield
    }) : () -> ()
    "tpu.region"() ({
      %run_scoped3A = tpu.sem_alloc : memref<!tpu.dma_semaphore, #tpu.memory_space<semaphore_mem>>
      %dma_start3A_184 = arith.constant 0 : i32
      %dma_start3A_185 = tpu.memref_slice %arg15[%add3A_25, %dma_start3A_184] : memref<10240x64xf32, #tpu.memory_space<vmem_shared>> -> memref<128x64xf32, #tpu.memory_space<vmem_shared>>
      %dma_start3A_186 = arith.constant 0 : i32
      %dma_start3A_187 = tpu.memref_slice %arg15[%add3A_25, %dma_start3A_186] : memref<10240x64xf32, #tpu.memory_space<vmem_shared>> -> memref<128x64xf32, #tpu.memory_space<vmem_shared>>
      tpu.enqueue_dma source(%arg11 : memref<128x64xf32, #tpu.memory_space<vmem>>) target(%dma_start3A_187 : memref<128x64xf32, #tpu.memory_space<vmem_shared>>) target_semaphore(%run_scoped3A : memref<!tpu.dma_semaphore, #tpu.memory_space<semaphore_mem>>)
      %dma_wait3A_188 = arith.constant 0 : i32
      %dma_wait3A_189 = tpu.memref_slice %arg15[%add3A_25, %dma_wait3A_188] : memref<10240x64xf32, #tpu.memory_space<vmem_shared>> -> memref<128x64xf32, #tpu.memory_space<vmem_shared>>
      %dma_wait3A_190 = arith.constant 0 : i32
      %dma_wait3A_191 = tpu.memref_slice %arg15[%add3A_25, %dma_wait3A_190] : memref<10240x64xf32, #tpu.memory_space<vmem_shared>> -> memref<128x64xf32, #tpu.memory_space<vmem_shared>>
      tpu.wait_dma2 semaphore(%run_scoped3A : memref<!tpu.dma_semaphore, #tpu.memory_space<semaphore_mem>>) src(%arg11 : memref<128x64xf32, #tpu.memory_space<vmem>>) dst(%dma_wait3A_191 : memref<128x64xf32, #tpu.memory_space<vmem_shared>>)
      tpu.yield
    }) : () -> ()
    %mul3A_26 = arith.constant 640 : i32
    %mul3A_27 = arith.muli %arg1, %mul3A_26 : i32
    %add3A_28 = arith.constant 256 : i32
    %add3A_29 = arith.addi %mul3A_27, %add3A_28 : i32
    "tpu.region"() ({
      %run_scoped3A = tpu.sem_alloc : memref<!tpu.dma_semaphore, #tpu.memory_space<semaphore_mem>>
      %dma_start3A_184 = arith.constant 0 : i32
      %dma_start3A_185 = tpu.memref_slice %arg4[%arg0, %add3A_29, %dma_start3A_184] : memref<2x10240x64xf32, #tpu.memory_space<hbm>> -> memref<1x128x64xf32, #tpu.memory_space<hbm>>
      %dma_start3A_186 = tpu.memref_squeeze %dma_start3A_185 : memref<1x128x64xf32, #tpu.memory_space<hbm>> -> memref<128x64xf32, #tpu.memory_space<hbm>>
      %dma_start3A_187 = arith.constant 0 : i32
      %dma_start3A_188 = tpu.memref_slice %arg4[%arg0, %add3A_29, %dma_start3A_187] : memref<2x10240x64xf32, #tpu.memory_space<hbm>> -> memref<1x128x64xf32, #tpu.memory_space<hbm>>
      %dma_start3A_189 = tpu.memref_squeeze %dma_start3A_188 : memref<1x128x64xf32, #tpu.memory_space<hbm>> -> memref<128x64xf32, #tpu.memory_space<hbm>>
      tpu.enqueue_dma source(%dma_start3A_189 : memref<128x64xf32, #tpu.memory_space<hbm>>) target(%arg11 : memref<128x64xf32, #tpu.memory_space<vmem>>) target_semaphore(%run_scoped3A : memref<!tpu.dma_semaphore, #tpu.memory_space<semaphore_mem>>)
      %dma_wait3A_190 = arith.constant 0 : i32
      %dma_wait3A_191 = tpu.memref_slice %arg4[%arg0, %add3A_29, %dma_wait3A_190] : memref<2x10240x64xf32, #tpu.memory_space<hbm>> -> memref<1x128x64xf32, #tpu.memory_space<hbm>>
      %dma_wait3A_192 = tpu.memref_squeeze %dma_wait3A_191 : memref<1x128x64xf32, #tpu.memory_space<hbm>> -> memref<128x64xf32, #tpu.memory_space<hbm>>
      %dma_wait3A_193 = arith.constant 0 : i32
      %dma_wait3A_194 = tpu.memref_slice %arg4[%arg0, %add3A_29, %dma_wait3A_193] : memref<2x10240x64xf32, #tpu.memory_space<hbm>> -> memref<1x128x64xf32, #tpu.memory_space<hbm>>
      %dma_wait3A_195 = tpu.memref_squeeze %dma_wait3A_194 : memref<1x128x64xf32, #tpu.memory_space<hbm>> -> memref<128x64xf32, #tpu.memory_space<hbm>>
      tpu.wait_dma2 semaphore(%run_scoped3A : memref<!tpu.dma_semaphore, #tpu.memory_space<semaphore_mem>>) src(%dma_wait3A_195 : memref<128x64xf32, #tpu.memory_space<hbm>>) dst(%arg11 : memref<128x64xf32, #tpu.memory_space<vmem>>)
      tpu.yield
    }) : () -> ()
    "tpu.region"() ({
      %run_scoped3A = tpu.sem_alloc : memref<!tpu.dma_semaphore, #tpu.memory_space<semaphore_mem>>
      %dma_start3A_184 = arith.constant 0 : i32
      %dma_start3A_185 = tpu.memref_slice %arg15[%add3A_29, %dma_start3A_184] : memref<10240x64xf32, #tpu.memory_space<vmem_shared>> -> memref<128x64xf32, #tpu.memory_space<vmem_shared>>
      %dma_start3A_186 = arith.constant 0 : i32
      %dma_start3A_187 = tpu.memref_slice %arg15[%add3A_29, %dma_start3A_186] : memref<10240x64xf32, #tpu.memory_space<vmem_shared>> -> memref<128x64xf32, #tpu.memory_space<vmem_shared>>
      tpu.enqueue_dma source(%arg11 : memref<128x64xf32, #tpu.memory_space<vmem>>) target(%dma_start3A_187 : memref<128x64xf32, #tpu.memory_space<vmem_shared>>) target_semaphore(%run_scoped3A : memref<!tpu.dma_semaphore, #tpu.memory_space<semaphore_mem>>)
      %dma_wait3A_188 = arith.constant 0 : i32
      %dma_wait3A_189 = tpu.memref_slice %arg15[%add3A_29, %dma_wait3A_188] : memref<10240x64xf32, #tpu.memory_space<vmem_shared>> -> memref<128x64xf32, #tpu.memory_space<vmem_shared>>
      %dma_wait3A_190 = arith.constant 0 : i32
      %dma_wait3A_191 = tpu.memref_slice %arg15[%add3A_29, %dma_wait3A_190] : memref<10240x64xf32, #tpu.memory_space<vmem_shared>> -> memref<128x64xf32, #tpu.memory_space<vmem_shared>>
      tpu.wait_dma2 semaphore(%run_scoped3A : memref<!tpu.dma_semaphore, #tpu.memory_space<semaphore_mem>>) src(%arg11 : memref<128x64xf32, #tpu.memory_space<vmem>>) dst(%dma_wait3A_191 : memref<128x64xf32, #tpu.memory_space<vmem_shared>>)
      tpu.yield
    }) : () -> ()
    %mul3A_30 = arith.constant 640 : i32
    %mul3A_31 = arith.muli %arg1, %mul3A_30 : i32
    %add3A_32 = arith.constant 384 : i32
    %add3A_33 = arith.addi %mul3A_31, %add3A_32 : i32
    "tpu.region"() ({
      %run_scoped3A = tpu.sem_alloc : memref<!tpu.dma_semaphore, #tpu.memory_space<semaphore_mem>>
      %dma_start3A_184 = arith.constant 0 : i32
      %dma_start3A_185 = tpu.memref_slice %arg4[%arg0, %add3A_33, %dma_start3A_184] : memref<2x10240x64xf32, #tpu.memory_space<hbm>> -> memref<1x128x64xf32, #tpu.memory_space<hbm>>
      %dma_start3A_186 = tpu.memref_squeeze %dma_start3A_185 : memref<1x128x64xf32, #tpu.memory_space<hbm>> -> memref<128x64xf32, #tpu.memory_space<hbm>>
      %dma_start3A_187 = arith.constant 0 : i32
      %dma_start3A_188 = tpu.memref_slice %arg4[%arg0, %add3A_33, %dma_start3A_187] : memref<2x10240x64xf32, #tpu.memory_space<hbm>> -> memref<1x128x64xf32, #tpu.memory_space<hbm>>
      %dma_start3A_189 = tpu.memref_squeeze %dma_start3A_188 : memref<1x128x64xf32, #tpu.memory_space<hbm>> -> memref<128x64xf32, #tpu.memory_space<hbm>>
      tpu.enqueue_dma source(%dma_start3A_189 : memref<128x64xf32, #tpu.memory_space<hbm>>) target(%arg11 : memref<128x64xf32, #tpu.memory_space<vmem>>) target_semaphore(%run_scoped3A : memref<!tpu.dma_semaphore, #tpu.memory_space<semaphore_mem>>)
      %dma_wait3A_190 = arith.constant 0 : i32
      %dma_wait3A_191 = tpu.memref_slice %arg4[%arg0, %add3A_33, %dma_wait3A_190] : memref<2x10240x64xf32, #tpu.memory_space<hbm>> -> memref<1x128x64xf32, #tpu.memory_space<hbm>>
      %dma_wait3A_192 = tpu.memref_squeeze %dma_wait3A_191 : memref<1x128x64xf32, #tpu.memory_space<hbm>> -> memref<128x64xf32, #tpu.memory_space<hbm>>
      %dma_wait3A_193 = arith.constant 0 : i32
      %dma_wait3A_194 = tpu.memref_slice %arg4[%arg0, %add3A_33, %dma_wait3A_193] : memref<2x10240x64xf32, #tpu.memory_space<hbm>> -> memref<1x128x64xf32, #tpu.memory_space<hbm>>
      %dma_wait3A_195 = tpu.memref_squeeze %dma_wait3A_194 : memref<1x128x64xf32, #tpu.memory_space<hbm>> -> memref<128x64xf32, #tpu.memory_space<hbm>>
      tpu.wait_dma2 semaphore(%run_scoped3A : memref<!tpu.dma_semaphore, #tpu.memory_space<semaphore_mem>>) src(%dma_wait3A_195 : memref<128x64xf32, #tpu.memory_space<hbm>>) dst(%arg11 : memref<128x64xf32, #tpu.memory_space<vmem>>)
      tpu.yield
    }) : () -> ()
    "tpu.region"() ({
      %run_scoped3A = tpu.sem_alloc : memref<!tpu.dma_semaphore, #tpu.memory_space<semaphore_mem>>
      %dma_start3A_184 = arith.constant 0 : i32
      %dma_start3A_185 = tpu.memref_slice %arg15[%add3A_33, %dma_start3A_184] : memref<10240x64xf32, #tpu.memory_space<vmem_shared>> -> memref<128x64xf32, #tpu.memory_space<vmem_shared>>
      %dma_start3A_186 = arith.constant 0 : i32
      %dma_start3A_187 = tpu.memref_slice %arg15[%add3A_33, %dma_start3A_186] : memref<10240x64xf32, #tpu.memory_space<vmem_shared>> -> memref<128x64xf32, #tpu.memory_space<vmem_shared>>
      tpu.enqueue_dma source(%arg11 : memref<128x64xf32, #tpu.memory_space<vmem>>) target(%dma_start3A_187 : memref<128x64xf32, #tpu.memory_space<vmem_shared>>) target_semaphore(%run_scoped3A : memref<!tpu.dma_semaphore, #tpu.memory_space<semaphore_mem>>)
      %dma_wait3A_188 = arith.constant 0 : i32
      %dma_wait3A_189 = tpu.memref_slice %arg15[%add3A_33, %dma_wait3A_188] : memref<10240x64xf32, #tpu.memory_space<vmem_shared>> -> memref<128x64xf32, #tpu.memory_space<vmem_shared>>
      %dma_wait3A_190 = arith.constant 0 : i32
      %dma_wait3A_191 = tpu.memref_slice %arg15[%add3A_33, %dma_wait3A_190] : memref<10240x64xf32, #tpu.memory_space<vmem_shared>> -> memref<128x64xf32, #tpu.memory_space<vmem_shared>>
      tpu.wait_dma2 semaphore(%run_scoped3A : memref<!tpu.dma_semaphore, #tpu.memory_space<semaphore_mem>>) src(%arg11 : memref<128x64xf32, #tpu.memory_space<vmem>>) dst(%dma_wait3A_191 : memref<128x64xf32, #tpu.memory_space<vmem_shared>>)
      tpu.yield
    }) : () -> ()
    %mul3A_34 = arith.constant 640 : i32
    %mul3A_35 = arith.muli %arg1, %mul3A_34 : i32
    %add3A_36 = arith.constant 512 : i32
    %add3A_37 = arith.addi %mul3A_35, %add3A_36 : i32
    "tpu.region"() ({
      %run_scoped3A = tpu.sem_alloc : memref<!tpu.dma_semaphore, #tpu.memory_space<semaphore_mem>>
      %dma_start3A_184 = arith.constant 0 : i32
      %dma_start3A_185 = tpu.memref_slice %arg4[%arg0, %add3A_37, %dma_start3A_184] : memref<2x10240x64xf32, #tpu.memory_space<hbm>> -> memref<1x128x64xf32, #tpu.memory_space<hbm>>
      %dma_start3A_186 = tpu.memref_squeeze %dma_start3A_185 : memref<1x128x64xf32, #tpu.memory_space<hbm>> -> memref<128x64xf32, #tpu.memory_space<hbm>>
      %dma_start3A_187 = arith.constant 0 : i32
      %dma_start3A_188 = tpu.memref_slice %arg4[%arg0, %add3A_37, %dma_start3A_187] : memref<2x10240x64xf32, #tpu.memory_space<hbm>> -> memref<1x128x64xf32, #tpu.memory_space<hbm>>
      %dma_start3A_189 = tpu.memref_squeeze %dma_start3A_188 : memref<1x128x64xf32, #tpu.memory_space<hbm>> -> memref<128x64xf32, #tpu.memory_space<hbm>>
      tpu.enqueue_dma source(%dma_start3A_189 : memref<128x64xf32, #tpu.memory_space<hbm>>) target(%arg11 : memref<128x64xf32, #tpu.memory_space<vmem>>) target_semaphore(%run_scoped3A : memref<!tpu.dma_semaphore, #tpu.memory_space<semaphore_mem>>)
      %dma_wait3A_190 = arith.constant 0 : i32
      %dma_wait3A_191 = tpu.memref_slice %arg4[%arg0, %add3A_37, %dma_wait3A_190] : memref<2x10240x64xf32, #tpu.memory_space<hbm>> -> memref<1x128x64xf32, #tpu.memory_space<hbm>>
      %dma_wait3A_192 = tpu.memref_squeeze %dma_wait3A_191 : memref<1x128x64xf32, #tpu.memory_space<hbm>> -> memref<128x64xf32, #tpu.memory_space<hbm>>
      %dma_wait3A_193 = arith.constant 0 : i32
      %dma_wait3A_194 = tpu.memref_slice %arg4[%arg0, %add3A_37, %dma_wait3A_193] : memref<2x10240x64xf32, #tpu.memory_space<hbm>> -> memref<1x128x64xf32, #tpu.memory_space<hbm>>
      %dma_wait3A_195 = tpu.memref_squeeze %dma_wait3A_194 : memref<1x128x64xf32, #tpu.memory_space<hbm>> -> memref<128x64xf32, #tpu.memory_space<hbm>>
      tpu.wait_dma2 semaphore(%run_scoped3A : memref<!tpu.dma_semaphore, #tpu.memory_space<semaphore_mem>>) src(%dma_wait3A_195 : memref<128x64xf32, #tpu.memory_space<hbm>>) dst(%arg11 : memref<128x64xf32, #tpu.memory_space<vmem>>)
      tpu.yield
    }) : () -> ()
    "tpu.region"() ({
      %run_scoped3A = tpu.sem_alloc : memref<!tpu.dma_semaphore, #tpu.memory_space<semaphore_mem>>
      %dma_start3A_184 = arith.constant 0 : i32
      %dma_start3A_185 = tpu.memref_slice %arg15[%add3A_37, %dma_start3A_184] : memref<10240x64xf32, #tpu.memory_space<vmem_shared>> -> memref<128x64xf32, #tpu.memory_space<vmem_shared>>
      %dma_start3A_186 = arith.constant 0 : i32
      %dma_start3A_187 = tpu.memref_slice %arg15[%add3A_37, %dma_start3A_186] : memref<10240x64xf32, #tpu.memory_space<vmem_shared>> -> memref<128x64xf32, #tpu.memory_space<vmem_shared>>
      tpu.enqueue_dma source(%arg11 : memref<128x64xf32, #tpu.memory_space<vmem>>) target(%dma_start3A_187 : memref<128x64xf32, #tpu.memory_space<vmem_shared>>) target_semaphore(%run_scoped3A : memref<!tpu.dma_semaphore, #tpu.memory_space<semaphore_mem>>)
      %dma_wait3A_188 = arith.constant 0 : i32
      %dma_wait3A_189 = tpu.memref_slice %arg15[%add3A_37, %dma_wait3A_188] : memref<10240x64xf32, #tpu.memory_space<vmem_shared>> -> memref<128x64xf32, #tpu.memory_space<vmem_shared>>
      %dma_wait3A_190 = arith.constant 0 : i32
      %dma_wait3A_191 = tpu.memref_slice %arg15[%add3A_37, %dma_wait3A_190] : memref<10240x64xf32, #tpu.memory_space<vmem_shared>> -> memref<128x64xf32, #tpu.memory_space<vmem_shared>>
      tpu.wait_dma2 semaphore(%run_scoped3A : memref<!tpu.dma_semaphore, #tpu.memory_space<semaphore_mem>>) src(%arg11 : memref<128x64xf32, #tpu.memory_space<vmem>>) dst(%dma_wait3A_191 : memref<128x64xf32, #tpu.memory_space<vmem_shared>>)
      tpu.yield
    }) : () -> ()
    "tpu.region"() ({
      %run_scoped3A = tpu.sem_alloc : memref<!tpu.dma_semaphore, #tpu.memory_space<semaphore_mem>>
      %dma_start3A_184 = arith.constant 0 : i32
      %dma_start3A_185 = tpu.memref_slice %arg6[%arg0, %dma_start3A_184] : memref<2x64xf32, #tpu.memory_space<hbm>> -> memref<1x64xf32, #tpu.memory_space<hbm>>
      %dma_start3A_186 = tpu.memref_squeeze %dma_start3A_185 : memref<1x64xf32, #tpu.memory_space<hbm>> -> memref<64xf32, #tpu.memory_space<hbm>>
      %dma_start3A_187 = arith.constant 0 : i32
      %dma_start3A_188 = tpu.memref_slice %arg6[%arg0, %dma_start3A_187] : memref<2x64xf32, #tpu.memory_space<hbm>> -> memref<1x64xf32, #tpu.memory_space<hbm>>
      %dma_start3A_189 = tpu.memref_squeeze %dma_start3A_188 : memref<1x64xf32, #tpu.memory_space<hbm>> -> memref<64xf32, #tpu.memory_space<hbm>>
      tpu.enqueue_dma source(%dma_start3A_189 : memref<64xf32, #tpu.memory_space<hbm>>) target(%arg14 : memref<64xf32, #tpu.memory_space<vmem>>) target_semaphore(%run_scoped3A : memref<!tpu.dma_semaphore, #tpu.memory_space<semaphore_mem>>)
      %dma_wait3A_190 = arith.constant 0 : i32
      %dma_wait3A_191 = tpu.memref_slice %arg6[%arg0, %dma_wait3A_190] : memref<2x64xf32, #tpu.memory_space<hbm>> -> memref<1x64xf32, #tpu.memory_space<hbm>>
      %dma_wait3A_192 = tpu.memref_squeeze %dma_wait3A_191 : memref<1x64xf32, #tpu.memory_space<hbm>> -> memref<64xf32, #tpu.memory_space<hbm>>
      %dma_wait3A_193 = arith.constant 0 : i32
      %dma_wait3A_194 = tpu.memref_slice %arg6[%arg0, %dma_wait3A_193] : memref<2x64xf32, #tpu.memory_space<hbm>> -> memref<1x64xf32, #tpu.memory_space<hbm>>
      %dma_wait3A_195 = tpu.memref_squeeze %dma_wait3A_194 : memref<1x64xf32, #tpu.memory_space<hbm>> -> memref<64xf32, #tpu.memory_space<hbm>>
      tpu.wait_dma2 semaphore(%run_scoped3A : memref<!tpu.dma_semaphore, #tpu.memory_space<semaphore_mem>>) src(%dma_wait3A_195 : memref<64xf32, #tpu.memory_space<hbm>>) dst(%arg14 : memref<64xf32, #tpu.memory_space<vmem>>)
      tpu.yield
    }) : () -> ()
    %broadcast_in_dim3A = arith.constant 0 : i32
    %broadcast_in_dim3A_38 = vector.broadcast %broadcast_in_dim3A : i32 to vector<16xi32>
    %swap3A = arith.constant 80 : i32
    %swap3A_39 = arith.index_cast %swap3A : i32 to index
    %swap3A_40 = arith.constant 0 : index
    %swap3A_41 = tpu.vector_load %arg9[%swap3A_39, %swap3A_40] {strides = array<i32>} : memref<81x128xi32, #tpu.memory_space<vmem>>, vector<1x16xi32>,
    %swap3A_42 = vector.shape_cast %swap3A_41 : vector<1x16xi32> to vector<16xi32>
    %swap3A_43 = vector.shape_cast %broadcast_in_dim3A_38 : vector<16xi32> to vector<1x16xi32>
    tpu.vector_store %arg9[%swap3A_39, %swap3A_40], %swap3A_43 {strides = array<i32>} : memref<81x128xi32, #tpu.memory_space<vmem>>, vector<1x16xi32>,
    %swap3A_44 = arith.constant 80 : i32
    %swap3A_45 = arith.index_cast %swap3A_44 : i32 to index
    %swap3A_46 = arith.constant 16 : index
    %swap3A_47 = tpu.vector_load %arg9[%swap3A_45, %swap3A_46] {strides = array<i32>} : memref<81x128xi32, #tpu.memory_space<vmem>>, vector<1x16xi32>,
    %swap3A_48 = vector.shape_cast %swap3A_47 : vector<1x16xi32> to vector<16xi32>
    %swap3A_49 = vector.shape_cast %broadcast_in_dim3A_38 : vector<16xi32> to vector<1x16xi32>
    tpu.vector_store %arg9[%swap3A_45, %swap3A_46], %swap3A_49 {strides = array<i32>} : memref<81x128xi32, #tpu.memory_space<vmem>>, vector<1x16xi32>,
    %swap3A_50 = arith.constant 80 : i32
    %swap3A_51 = arith.index_cast %swap3A_50 : i32 to index
    %swap3A_52 = arith.constant 32 : index
    %swap3A_53 = tpu.vector_load %arg9[%swap3A_51, %swap3A_52] {strides = array<i32>} : memref<81x128xi32, #tpu.memory_space<vmem>>, vector<1x16xi32>,
    %swap3A_54 = vector.shape_cast %swap3A_53 : vector<1x16xi32> to vector<16xi32>
    %swap3A_55 = vector.shape_cast %broadcast_in_dim3A_38 : vector<16xi32> to vector<1x16xi32>
    tpu.vector_store %arg9[%swap3A_51, %swap3A_52], %swap3A_55 {strides = array<i32>} : memref<81x128xi32, #tpu.memory_space<vmem>>, vector<1x16xi32>,
    %swap3A_56 = arith.constant 80 : i32
    %swap3A_57 = arith.index_cast %swap3A_56 : i32 to index
    %swap3A_58 = arith.constant 48 : index
    %swap3A_59 = tpu.vector_load %arg9[%swap3A_57, %swap3A_58] {strides = array<i32>} : memref<81x128xi32, #tpu.memory_space<vmem>>, vector<1x16xi32>,
    %swap3A_60 = vector.shape_cast %swap3A_59 : vector<1x16xi32> to vector<16xi32>
    %swap3A_61 = vector.shape_cast %broadcast_in_dim3A_38 : vector<16xi32> to vector<1x16xi32>
    tpu.vector_store %arg9[%swap3A_57, %swap3A_58], %swap3A_61 {strides = array<i32>} : memref<81x128xi32, #tpu.memory_space<vmem>>, vector<1x16xi32>,
    %swap3A_62 = arith.constant 80 : i32
    %swap3A_63 = arith.index_cast %swap3A_62 : i32 to index
    %swap3A_64 = arith.constant 64 : index
    %swap3A_65 = tpu.vector_load %arg9[%swap3A_63, %swap3A_64] {strides = array<i32>} : memref<81x128xi32, #tpu.memory_space<vmem>>, vector<1x16xi32>,
    %swap3A_66 = vector.shape_cast %swap3A_65 : vector<1x16xi32> to vector<16xi32>
    %swap3A_67 = vector.shape_cast %broadcast_in_dim3A_38 : vector<16xi32> to vector<1x16xi32>
    tpu.vector_store %arg9[%swap3A_63, %swap3A_64], %swap3A_67 {strides = array<i32>} : memref<81x128xi32, #tpu.memory_space<vmem>>, vector<1x16xi32>,
    %swap3A_68 = arith.constant 80 : i32
    %swap3A_69 = arith.index_cast %swap3A_68 : i32 to index
    %swap3A_70 = arith.constant 80 : index
    %swap3A_71 = tpu.vector_load %arg9[%swap3A_69, %swap3A_70] {strides = array<i32>} : memref<81x128xi32, #tpu.memory_space<vmem>>, vector<1x16xi32>,
    %swap3A_72 = vector.shape_cast %swap3A_71 : vector<1x16xi32> to vector<16xi32>
    %swap3A_73 = vector.shape_cast %broadcast_in_dim3A_38 : vector<16xi32> to vector<1x16xi32>
    tpu.vector_store %arg9[%swap3A_69, %swap3A_70], %swap3A_73 {strides = array<i32>} : memref<81x128xi32, #tpu.memory_space<vmem>>, vector<1x16xi32>,
    %swap3A_74 = arith.constant 80 : i32
    %swap3A_75 = arith.index_cast %swap3A_74 : i32 to index
    %swap3A_76 = arith.constant 96 : index
    %swap3A_77 = tpu.vector_load %arg9[%swap3A_75, %swap3A_76] {strides = array<i32>} : memref<81x128xi32, #tpu.memory_space<vmem>>, vector<1x16xi32>,
    %swap3A_78 = vector.shape_cast %swap3A_77 : vector<1x16xi32> to vector<16xi32>
    %swap3A_79 = vector.shape_cast %broadcast_in_dim3A_38 : vector<16xi32> to vector<1x16xi32>
    tpu.vector_store %arg9[%swap3A_75, %swap3A_76], %swap3A_79 {strides = array<i32>} : memref<81x128xi32, #tpu.memory_space<vmem>>, vector<1x16xi32>,
    %swap3A_80 = arith.constant 80 : i32
    %swap3A_81 = arith.index_cast %swap3A_80 : i32 to index
    %swap3A_82 = arith.constant 112 : index
    %swap3A_83 = tpu.vector_load %arg9[%swap3A_81, %swap3A_82] {strides = array<i32>} : memref<81x128xi32, #tpu.memory_space<vmem>>, vector<1x16xi32>,
    %swap3A_84 = vector.shape_cast %swap3A_83 : vector<1x16xi32> to vector<16xi32>
    %swap3A_85 = vector.shape_cast %broadcast_in_dim3A_38 : vector<16xi32> to vector<1x16xi32>
    tpu.vector_store %arg9[%swap3A_81, %swap3A_82], %swap3A_85 {strides = array<i32>} : memref<81x128xi32, #tpu.memory_space<vmem>>, vector<1x16xi32>,
    %barrier3A = arith.constant 0 : index
    tpu.barrier barrier_id(%barrier3A)
    "tpu.region"() ({
      %run_scoped3A = tpu.sem_alloc : memref<!tpu.dma_semaphore, #tpu.memory_space<semaphore_mem>>
      %dma_start3A_184 = arith.constant 0 : i32
      %dma_start3A_185 = arith.constant 0 : i32
      %dma_start3A_186 = tpu.memref_slice %arg9[%dma_start3A_184, %dma_start3A_185] : memref<81x128xi32, #tpu.memory_space<vmem>> -> memref<80x128xi32, #tpu.memory_space<vmem>>
      %dma_start3A_187 = arith.constant 0 : i32
      %dma_start3A_188 = arith.constant 0 : i32
      %dma_start3A_189 = tpu.memref_slice %arg2[%arg1, %dma_start3A_187, %dma_start3A_188] : memref<16x160x128xi32, #tpu.memory_space<hbm>> -> memref<1x80x128xi32, #tpu.memory_space<hbm>>
      %dma_start3A_190 = tpu.memref_squeeze %dma_start3A_189 : memref<1x80x128xi32, #tpu.memory_space<hbm>> -> memref<80x128xi32, #tpu.memory_space<hbm>>
      %dma_start3A_191 = arith.constant 0 : i32
      %dma_start3A_192 = arith.constant 0 : i32
      %dma_start3A_193 = tpu.memref_slice %arg9[%dma_start3A_191, %dma_start3A_192] : memref<81x128xi32, #tpu.memory_space<vmem>> -> memref<80x128xi32, #tpu.memory_space<vmem>>
      %dma_start3A_194 = arith.constant 0 : i32
      %dma_start3A_195 = arith.constant 0 : i32
      %dma_start3A_196 = tpu.memref_slice %arg2[%arg1, %dma_start3A_194, %dma_start3A_195] : memref<16x160x128xi32, #tpu.memory_space<hbm>> -> memref<1x80x128xi32, #tpu.memory_space<hbm>>
      %dma_start3A_197 = tpu.memref_squeeze %dma_start3A_196 : memref<1x80x128xi32, #tpu.memory_space<hbm>> -> memref<80x128xi32, #tpu.memory_space<hbm>>
      tpu.enqueue_dma source(%dma_start3A_197 : memref<80x128xi32, #tpu.memory_space<hbm>>) target(%dma_start3A_193 : memref<80x128xi32, #tpu.memory_space<vmem>>) target_semaphore(%run_scoped3A : memref<!tpu.dma_semaphore, #tpu.memory_space<semaphore_mem>>)
      %dma_wait3A_198 = arith.constant 0 : i32
      %dma_wait3A_199 = arith.constant 0 : i32
      %dma_wait3A_200 = tpu.memref_slice %arg9[%dma_wait3A_198, %dma_wait3A_199] : memref<81x128xi32, #tpu.memory_space<vmem>> -> memref<80x128xi32, #tpu.memory_space<vmem>>
      %dma_wait3A_201 = arith.constant 0 : i32
      %dma_wait3A_202 = arith.constant 0 : i32
      %dma_wait3A_203 = tpu.memref_slice %arg2[%arg1, %dma_wait3A_201, %dma_wait3A_202] : memref<16x160x128xi32, #tpu.memory_space<hbm>> -> memref<1x80x128xi32, #tpu.memory_space<hbm>>
      %dma_wait3A_204 = tpu.memref_squeeze %dma_wait3A_203 : memref<1x80x128xi32, #tpu.memory_space<hbm>> -> memref<80x128xi32, #tpu.memory_space<hbm>>
      %dma_wait3A_205 = arith.constant 0 : i32
      %dma_wait3A_206 = arith.constant 0 : i32
      %dma_wait3A_207 = tpu.memref_slice %arg9[%dma_wait3A_205, %dma_wait3A_206] : memref<81x128xi32, #tpu.memory_space<vmem>> -> memref<80x128xi32, #tpu.memory_space<vmem>>
      %dma_wait3A_208 = arith.constant 0 : i32
      %dma_wait3A_209 = arith.constant 0 : i32
      %dma_wait3A_210 = tpu.memref_slice %arg2[%arg1, %dma_wait3A_208, %dma_wait3A_209] : memref<16x160x128xi32, #tpu.memory_space<hbm>> -> memref<1x80x128xi32, #tpu.memory_space<hbm>>
      %dma_wait3A_211 = tpu.memref_squeeze %dma_wait3A_210 : memref<1x80x128xi32, #tpu.memory_space<hbm>> -> memref<80x128xi32, #tpu.memory_space<hbm>>
      tpu.wait_dma2 semaphore(%run_scoped3A : memref<!tpu.dma_semaphore, #tpu.memory_space<semaphore_mem>>) src(%dma_wait3A_211 : memref<80x128xi32, #tpu.memory_space<hbm>>) dst(%dma_wait3A_207 : memref<80x128xi32, #tpu.memory_space<vmem>>)
      tpu.yield
    }) : () -> ()
    "tpu.region"() ({
      %run_scoped3A = tpu.sem_alloc : memref<!tpu.dma_semaphore, #tpu.memory_space<semaphore_mem>>
      %dma_start3A_184 = arith.constant 0 : i32
      %dma_start3A_185 = arith.constant 0 : i32
      %dma_start3A_186 = tpu.memref_slice %arg3[%arg1, %dma_start3A_184, %dma_start3A_185] : memref<16x160x128xi32, #tpu.memory_space<hbm>> -> memref<1x80x128xi32, #tpu.memory_space<hbm>>
      %dma_start3A_187 = tpu.memref_squeeze %dma_start3A_186 : memref<1x80x128xi32, #tpu.memory_space<hbm>> -> memref<80x128xi32, #tpu.memory_space<hbm>>
      %dma_start3A_188 = arith.constant 0 : i32
      %dma_start3A_189 = arith.constant 0 : i32
      %dma_start3A_190 = tpu.memref_slice %arg3[%arg1, %dma_start3A_188, %dma_start3A_189] : memref<16x160x128xi32, #tpu.memory_space<hbm>> -> memref<1x80x128xi32, #tpu.memory_space<hbm>>
      %dma_start3A_191 = tpu.memref_squeeze %dma_start3A_190 : memref<1x80x128xi32, #tpu.memory_space<hbm>> -> memref<80x128xi32, #tpu.memory_space<hbm>>
      tpu.enqueue_dma source(%dma_start3A_191 : memref<80x128xi32, #tpu.memory_space<hbm>>) target(%arg10 : memref<80x128xi32, #tpu.memory_space<vmem>>) target_semaphore(%run_scoped3A : memref<!tpu.dma_semaphore, #tpu.memory_space<semaphore_mem>>)
      %dma_wait3A_192 = arith.constant 0 : i32
      %dma_wait3A_193 = arith.constant 0 : i32
      %dma_wait3A_194 = tpu.memref_slice %arg3[%arg1, %dma_wait3A_192, %dma_wait3A_193] : memref<16x160x128xi32, #tpu.memory_space<hbm>> -> memref<1x80x128xi32, #tpu.memory_space<hbm>>
      %dma_wait3A_195 = tpu.memref_squeeze %dma_wait3A_194 : memref<1x80x128xi32, #tpu.memory_space<hbm>> -> memref<80x128xi32, #tpu.memory_space<hbm>>
      %dma_wait3A_196 = arith.constant 0 : i32
      %dma_wait3A_197 = arith.constant 0 : i32
      %dma_wait3A_198 = tpu.memref_slice %arg3[%arg1, %dma_wait3A_196, %dma_wait3A_197] : memref<16x160x128xi32, #tpu.memory_space<hbm>> -> memref<1x80x128xi32, #tpu.memory_space<hbm>>
      %dma_wait3A_199 = tpu.memref_squeeze %dma_wait3A_198 : memref<1x80x128xi32, #tpu.memory_space<hbm>> -> memref<80x128xi32, #tpu.memory_space<hbm>>
      tpu.wait_dma2 semaphore(%run_scoped3A : memref<!tpu.dma_semaphore, #tpu.memory_space<semaphore_mem>>) src(%dma_wait3A_199 : memref<80x128xi32, #tpu.memory_space<hbm>>) dst(%arg10 : memref<80x128xi32, #tpu.memory_space<vmem>>)
      tpu.yield
    }) : () -> ()
    %dma_start3A = arith.constant 0 : i32
    %dma_start3A_86 = arith.constant 0 : i32
    %dma_start3A_87 = tpu.memref_slice %arg9[%dma_start3A, %dma_start3A_86] : memref<81x128xi32, #tpu.memory_space<vmem>> -> memref<1x128xi32, #tpu.memory_space<vmem>>
    %dma_start3A_88 = tpu.memref_squeeze %dma_start3A_87 : memref<1x128xi32, #tpu.memory_space<vmem>> -> memref<128xi32, #tpu.memory_space<vmem>>
    %dma_start3A_89 = arith.constant 0 : i32
    %dma_start3A_90 = arith.constant 0 : i32
    %dma_start3A_91 = tpu.memref_slice %arg15[%dma_start3A_89, %dma_start3A_90] : memref<10240x64xf32, #tpu.memory_space<vmem_shared>> -> memref<10240x64xf32, #tpu.memory_space<vmem_shared>>
    tpu.enqueue_indirect_dma source(%dma_start3A_91 : memref<10240x64xf32, #tpu.memory_space<vmem_shared>>) target(%arg11 : memref<128x64xf32, #tpu.memory_space<vmem>>) offsets(%dma_start3A_88 : memref<128xi32, #tpu.memory_space<vmem>>) semaphore(%arg17 : memref<!tpu.dma_semaphore, #tpu.memory_space<semaphore_mem>>)
    %scan3A = arith.constant 0 : i32
    %scan3A_92 = arith.constant 0 : i32
    %scan3A_93 = arith.constant 40 : i32
    %scan3A_94 = arith.addi %scan3A_92, %scan3A_93 : i32
    %scan3A_95 = arith.constant 1 : i32
    scf.for %scan3A_184 = %scan3A_92 to %scan3A_94 step %scan3A_95  : i32 {
      %mul3A_185 = arith.constant 2 : i32
      %mul3A_186 = arith.muli %scan3A_184, %mul3A_185 : i32
      %dma_wait3A_187 = arith.constant 0 : i32
      %dma_wait3A_188 = arith.constant 0 : i32
      %dma_wait3A_189 = tpu.memref_slice %arg9[%dma_wait3A_187, %dma_wait3A_188] : memref<81x128xi32, #tpu.memory_space<vmem>> -> memref<1x128xi32, #tpu.memory_space<vmem>>
      %dma_wait3A_190 = tpu.memref_squeeze %dma_wait3A_189 : memref<1x128xi32, #tpu.memory_space<vmem>> -> memref<128xi32, #tpu.memory_space<vmem>>
      %dma_wait3A_191 = arith.constant 0 : i32
      %dma_wait3A_192 = arith.constant 0 : i32
      %dma_wait3A_193 = tpu.memref_slice %arg15[%dma_wait3A_191, %dma_wait3A_192] : memref<10240x64xf32, #tpu.memory_space<vmem_shared>> -> memref<10240x64xf32, #tpu.memory_space<vmem_shared>>
      tpu.wait_indirect_dma semaphore(%arg17 : memref<!tpu.dma_semaphore, #tpu.memory_space<semaphore_mem>>) src(%dma_wait3A_193 : memref<10240x64xf32, #tpu.memory_space<vmem_shared>>) dst(%arg11 : memref<128x64xf32, #tpu.memory_space<vmem>>)
      %add3A_194 = arith.constant 1 : i32
      %add3A_195 = arith.addi %mul3A_186, %add3A_194 : i32
      %dma_start3A_196 = arith.constant 0 : i32
      %dma_start3A_197 = tpu.memref_slice %arg9[%add3A_195, %dma_start3A_196] : memref<81x128xi32, #tpu.memory_space<vmem>> -> memref<1x128xi32, #tpu.memory_space<vmem>>
      %dma_start3A_198 = tpu.memref_squeeze %dma_start3A_197 : memref<1x128xi32, #tpu.memory_space<vmem>> -> memref<128xi32, #tpu.memory_space<vmem>>
      %dma_start3A_199 = arith.constant 0 : i32
      %dma_start3A_200 = arith.constant 0 : i32
      %dma_start3A_201 = tpu.memref_slice %arg15[%dma_start3A_199, %dma_start3A_200] : memref<10240x64xf32, #tpu.memory_space<vmem_shared>> -> memref<10240x64xf32, #tpu.memory_space<vmem_shared>>
      tpu.enqueue_indirect_dma source(%dma_start3A_201 : memref<10240x64xf32, #tpu.memory_space<vmem_shared>>) target(%arg12 : memref<128x64xf32, #tpu.memory_space<vmem>>) offsets(%dma_start3A_198 : memref<128xi32, #tpu.memory_space<vmem>>) semaphore(%arg18 : memref<!tpu.dma_semaphore, #tpu.memory_space<semaphore_mem>>)
      "tpu.region"() ({
        %run_scoped3A = tpu.sem_alloc : memref<!tpu.dma_semaphore, #tpu.memory_space<semaphore_mem>>
        %dma_start3A_219 = arith.constant 0 : i32
        %dma_start3A_220 = tpu.memref_slice %arg10[%mul3A_186, %dma_start3A_219] : memref<80x128xi32, #tpu.memory_space<vmem>> -> memref<1x128xi32, #tpu.memory_space<vmem>>
        %dma_start3A_221 = tpu.memref_squeeze %dma_start3A_220 : memref<1x128xi32, #tpu.memory_space<vmem>> -> memref<128xi32, #tpu.memory_space<vmem>>
        %dma_start3A_222 = arith.constant 0 : i32
        %dma_start3A_223 = arith.constant 0 : i32
        %dma_start3A_224 = tpu.memref_slice %arg16[%dma_start3A_222, %dma_start3A_223] : memref<10240x64xf32, #tpu.memory_space<vmem_shared>> -> memref<10240x64xf32, #tpu.memory_space<vmem_shared>>
        tpu.enqueue_indirect_dma source(%arg11 : memref<128x64xf32, #tpu.memory_space<vmem>>) target(%dma_start3A_224 : memref<10240x64xf32, #tpu.memory_space<vmem_shared>>) offsets(%dma_start3A_221 : memref<128xi32, #tpu.memory_space<vmem>>) semaphore(%run_scoped3A : memref<!tpu.dma_semaphore, #tpu.memory_space<semaphore_mem>>) {add = true}
        %dma_wait3A_225 = arith.constant 0 : i32
        %dma_wait3A_226 = tpu.memref_slice %arg10[%mul3A_186, %dma_wait3A_225] : memref<80x128xi32, #tpu.memory_space<vmem>> -> memref<1x128xi32, #tpu.memory_space<vmem>>
        %dma_wait3A_227 = tpu.memref_squeeze %dma_wait3A_226 : memref<1x128xi32, #tpu.memory_space<vmem>> -> memref<128xi32, #tpu.memory_space<vmem>>
        %dma_wait3A_228 = arith.constant 0 : i32
        %dma_wait3A_229 = arith.constant 0 : i32
        %dma_wait3A_230 = tpu.memref_slice %arg16[%dma_wait3A_228, %dma_wait3A_229] : memref<10240x64xf32, #tpu.memory_space<vmem_shared>> -> memref<10240x64xf32, #tpu.memory_space<vmem_shared>>
        tpu.wait_indirect_dma semaphore(%run_scoped3A : memref<!tpu.dma_semaphore, #tpu.memory_space<semaphore_mem>>) src(%arg11 : memref<128x64xf32, #tpu.memory_space<vmem>>) dst(%dma_wait3A_230 : memref<10240x64xf32, #tpu.memory_space<vmem_shared>>)
        tpu.yield
      }) : () -> ()
      %dma_wait3A_202 = arith.constant 0 : i32
      %dma_wait3A_203 = arith.constant 0 : i32
      %dma_wait3A_204 = tpu.memref_slice %arg9[%dma_wait3A_202, %dma_wait3A_203] : memref<81x128xi32, #tpu.memory_space<vmem>> -> memref<1x128xi32, #tpu.memory_space<vmem>>
      %dma_wait3A_205 = tpu.memref_squeeze %dma_wait3A_204 : memref<1x128xi32, #tpu.memory_space<vmem>> -> memref<128xi32, #tpu.memory_space<vmem>>
      %dma_wait3A_206 = arith.constant 0 : i32
      %dma_wait3A_207 = arith.constant 0 : i32
      %dma_wait3A_208 = tpu.memref_slice %arg15[%dma_wait3A_206, %dma_wait3A_207] : memref<10240x64xf32, #tpu.memory_space<vmem_shared>> -> memref<10240x64xf32, #tpu.memory_space<vmem_shared>>
      tpu.wait_indirect_dma semaphore(%arg18 : memref<!tpu.dma_semaphore, #tpu.memory_space<semaphore_mem>>) src(%dma_wait3A_208 : memref<10240x64xf32, #tpu.memory_space<vmem_shared>>) dst(%arg12 : memref<128x64xf32, #tpu.memory_space<vmem>>)
      %add3A_209 = arith.constant 2 : i32
      %add3A_210 = arith.addi %mul3A_186, %add3A_209 : i32
      %dma_start3A_211 = arith.constant 0 : i32
      %dma_start3A_212 = tpu.memref_slice %arg9[%add3A_210, %dma_start3A_211] : memref<81x128xi32, #tpu.memory_space<vmem>> -> memref<1x128xi32, #tpu.memory_space<vmem>>
      %dma_start3A_213 = tpu.memref_squeeze %dma_start3A_212 : memref<1x128xi32, #tpu.memory_space<vmem>> -> memref<128xi32, #tpu.memory_space<vmem>>
      %dma_start3A_214 = arith.constant 0 : i32
      %dma_start3A_215 = arith.constant 0 : i32
      %dma_start3A_216 = tpu.memref_slice %arg15[%dma_start3A_214, %dma_start3A_215] : memref<10240x64xf32, #tpu.memory_space<vmem_shared>> -> memref<10240x64xf32, #tpu.memory_space<vmem_shared>>
      tpu.enqueue_indirect_dma source(%dma_start3A_216 : memref<10240x64xf32, #tpu.memory_space<vmem_shared>>) target(%arg11 : memref<128x64xf32, #tpu.memory_space<vmem>>) offsets(%dma_start3A_213 : memref<128xi32, #tpu.memory_space<vmem>>) semaphore(%arg17 : memref<!tpu.dma_semaphore, #tpu.memory_space<semaphore_mem>>)
      %add3A_217 = arith.constant 1 : i32
      %add3A_218 = arith.addi %mul3A_186, %add3A_217 : i32
      "tpu.region"() ({
        %run_scoped3A = tpu.sem_alloc : memref<!tpu.dma_semaphore, #tpu.memory_space<semaphore_mem>>
        %dma_start3A_219 = arith.constant 0 : i32
        %dma_start3A_220 = tpu.memref_slice %arg10[%add3A_218, %dma_start3A_219] : memref<80x128xi32, #tpu.memory_space<vmem>> -> memref<1x128xi32, #tpu.memory_space<vmem>>
        %dma_start3A_221 = tpu.memref_squeeze %dma_start3A_220 : memref<1x128xi32, #tpu.memory_space<vmem>> -> memref<128xi32, #tpu.memory_space<vmem>>
        %dma_start3A_222 = arith.constant 0 : i32
        %dma_start3A_223 = arith.constant 0 : i32
        %dma_start3A_224 = tpu.memref_slice %arg16[%dma_start3A_222, %dma_start3A_223] : memref<10240x64xf32, #tpu.memory_space<vmem_shared>> -> memref<10240x64xf32, #tpu.memory_space<vmem_shared>>
        tpu.enqueue_indirect_dma source(%arg12 : memref<128x64xf32, #tpu.memory_space<vmem>>) target(%dma_start3A_224 : memref<10240x64xf32, #tpu.memory_space<vmem_shared>>) offsets(%dma_start3A_221 : memref<128xi32, #tpu.memory_space<vmem>>) semaphore(%run_scoped3A : memref<!tpu.dma_semaphore, #tpu.memory_space<semaphore_mem>>) {add = true}
        %dma_wait3A_225 = arith.constant 0 : i32
        %dma_wait3A_226 = tpu.memref_slice %arg10[%add3A_218, %dma_wait3A_225] : memref<80x128xi32, #tpu.memory_space<vmem>> -> memref<1x128xi32, #tpu.memory_space<vmem>>
        %dma_wait3A_227 = tpu.memref_squeeze %dma_wait3A_226 : memref<1x128xi32, #tpu.memory_space<vmem>> -> memref<128xi32, #tpu.memory_space<vmem>>
        %dma_wait3A_228 = arith.constant 0 : i32
        %dma_wait3A_229 = arith.constant 0 : i32
        %dma_wait3A_230 = tpu.memref_slice %arg16[%dma_wait3A_228, %dma_wait3A_229] : memref<10240x64xf32, #tpu.memory_space<vmem_shared>> -> memref<10240x64xf32, #tpu.memory_space<vmem_shared>>
        tpu.wait_indirect_dma semaphore(%run_scoped3A : memref<!tpu.dma_semaphore, #tpu.memory_space<semaphore_mem>>) src(%arg12 : memref<128x64xf32, #tpu.memory_space<vmem>>) dst(%dma_wait3A_230 : memref<10240x64xf32, #tpu.memory_space<vmem_shared>>)
        tpu.yield
      }) : () -> ()
    }
    %scan3A_96 = arith.constant 40 : i32
    %dma_wait3A = arith.constant 0 : i32
    %dma_wait3A_97 = arith.constant 0 : i32
    %dma_wait3A_98 = tpu.memref_slice %arg9[%dma_wait3A, %dma_wait3A_97] : memref<81x128xi32, #tpu.memory_space<vmem>> -> memref<1x128xi32, #tpu.memory_space<vmem>>
    %dma_wait3A_99 = tpu.memref_squeeze %dma_wait3A_98 : memref<1x128xi32, #tpu.memory_space<vmem>> -> memref<128xi32, #tpu.memory_space<vmem>>
    %dma_wait3A_100 = arith.constant 0 : i32
    %dma_wait3A_101 = arith.constant 0 : i32
    %dma_wait3A_102 = tpu.memref_slice %arg15[%dma_wait3A_100, %dma_wait3A_101] : memref<10240x64xf32, #tpu.memory_space<vmem_shared>> -> memref<10240x64xf32, #tpu.memory_space<vmem_shared>>
    tpu.wait_indirect_dma semaphore(%arg17 : memref<!tpu.dma_semaphore, #tpu.memory_space<semaphore_mem>>) src(%dma_wait3A_102 : memref<10240x64xf32, #tpu.memory_space<vmem_shared>>) dst(%arg11 : memref<128x64xf32, #tpu.memory_space<vmem>>)
    "tpu.region"() ({
      %run_scoped3A = tpu.sem_alloc : memref<!tpu.dma_semaphore, #tpu.memory_space<semaphore_mem>>
      %dma_start3A_184 = arith.constant 0 : i32
      %dma_start3A_185 = arith.constant 0 : i32
      %dma_start3A_186 = tpu.memref_slice %arg9[%dma_start3A_184, %dma_start3A_185] : memref<81x128xi32, #tpu.memory_space<vmem>> -> memref<80x128xi32, #tpu.memory_space<vmem>>
      %dma_start3A_187 = arith.constant 80 : i32
      %dma_start3A_188 = arith.constant 0 : i32
      %dma_start3A_189 = tpu.memref_slice %arg2[%arg1, %dma_start3A_187, %dma_start3A_188] : memref<16x160x128xi32, #tpu.memory_space<hbm>> -> memref<1x80x128xi32, #tpu.memory_space<hbm>>
      %dma_start3A_190 = tpu.memref_squeeze %dma_start3A_189 : memref<1x80x128xi32, #tpu.memory_space<hbm>> -> memref<80x128xi32, #tpu.memory_space<hbm>>
      %dma_start3A_191 = arith.constant 0 : i32
      %dma_start3A_192 = arith.constant 0 : i32
      %dma_start3A_193 = tpu.memref_slice %arg9[%dma_start3A_191, %dma_start3A_192] : memref<81x128xi32, #tpu.memory_space<vmem>> -> memref<80x128xi32, #tpu.memory_space<vmem>>
      %dma_start3A_194 = arith.constant 80 : i32
      %dma_start3A_195 = arith.constant 0 : i32
      %dma_start3A_196 = tpu.memref_slice %arg2[%arg1, %dma_start3A_194, %dma_start3A_195] : memref<16x160x128xi32, #tpu.memory_space<hbm>> -> memref<1x80x128xi32, #tpu.memory_space<hbm>>
      %dma_start3A_197 = tpu.memref_squeeze %dma_start3A_196 : memref<1x80x128xi32, #tpu.memory_space<hbm>> -> memref<80x128xi32, #tpu.memory_space<hbm>>
      tpu.enqueue_dma source(%dma_start3A_197 : memref<80x128xi32, #tpu.memory_space<hbm>>) target(%dma_start3A_193 : memref<80x128xi32, #tpu.memory_space<vmem>>) target_semaphore(%run_scoped3A : memref<!tpu.dma_semaphore, #tpu.memory_space<semaphore_mem>>)
      %dma_wait3A_198 = arith.constant 0 : i32
      %dma_wait3A_199 = arith.constant 0 : i32
      %dma_wait3A_200 = tpu.memref_slice %arg9[%dma_wait3A_198, %dma_wait3A_199] : memref<81x128xi32, #tpu.memory_space<vmem>> -> memref<80x128xi32, #tpu.memory_space<vmem>>
      %dma_wait3A_201 = arith.constant 80 : i32
      %dma_wait3A_202 = arith.constant 0 : i32
      %dma_wait3A_203 = tpu.memref_slice %arg2[%arg1, %dma_wait3A_201, %dma_wait3A_202] : memref<16x160x128xi32, #tpu.memory_space<hbm>> -> memref<1x80x128xi32, #tpu.memory_space<hbm>>
      %dma_wait3A_204 = tpu.memref_squeeze %dma_wait3A_203 : memref<1x80x128xi32, #tpu.memory_space<hbm>> -> memref<80x128xi32, #tpu.memory_space<hbm>>
      %dma_wait3A_205 = arith.constant 0 : i32
      %dma_wait3A_206 = arith.constant 0 : i32
      %dma_wait3A_207 = tpu.memref_slice %arg9[%dma_wait3A_205, %dma_wait3A_206] : memref<81x128xi32, #tpu.memory_space<vmem>> -> memref<80x128xi32, #tpu.memory_space<vmem>>
      %dma_wait3A_208 = arith.constant 80 : i32
      %dma_wait3A_209 = arith.constant 0 : i32
      %dma_wait3A_210 = tpu.memref_slice %arg2[%arg1, %dma_wait3A_208, %dma_wait3A_209] : memref<16x160x128xi32, #tpu.memory_space<hbm>> -> memref<1x80x128xi32, #tpu.memory_space<hbm>>
      %dma_wait3A_211 = tpu.memref_squeeze %dma_wait3A_210 : memref<1x80x128xi32, #tpu.memory_space<hbm>> -> memref<80x128xi32, #tpu.memory_space<hbm>>
      tpu.wait_dma2 semaphore(%run_scoped3A : memref<!tpu.dma_semaphore, #tpu.memory_space<semaphore_mem>>) src(%dma_wait3A_211 : memref<80x128xi32, #tpu.memory_space<hbm>>) dst(%dma_wait3A_207 : memref<80x128xi32, #tpu.memory_space<vmem>>)
      tpu.yield
    }) : () -> ()
    "tpu.region"() ({
      %run_scoped3A = tpu.sem_alloc : memref<!tpu.dma_semaphore, #tpu.memory_space<semaphore_mem>>
      %dma_start3A_184 = arith.constant 80 : i32
      %dma_start3A_185 = arith.constant 0 : i32
      %dma_start3A_186 = tpu.memref_slice %arg3[%arg1, %dma_start3A_184, %dma_start3A_185] : memref<16x160x128xi32, #tpu.memory_space<hbm>> -> memref<1x80x128xi32, #tpu.memory_space<hbm>>
      %dma_start3A_187 = tpu.memref_squeeze %dma_start3A_186 : memref<1x80x128xi32, #tpu.memory_space<hbm>> -> memref<80x128xi32, #tpu.memory_space<hbm>>
      %dma_start3A_188 = arith.constant 80 : i32
      %dma_start3A_189 = arith.constant 0 : i32
      %dma_start3A_190 = tpu.memref_slice %arg3[%arg1, %dma_start3A_188, %dma_start3A_189] : memref<16x160x128xi32, #tpu.memory_space<hbm>> -> memref<1x80x128xi32, #tpu.memory_space<hbm>>
      %dma_start3A_191 = tpu.memref_squeeze %dma_start3A_190 : memref<1x80x128xi32, #tpu.memory_space<hbm>> -> memref<80x128xi32, #tpu.memory_space<hbm>>
      tpu.enqueue_dma source(%dma_start3A_191 : memref<80x128xi32, #tpu.memory_space<hbm>>) target(%arg10 : memref<80x128xi32, #tpu.memory_space<vmem>>) target_semaphore(%run_scoped3A : memref<!tpu.dma_semaphore, #tpu.memory_space<semaphore_mem>>)
      %dma_wait3A_192 = arith.constant 80 : i32
      %dma_wait3A_193 = arith.constant 0 : i32
      %dma_wait3A_194 = tpu.memref_slice %arg3[%arg1, %dma_wait3A_192, %dma_wait3A_193] : memref<16x160x128xi32, #tpu.memory_space<hbm>> -> memref<1x80x128xi32, #tpu.memory_space<hbm>>
      %dma_wait3A_195 = tpu.memref_squeeze %dma_wait3A_194 : memref<1x80x128xi32, #tpu.memory_space<hbm>> -> memref<80x128xi32, #tpu.memory_space<hbm>>
      %dma_wait3A_196 = arith.constant 80 : i32
      %dma_wait3A_197 = arith.constant 0 : i32
      %dma_wait3A_198 = tpu.memref_slice %arg3[%arg1, %dma_wait3A_196, %dma_wait3A_197] : memref<16x160x128xi32, #tpu.memory_space<hbm>> -> memref<1x80x128xi32, #tpu.memory_space<hbm>>
      %dma_wait3A_199 = tpu.memref_squeeze %dma_wait3A_198 : memref<1x80x128xi32, #tpu.memory_space<hbm>> -> memref<80x128xi32, #tpu.memory_space<hbm>>
      tpu.wait_dma2 semaphore(%run_scoped3A : memref<!tpu.dma_semaphore, #tpu.memory_space<semaphore_mem>>) src(%dma_wait3A_199 : memref<80x128xi32, #tpu.memory_space<hbm>>) dst(%arg10 : memref<80x128xi32, #tpu.memory_space<vmem>>)
      tpu.yield
    }) : () -> ()
    %dma_start3A_103 = arith.constant 0 : i32
    %dma_start3A_104 = arith.constant 0 : i32
    %dma_start3A_105 = tpu.memref_slice %arg9[%dma_start3A_103, %dma_start3A_104] : memref<81x128xi32, #tpu.memory_space<vmem>> -> memref<1x128xi32, #tpu.memory_space<vmem>>
    %dma_start3A_106 = tpu.memref_squeeze %dma_start3A_105 : memref<1x128xi32, #tpu.memory_space<vmem>> -> memref<128xi32, #tpu.memory_space<vmem>>
    %dma_start3A_107 = arith.constant 0 : i32
    %dma_start3A_108 = arith.constant 0 : i32
    %dma_start3A_109 = tpu.memref_slice %arg15[%dma_start3A_107, %dma_start3A_108] : memref<10240x64xf32, #tpu.memory_space<vmem_shared>> -> memref<10240x64xf32, #tpu.memory_space<vmem_shared>>
    tpu.enqueue_indirect_dma source(%dma_start3A_109 : memref<10240x64xf32, #tpu.memory_space<vmem_shared>>) target(%arg11 : memref<128x64xf32, #tpu.memory_space<vmem>>) offsets(%dma_start3A_106 : memref<128xi32, #tpu.memory_space<vmem>>) semaphore(%arg17 : memref<!tpu.dma_semaphore, #tpu.memory_space<semaphore_mem>>)
    %scan3A_110 = arith.constant 0 : i32
    %scan3A_111 = arith.constant 0 : i32
    %scan3A_112 = arith.constant 40 : i32
    %scan3A_113 = arith.addi %scan3A_111, %scan3A_112 : i32
    %scan3A_114 = arith.constant 1 : i32
    scf.for %scan3A_184 = %scan3A_111 to %scan3A_113 step %scan3A_114  : i32 {
      %mul3A_185 = arith.constant 2 : i32
      %mul3A_186 = arith.muli %scan3A_184, %mul3A_185 : i32
      %dma_wait3A_187 = arith.constant 0 : i32
      %dma_wait3A_188 = arith.constant 0 : i32
      %dma_wait3A_189 = tpu.memref_slice %arg9[%dma_wait3A_187, %dma_wait3A_188] : memref<81x128xi32, #tpu.memory_space<vmem>> -> memref<1x128xi32, #tpu.memory_space<vmem>>
      %dma_wait3A_190 = tpu.memref_squeeze %dma_wait3A_189 : memref<1x128xi32, #tpu.memory_space<vmem>> -> memref<128xi32, #tpu.memory_space<vmem>>
      %dma_wait3A_191 = arith.constant 0 : i32
      %dma_wait3A_192 = arith.constant 0 : i32
      %dma_wait3A_193 = tpu.memref_slice %arg15[%dma_wait3A_191, %dma_wait3A_192] : memref<10240x64xf32, #tpu.memory_space<vmem_shared>> -> memref<10240x64xf32, #tpu.memory_space<vmem_shared>>
      tpu.wait_indirect_dma semaphore(%arg17 : memref<!tpu.dma_semaphore, #tpu.memory_space<semaphore_mem>>) src(%dma_wait3A_193 : memref<10240x64xf32, #tpu.memory_space<vmem_shared>>) dst(%arg11 : memref<128x64xf32, #tpu.memory_space<vmem>>)
      %add3A_194 = arith.constant 1 : i32
      %add3A_195 = arith.addi %mul3A_186, %add3A_194 : i32
      %dma_start3A_196 = arith.constant 0 : i32
      %dma_start3A_197 = tpu.memref_slice %arg9[%add3A_195, %dma_start3A_196] : memref<81x128xi32, #tpu.memory_space<vmem>> -> memref<1x128xi32, #tpu.memory_space<vmem>>
      %dma_start3A_198 = tpu.memref_squeeze %dma_start3A_197 : memref<1x128xi32, #tpu.memory_space<vmem>> -> memref<128xi32, #tpu.memory_space<vmem>>
      %dma_start3A_199 = arith.constant 0 : i32
      %dma_start3A_200 = arith.constant 0 : i32
      %dma_start3A_201 = tpu.memref_slice %arg15[%dma_start3A_199, %dma_start3A_200] : memref<10240x64xf32, #tpu.memory_space<vmem_shared>> -> memref<10240x64xf32, #tpu.memory_space<vmem_shared>>
      tpu.enqueue_indirect_dma source(%dma_start3A_201 : memref<10240x64xf32, #tpu.memory_space<vmem_shared>>) target(%arg12 : memref<128x64xf32, #tpu.memory_space<vmem>>) offsets(%dma_start3A_198 : memref<128xi32, #tpu.memory_space<vmem>>) semaphore(%arg18 : memref<!tpu.dma_semaphore, #tpu.memory_space<semaphore_mem>>)
      "tpu.region"() ({
        %run_scoped3A = tpu.sem_alloc : memref<!tpu.dma_semaphore, #tpu.memory_space<semaphore_mem>>
        %dma_start3A_219 = arith.constant 0 : i32
        %dma_start3A_220 = tpu.memref_slice %arg10[%mul3A_186, %dma_start3A_219] : memref<80x128xi32, #tpu.memory_space<vmem>> -> memref<1x128xi32, #tpu.memory_space<vmem>>
        %dma_start3A_221 = tpu.memref_squeeze %dma_start3A_220 : memref<1x128xi32, #tpu.memory_space<vmem>> -> memref<128xi32, #tpu.memory_space<vmem>>
        %dma_start3A_222 = arith.constant 0 : i32
        %dma_start3A_223 = arith.constant 0 : i32
        %dma_start3A_224 = tpu.memref_slice %arg16[%dma_start3A_222, %dma_start3A_223] : memref<10240x64xf32, #tpu.memory_space<vmem_shared>> -> memref<10240x64xf32, #tpu.memory_space<vmem_shared>>
        tpu.enqueue_indirect_dma source(%arg11 : memref<128x64xf32, #tpu.memory_space<vmem>>) target(%dma_start3A_224 : memref<10240x64xf32, #tpu.memory_space<vmem_shared>>) offsets(%dma_start3A_221 : memref<128xi32, #tpu.memory_space<vmem>>) semaphore(%run_scoped3A : memref<!tpu.dma_semaphore, #tpu.memory_space<semaphore_mem>>) {add = true}
        %dma_wait3A_225 = arith.constant 0 : i32
        %dma_wait3A_226 = tpu.memref_slice %arg10[%mul3A_186, %dma_wait3A_225] : memref<80x128xi32, #tpu.memory_space<vmem>> -> memref<1x128xi32, #tpu.memory_space<vmem>>
        %dma_wait3A_227 = tpu.memref_squeeze %dma_wait3A_226 : memref<1x128xi32, #tpu.memory_space<vmem>> -> memref<128xi32, #tpu.memory_space<vmem>>
        %dma_wait3A_228 = arith.constant 0 : i32
        %dma_wait3A_229 = arith.constant 0 : i32
        %dma_wait3A_230 = tpu.memref_slice %arg16[%dma_wait3A_228, %dma_wait3A_229] : memref<10240x64xf32, #tpu.memory_space<vmem_shared>> -> memref<10240x64xf32, #tpu.memory_space<vmem_shared>>
        tpu.wait_indirect_dma semaphore(%run_scoped3A : memref<!tpu.dma_semaphore, #tpu.memory_space<semaphore_mem>>) src(%arg11 : memref<128x64xf32, #tpu.memory_space<vmem>>) dst(%dma_wait3A_230 : memref<10240x64xf32, #tpu.memory_space<vmem_shared>>)
        tpu.yield
      }) : () -> ()
      %dma_wait3A_202 = arith.constant 0 : i32
      %dma_wait3A_203 = arith.constant 0 : i32
      %dma_wait3A_204 = tpu.memref_slice %arg9[%dma_wait3A_202, %dma_wait3A_203] : memref<81x128xi32, #tpu.memory_space<vmem>> -> memref<1x128xi32, #tpu.memory_space<vmem>>
      %dma_wait3A_205 = tpu.memref_squeeze %dma_wait3A_204 : memref<1x128xi32, #tpu.memory_space<vmem>> -> memref<128xi32, #tpu.memory_space<vmem>>
      %dma_wait3A_206 = arith.constant 0 : i32
      %dma_wait3A_207 = arith.constant 0 : i32
      %dma_wait3A_208 = tpu.memref_slice %arg15[%dma_wait3A_206, %dma_wait3A_207] : memref<10240x64xf32, #tpu.memory_space<vmem_shared>> -> memref<10240x64xf32, #tpu.memory_space<vmem_shared>>
      tpu.wait_indirect_dma semaphore(%arg18 : memref<!tpu.dma_semaphore, #tpu.memory_space<semaphore_mem>>) src(%dma_wait3A_208 : memref<10240x64xf32, #tpu.memory_space<vmem_shared>>) dst(%arg12 : memref<128x64xf32, #tpu.memory_space<vmem>>)
      %add3A_209 = arith.constant 2 : i32
      %add3A_210 = arith.addi %mul3A_186, %add3A_209 : i32
      %dma_start3A_211 = arith.constant 0 : i32
      %dma_start3A_212 = tpu.memref_slice %arg9[%add3A_210, %dma_start3A_211] : memref<81x128xi32, #tpu.memory_space<vmem>> -> memref<1x128xi32, #tpu.memory_space<vmem>>
      %dma_start3A_213 = tpu.memref_squeeze %dma_start3A_212 : memref<1x128xi32, #tpu.memory_space<vmem>> -> memref<128xi32, #tpu.memory_space<vmem>>
      %dma_start3A_214 = arith.constant 0 : i32
      %dma_start3A_215 = arith.constant 0 : i32
      %dma_start3A_216 = tpu.memref_slice %arg15[%dma_start3A_214, %dma_start3A_215] : memref<10240x64xf32, #tpu.memory_space<vmem_shared>> -> memref<10240x64xf32, #tpu.memory_space<vmem_shared>>
      tpu.enqueue_indirect_dma source(%dma_start3A_216 : memref<10240x64xf32, #tpu.memory_space<vmem_shared>>) target(%arg11 : memref<128x64xf32, #tpu.memory_space<vmem>>) offsets(%dma_start3A_213 : memref<128xi32, #tpu.memory_space<vmem>>) semaphore(%arg17 : memref<!tpu.dma_semaphore, #tpu.memory_space<semaphore_mem>>)
      %add3A_217 = arith.constant 1 : i32
      %add3A_218 = arith.addi %mul3A_186, %add3A_217 : i32
      "tpu.region"() ({
        %run_scoped3A = tpu.sem_alloc : memref<!tpu.dma_semaphore, #tpu.memory_space<semaphore_mem>>
        %dma_start3A_219 = arith.constant 0 : i32
        %dma_start3A_220 = tpu.memref_slice %arg10[%add3A_218, %dma_start3A_219] : memref<80x128xi32, #tpu.memory_space<vmem>> -> memref<1x128xi32, #tpu.memory_space<vmem>>
        %dma_start3A_221 = tpu.memref_squeeze %dma_start3A_220 : memref<1x128xi32, #tpu.memory_space<vmem>> -> memref<128xi32, #tpu.memory_space<vmem>>
        %dma_start3A_222 = arith.constant 0 : i32
        %dma_start3A_223 = arith.constant 0 : i32
        %dma_start3A_224 = tpu.memref_slice %arg16[%dma_start3A_222, %dma_start3A_223] : memref<10240x64xf32, #tpu.memory_space<vmem_shared>> -> memref<10240x64xf32, #tpu.memory_space<vmem_shared>>
        tpu.enqueue_indirect_dma source(%arg12 : memref<128x64xf32, #tpu.memory_space<vmem>>) target(%dma_start3A_224 : memref<10240x64xf32, #tpu.memory_space<vmem_shared>>) offsets(%dma_start3A_221 : memref<128xi32, #tpu.memory_space<vmem>>) semaphore(%run_scoped3A : memref<!tpu.dma_semaphore, #tpu.memory_space<semaphore_mem>>) {add = true}
        %dma_wait3A_225 = arith.constant 0 : i32
        %dma_wait3A_226 = tpu.memref_slice %arg10[%add3A_218, %dma_wait3A_225] : memref<80x128xi32, #tpu.memory_space<vmem>> -> memref<1x128xi32, #tpu.memory_space<vmem>>
        %dma_wait3A_227 = tpu.memref_squeeze %dma_wait3A_226 : memref<1x128xi32, #tpu.memory_space<vmem>> -> memref<128xi32, #tpu.memory_space<vmem>>
        %dma_wait3A_228 = arith.constant 0 : i32
        %dma_wait3A_229 = arith.constant 0 : i32
        %dma_wait3A_230 = tpu.memref_slice %arg16[%dma_wait3A_228, %dma_wait3A_229] : memref<10240x64xf32, #tpu.memory_space<vmem_shared>> -> memref<10240x64xf32, #tpu.memory_space<vmem_shared>>
        tpu.wait_indirect_dma semaphore(%run_scoped3A : memref<!tpu.dma_semaphore, #tpu.memory_space<semaphore_mem>>) src(%arg12 : memref<128x64xf32, #tpu.memory_space<vmem>>) dst(%dma_wait3A_230 : memref<10240x64xf32, #tpu.memory_space<vmem_shared>>)
        tpu.yield
      }) : () -> ()
    }
    %scan3A_115 = arith.constant 40 : i32
    %dma_wait3A_116 = arith.constant 0 : i32
    %dma_wait3A_117 = arith.constant 0 : i32
    %dma_wait3A_118 = tpu.memref_slice %arg9[%dma_wait3A_116, %dma_wait3A_117] : memref<81x128xi32, #tpu.memory_space<vmem>> -> memref<1x128xi32, #tpu.memory_space<vmem>>
    %dma_wait3A_119 = tpu.memref_squeeze %dma_wait3A_118 : memref<1x128xi32, #tpu.memory_space<vmem>> -> memref<128xi32, #tpu.memory_space<vmem>>
    %dma_wait3A_120 = arith.constant 0 : i32
    %dma_wait3A_121 = arith.constant 0 : i32
    %dma_wait3A_122 = tpu.memref_slice %arg15[%dma_wait3A_120, %dma_wait3A_121] : memref<10240x64xf32, #tpu.memory_space<vmem_shared>> -> memref<10240x64xf32, #tpu.memory_space<vmem_shared>>
    tpu.wait_indirect_dma semaphore(%arg17 : memref<!tpu.dma_semaphore, #tpu.memory_space<semaphore_mem>>) src(%dma_wait3A_122 : memref<10240x64xf32, #tpu.memory_space<vmem_shared>>) dst(%arg11 : memref<128x64xf32, #tpu.memory_space<vmem>>)
    %barrier3A_123 = arith.constant 0 : index
    tpu.barrier barrier_id(%barrier3A_123)
    %mul3A_124 = arith.constant 640 : i32
    %mul3A_125 = arith.muli %arg1, %mul3A_124 : i32
    %add3A_126 = arith.constant 0 : i32
    %add3A_127 = arith.addi %mul3A_125, %add3A_126 : i32
    "tpu.region"() ({
      %run_scoped3A = tpu.sem_alloc : memref<!tpu.dma_semaphore, #tpu.memory_space<semaphore_mem>>
      %dma_start3A_184 = arith.constant 0 : i32
      %dma_start3A_185 = tpu.memref_slice %arg16[%add3A_127, %dma_start3A_184] : memref<10240x64xf32, #tpu.memory_space<vmem_shared>> -> memref<128x64xf32, #tpu.memory_space<vmem_shared>>
      %dma_start3A_186 = arith.constant 0 : i32
      %dma_start3A_187 = tpu.memref_slice %arg16[%add3A_127, %dma_start3A_186] : memref<10240x64xf32, #tpu.memory_space<vmem_shared>> -> memref<128x64xf32, #tpu.memory_space<vmem_shared>>
      tpu.enqueue_dma source(%dma_start3A_187 : memref<128x64xf32, #tpu.memory_space<vmem_shared>>) target(%arg11 : memref<128x64xf32, #tpu.memory_space<vmem>>) target_semaphore(%run_scoped3A : memref<!tpu.dma_semaphore, #tpu.memory_space<semaphore_mem>>)
      %dma_wait3A_188 = arith.constant 0 : i32
      %dma_wait3A_189 = tpu.memref_slice %arg16[%add3A_127, %dma_wait3A_188] : memref<10240x64xf32, #tpu.memory_space<vmem_shared>> -> memref<128x64xf32, #tpu.memory_space<vmem_shared>>
      %dma_wait3A_190 = arith.constant 0 : i32
      %dma_wait3A_191 = tpu.memref_slice %arg16[%add3A_127, %dma_wait3A_190] : memref<10240x64xf32, #tpu.memory_space<vmem_shared>> -> memref<128x64xf32, #tpu.memory_space<vmem_shared>>
      tpu.wait_dma2 semaphore(%run_scoped3A : memref<!tpu.dma_semaphore, #tpu.memory_space<semaphore_mem>>) src(%dma_wait3A_191 : memref<128x64xf32, #tpu.memory_space<vmem_shared>>) dst(%arg11 : memref<128x64xf32, #tpu.memory_space<vmem>>)
      tpu.yield
    }) : () -> ()
    "tpu.region"() ({
      %run_scoped3A = tpu.sem_alloc : memref<!tpu.dma_semaphore, #tpu.memory_space<semaphore_mem>>
      %dma_start3A_184 = arith.constant 0 : i32
      %dma_start3A_185 = tpu.memref_slice %arg15[%add3A_127, %dma_start3A_184] : memref<10240x64xf32, #tpu.memory_space<vmem_shared>> -> memref<128x64xf32, #tpu.memory_space<vmem_shared>>
      %dma_start3A_186 = arith.constant 0 : i32
      %dma_start3A_187 = tpu.memref_slice %arg15[%add3A_127, %dma_start3A_186] : memref<10240x64xf32, #tpu.memory_space<vmem_shared>> -> memref<128x64xf32, #tpu.memory_space<vmem_shared>>
      tpu.enqueue_dma source(%dma_start3A_187 : memref<128x64xf32, #tpu.memory_space<vmem_shared>>) target(%arg12 : memref<128x64xf32, #tpu.memory_space<vmem>>) target_semaphore(%run_scoped3A : memref<!tpu.dma_semaphore, #tpu.memory_space<semaphore_mem>>)
      %dma_wait3A_188 = arith.constant 0 : i32
      %dma_wait3A_189 = tpu.memref_slice %arg15[%add3A_127, %dma_wait3A_188] : memref<10240x64xf32, #tpu.memory_space<vmem_shared>> -> memref<128x64xf32, #tpu.memory_space<vmem_shared>>
      %dma_wait3A_190 = arith.constant 0 : i32
      %dma_wait3A_191 = tpu.memref_slice %arg15[%add3A_127, %dma_wait3A_190] : memref<10240x64xf32, #tpu.memory_space<vmem_shared>> -> memref<128x64xf32, #tpu.memory_space<vmem_shared>>
      tpu.wait_dma2 semaphore(%run_scoped3A : memref<!tpu.dma_semaphore, #tpu.memory_space<semaphore_mem>>) src(%dma_wait3A_191 : memref<128x64xf32, #tpu.memory_space<vmem_shared>>) dst(%arg12 : memref<128x64xf32, #tpu.memory_space<vmem>>)
      tpu.yield
    }) : () -> ()
    "tpu.region"() ({
      %run_scoped3A = tpu.sem_alloc : memref<!tpu.dma_semaphore, #tpu.memory_space<semaphore_mem>>
      %dma_start3A_184 = arith.constant 0 : i32
      %dma_start3A_185 = tpu.memref_slice %arg5[%add3A_127, %dma_start3A_184] : memref<10240x64xf32, #tpu.memory_space<hbm>> -> memref<128x64xf32, #tpu.memory_space<hbm>>
      %dma_start3A_186 = arith.constant 0 : i32
      %dma_start3A_187 = tpu.memref_slice %arg5[%add3A_127, %dma_start3A_186] : memref<10240x64xf32, #tpu.memory_space<hbm>> -> memref<128x64xf32, #tpu.memory_space<hbm>>
      tpu.enqueue_dma source(%dma_start3A_187 : memref<128x64xf32, #tpu.memory_space<hbm>>) target(%arg13 : memref<128x64xf32, #tpu.memory_space<vmem>>) target_semaphore(%run_scoped3A : memref<!tpu.dma_semaphore, #tpu.memory_space<semaphore_mem>>)
      %dma_wait3A_188 = arith.constant 0 : i32
      %dma_wait3A_189 = tpu.memref_slice %arg5[%add3A_127, %dma_wait3A_188] : memref<10240x64xf32, #tpu.memory_space<hbm>> -> memref<128x64xf32, #tpu.memory_space<hbm>>
      %dma_wait3A_190 = arith.constant 0 : i32
      %dma_wait3A_191 = tpu.memref_slice %arg5[%add3A_127, %dma_wait3A_190] : memref<10240x64xf32, #tpu.memory_space<hbm>> -> memref<128x64xf32, #tpu.memory_space<hbm>>
      tpu.wait_dma2 semaphore(%run_scoped3A : memref<!tpu.dma_semaphore, #tpu.memory_space<semaphore_mem>>) src(%dma_wait3A_191 : memref<128x64xf32, #tpu.memory_space<hbm>>) dst(%arg13 : memref<128x64xf32, #tpu.memory_space<vmem>>)
      tpu.yield
    }) : () -> ()
    %scan3A_128 = arith.constant 0 : i32
    %scan3A_129 = arith.constant 0 : i32
    %scan3A_130 = arith.constant 128 : i32
    %scan3A_131 = arith.addi %scan3A_129, %scan3A_130 : i32
    %scan3A_132 = arith.constant 1 : i32
    scf.for %scan3A_184 = %scan3A_129 to %scan3A_131 step %scan3A_132  : i32 {
      %get3A = arith.index_cast %scan3A_184 : i32 to index
      %get3A_185 = arith.constant 0 : index
      %get3A_186 = tpu.vector_load %arg13[%get3A, %get3A_185] {strides = array<i32>} : memref<128x64xf32, #tpu.memory_space<vmem>>, vector<1x16xf32>,
      %get3A_187 = vector.shape_cast %get3A_186 : vector<1x16xf32> to vector<16xf32>
      %get3A_188 = arith.index_cast %scan3A_184 : i32 to index
      %get3A_189 = arith.constant 0 : index
      %get3A_190 = tpu.vector_load %arg11[%get3A_188, %get3A_189] {strides = array<i32>} : memref<128x64xf32, #tpu.memory_space<vmem>>, vector<1x16xf32>,
      %get3A_191 = vector.shape_cast %get3A_190 : vector<1x16xf32> to vector<16xf32>
      %get3A_192 = arith.index_cast %scan3A_184 : i32 to index
      %get3A_193 = arith.constant 0 : index
      %get3A_194 = tpu.vector_load %arg12[%get3A_192, %get3A_193] {strides = array<i32>} : memref<128x64xf32, #tpu.memory_space<vmem>>, vector<1x16xf32>,
      %get3A_195 = vector.shape_cast %get3A_194 : vector<1x16xf32> to vector<16xf32>
      %add3A_196 = arith.addf %get3A_191, %get3A_195 : vector<16xf32>
      %mul3A_197 = arith.mulf %get3A_187, %add3A_196 : vector<16xf32>
      %get3A_198 = arith.constant 0 : index
      %get3A_199 = tpu.vector_load %arg14[%get3A_198] {strides = array<i32>} : memref<64xf32, #tpu.memory_space<vmem>>, vector<16xf32>,
      %get3A_200 = vector.shape_cast %get3A_199 : vector<16xf32> to vector<16xf32>
      %add3A_201 = arith.addf %mul3A_197, %get3A_200 : vector<16xf32>
      %swap3A_202 = arith.index_cast %scan3A_184 : i32 to index
      %swap3A_203 = arith.constant 0 : index
      %swap3A_204 = tpu.vector_load %arg11[%swap3A_202, %swap3A_203] {strides = array<i32>} : memref<128x64xf32, #tpu.memory_space<vmem>>, vector<1x16xf32>,
      %swap3A_205 = vector.shape_cast %swap3A_204 : vector<1x16xf32> to vector<16xf32>
      %swap3A_206 = vector.shape_cast %add3A_201 : vector<16xf32> to vector<1x16xf32>
      tpu.vector_store %arg11[%swap3A_202, %swap3A_203], %swap3A_206 {strides = array<i32>} : memref<128x64xf32, #tpu.memory_space<vmem>>, vector<1x16xf32>,
      %get3A_207 = arith.index_cast %scan3A_184 : i32 to index
      %get3A_208 = arith.constant 16 : index
      %get3A_209 = tpu.vector_load %arg13[%get3A_207, %get3A_208] {strides = array<i32>} : memref<128x64xf32, #tpu.memory_space<vmem>>, vector<1x16xf32>,
      %get3A_210 = vector.shape_cast %get3A_209 : vector<1x16xf32> to vector<16xf32>
      %get3A_211 = arith.index_cast %scan3A_184 : i32 to index
      %get3A_212 = arith.constant 16 : index
      %get3A_213 = tpu.vector_load %arg11[%get3A_211, %get3A_212] {strides = array<i32>} : memref<128x64xf32, #tpu.memory_space<vmem>>, vector<1x16xf32>,
      %get3A_214 = vector.shape_cast %get3A_213 : vector<1x16xf32> to vector<16xf32>
      %get3A_215 = arith.index_cast %scan3A_184 : i32 to index
      %get3A_216 = arith.constant 16 : index
      %get3A_217 = tpu.vector_load %arg12[%get3A_215, %get3A_216] {strides = array<i32>} : memref<128x64xf32, #tpu.memory_space<vmem>>, vector<1x16xf32>,
      %get3A_218 = vector.shape_cast %get3A_217 : vector<1x16xf32> to vector<16xf32>
      %add3A_219 = arith.addf %get3A_214, %get3A_218 : vector<16xf32>
      %mul3A_220 = arith.mulf %get3A_210, %add3A_219 : vector<16xf32>
      %get3A_221 = arith.constant 16 : index
      %get3A_222 = tpu.vector_load %arg14[%get3A_221] {strides = array<i32>} : memref<64xf32, #tpu.memory_space<vmem>>, vector<16xf32>,
      %get3A_223 = vector.shape_cast %get3A_222 : vector<16xf32> to vector<16xf32>
      %add3A_224 = arith.addf %mul3A_220, %get3A_223 : vector<16xf32>
      %swap3A_225 = arith.index_cast %scan3A_184 : i32 to index
      %swap3A_226 = arith.constant 16 : index
      %swap3A_227 = tpu.vector_load %arg11[%swap3A_225, %swap3A_226] {strides = array<i32>} : memref<128x64xf32, #tpu.memory_space<vmem>>, vector<1x16xf32>,
      %swap3A_228 = vector.shape_cast %swap3A_227 : vector<1x16xf32> to vector<16xf32>
      %swap3A_229 = vector.shape_cast %add3A_224 : vector<16xf32> to vector<1x16xf32>
      tpu.vector_store %arg11[%swap3A_225, %swap3A_226], %swap3A_229 {strides = array<i32>} : memref<128x64xf32, #tpu.memory_space<vmem>>, vector<1x16xf32>,
      %get3A_230 = arith.index_cast %scan3A_184 : i32 to index
      %get3A_231 = arith.constant 32 : index
      %get3A_232 = tpu.vector_load %arg13[%get3A_230, %get3A_231] {strides = array<i32>} : memref<128x64xf32, #tpu.memory_space<vmem>>, vector<1x16xf32>,
      %get3A_233 = vector.shape_cast %get3A_232 : vector<1x16xf32> to vector<16xf32>
      %get3A_234 = arith.index_cast %scan3A_184 : i32 to index
      %get3A_235 = arith.constant 32 : index
      %get3A_236 = tpu.vector_load %arg11[%get3A_234, %get3A_235] {strides = array<i32>} : memref<128x64xf32, #tpu.memory_space<vmem>>, vector<1x16xf32>,
      %get3A_237 = vector.shape_cast %get3A_236 : vector<1x16xf32> to vector<16xf32>
      %get3A_238 = arith.index_cast %scan3A_184 : i32 to index
      %get3A_239 = arith.constant 32 : index
      %get3A_240 = tpu.vector_load %arg12[%get3A_238, %get3A_239] {strides = array<i32>} : memref<128x64xf32, #tpu.memory_space<vmem>>, vector<1x16xf32>,
      %get3A_241 = vector.shape_cast %get3A_240 : vector<1x16xf32> to vector<16xf32>
      %add3A_242 = arith.addf %get3A_237, %get3A_241 : vector<16xf32>
      %mul3A_243 = arith.mulf %get3A_233, %add3A_242 : vector<16xf32>
      %get3A_244 = arith.constant 32 : index
      %get3A_245 = tpu.vector_load %arg14[%get3A_244] {strides = array<i32>} : memref<64xf32, #tpu.memory_space<vmem>>, vector<16xf32>,
      %get3A_246 = vector.shape_cast %get3A_245 : vector<16xf32> to vector<16xf32>
      %add3A_247 = arith.addf %mul3A_243, %get3A_246 : vector<16xf32>
      %swap3A_248 = arith.index_cast %scan3A_184 : i32 to index
      %swap3A_249 = arith.constant 32 : index
      %swap3A_250 = tpu.vector_load %arg11[%swap3A_248, %swap3A_249] {strides = array<i32>} : memref<128x64xf32, #tpu.memory_space<vmem>>, vector<1x16xf32>,
      %swap3A_251 = vector.shape_cast %swap3A_250 : vector<1x16xf32> to vector<16xf32>
      %swap3A_252 = vector.shape_cast %add3A_247 : vector<16xf32> to vector<1x16xf32>
      tpu.vector_store %arg11[%swap3A_248, %swap3A_249], %swap3A_252 {strides = array<i32>} : memref<128x64xf32, #tpu.memory_space<vmem>>, vector<1x16xf32>,
      %get3A_253 = arith.index_cast %scan3A_184 : i32 to index
      %get3A_254 = arith.constant 48 : index
      %get3A_255 = tpu.vector_load %arg13[%get3A_253, %get3A_254] {strides = array<i32>} : memref<128x64xf32, #tpu.memory_space<vmem>>, vector<1x16xf32>,
      %get3A_256 = vector.shape_cast %get3A_255 : vector<1x16xf32> to vector<16xf32>
      %get3A_257 = arith.index_cast %scan3A_184 : i32 to index
      %get3A_258 = arith.constant 48 : index
      %get3A_259 = tpu.vector_load %arg11[%get3A_257, %get3A_258] {strides = array<i32>} : memref<128x64xf32, #tpu.memory_space<vmem>>, vector<1x16xf32>,
      %get3A_260 = vector.shape_cast %get3A_259 : vector<1x16xf32> to vector<16xf32>
      %get3A_261 = arith.index_cast %scan3A_184 : i32 to index
      %get3A_262 = arith.constant 48 : index
      %get3A_263 = tpu.vector_load %arg12[%get3A_261, %get3A_262] {strides = array<i32>} : memref<128x64xf32, #tpu.memory_space<vmem>>, vector<1x16xf32>,
      %get3A_264 = vector.shape_cast %get3A_263 : vector<1x16xf32> to vector<16xf32>
      %add3A_265 = arith.addf %get3A_260, %get3A_264 : vector<16xf32>
      %mul3A_266 = arith.mulf %get3A_256, %add3A_265 : vector<16xf32>
      %get3A_267 = arith.constant 48 : index
      %get3A_268 = tpu.vector_load %arg14[%get3A_267] {strides = array<i32>} : memref<64xf32, #tpu.memory_space<vmem>>, vector<16xf32>,
      %get3A_269 = vector.shape_cast %get3A_268 : vector<16xf32> to vector<16xf32>
      %add3A_270 = arith.addf %mul3A_266, %get3A_269 : vector<16xf32>
      %swap3A_271 = arith.index_cast %scan3A_184 : i32 to index
      %swap3A_272 = arith.constant 48 : index
      %swap3A_273 = tpu.vector_load %arg11[%swap3A_271, %swap3A_272] {strides = array<i32>} : memref<128x64xf32, #tpu.memory_space<vmem>>, vector<1x16xf32>,
      %swap3A_274 = vector.shape_cast %swap3A_273 : vector<1x16xf32> to vector<16xf32>
      %swap3A_275 = vector.shape_cast %add3A_270 : vector<16xf32> to vector<1x16xf32>
      tpu.vector_store %arg11[%swap3A_271, %swap3A_272], %swap3A_275 {strides = array<i32>} : memref<128x64xf32, #tpu.memory_space<vmem>>, vector<1x16xf32>,
    }
    %scan3A_133 = arith.constant 128 : i32
    %mul3A_134 = arith.constant 64 : i32
    %mul3A_135 = arith.muli %arg0, %mul3A_134 : i32
    "tpu.region"() ({
      %run_scoped3A = tpu.sem_alloc : memref<!tpu.dma_semaphore, #tpu.memory_space<semaphore_mem>>
      %dma_start3A_184 = tpu.memref_slice %arg8[%add3A_127, %mul3A_135] : memref<10240x128xf32, #tpu.memory_space<hbm>> -> memref<128x64xf32, #tpu.memory_space<hbm>>
      %dma_start3A_185 = tpu.memref_slice %arg8[%add3A_127, %mul3A_135] : memref<10240x128xf32, #tpu.memory_space<hbm>> -> memref<128x64xf32, #tpu.memory_space<hbm>>
      tpu.enqueue_dma source(%arg11 : memref<128x64xf32, #tpu.memory_space<vmem>>) target(%dma_start3A_185 : memref<128x64xf32, #tpu.memory_space<hbm>>) target_semaphore(%run_scoped3A : memref<!tpu.dma_semaphore, #tpu.memory_space<semaphore_mem>>)
      %dma_wait3A_186 = tpu.memref_slice %arg8[%add3A_127, %mul3A_135] : memref<10240x128xf32, #tpu.memory_space<hbm>> -> memref<128x64xf32, #tpu.memory_space<hbm>>
      %dma_wait3A_187 = tpu.memref_slice %arg8[%add3A_127, %mul3A_135] : memref<10240x128xf32, #tpu.memory_space<hbm>> -> memref<128x64xf32, #tpu.memory_space<hbm>>
      tpu.wait_dma2 semaphore(%run_scoped3A : memref<!tpu.dma_semaphore, #tpu.memory_space<semaphore_mem>>) src(%arg11 : memref<128x64xf32, #tpu.memory_space<vmem>>) dst(%dma_wait3A_187 : memref<128x64xf32, #tpu.memory_space<hbm>>)
      tpu.yield
    }) : () -> ()
    %mul3A_136 = arith.constant 640 : i32
    %mul3A_137 = arith.muli %arg1, %mul3A_136 : i32
    %add3A_138 = arith.constant 128 : i32
    %add3A_139 = arith.addi %mul3A_137, %add3A_138 : i32
    "tpu.region"() ({
      %run_scoped3A = tpu.sem_alloc : memref<!tpu.dma_semaphore, #tpu.memory_space<semaphore_mem>>
      %dma_start3A_184 = arith.constant 0 : i32
      %dma_start3A_185 = tpu.memref_slice %arg16[%add3A_139, %dma_start3A_184] : memref<10240x64xf32, #tpu.memory_space<vmem_shared>> -> memref<128x64xf32, #tpu.memory_space<vmem_shared>>
      %dma_start3A_186 = arith.constant 0 : i32
      %dma_start3A_187 = tpu.memref_slice %arg16[%add3A_139, %dma_start3A_186] : memref<10240x64xf32, #tpu.memory_space<vmem_shared>> -> memref<128x64xf32, #tpu.memory_space<vmem_shared>>
      tpu.enqueue_dma source(%dma_start3A_187 : memref<128x64xf32, #tpu.memory_space<vmem_shared>>) target(%arg11 : memref<128x64xf32, #tpu.memory_space<vmem>>) target_semaphore(%run_scoped3A : memref<!tpu.dma_semaphore, #tpu.memory_space<semaphore_mem>>)
      %dma_wait3A_188 = arith.constant 0 : i32
      %dma_wait3A_189 = tpu.memref_slice %arg16[%add3A_139, %dma_wait3A_188] : memref<10240x64xf32, #tpu.memory_space<vmem_shared>> -> memref<128x64xf32, #tpu.memory_space<vmem_shared>>
      %dma_wait3A_190 = arith.constant 0 : i32
      %dma_wait3A_191 = tpu.memref_slice %arg16[%add3A_139, %dma_wait3A_190] : memref<10240x64xf32, #tpu.memory_space<vmem_shared>> -> memref<128x64xf32, #tpu.memory_space<vmem_shared>>
      tpu.wait_dma2 semaphore(%run_scoped3A : memref<!tpu.dma_semaphore, #tpu.memory_space<semaphore_mem>>) src(%dma_wait3A_191 : memref<128x64xf32, #tpu.memory_space<vmem_shared>>) dst(%arg11 : memref<128x64xf32, #tpu.memory_space<vmem>>)
      tpu.yield
    }) : () -> ()
    "tpu.region"() ({
      %run_scoped3A = tpu.sem_alloc : memref<!tpu.dma_semaphore, #tpu.memory_space<semaphore_mem>>
      %dma_start3A_184 = arith.constant 0 : i32
      %dma_start3A_185 = tpu.memref_slice %arg15[%add3A_139, %dma_start3A_184] : memref<10240x64xf32, #tpu.memory_space<vmem_shared>> -> memref<128x64xf32, #tpu.memory_space<vmem_shared>>
      %dma_start3A_186 = arith.constant 0 : i32
      %dma_start3A_187 = tpu.memref_slice %arg15[%add3A_139, %dma_start3A_186] : memref<10240x64xf32, #tpu.memory_space<vmem_shared>> -> memref<128x64xf32, #tpu.memory_space<vmem_shared>>
      tpu.enqueue_dma source(%dma_start3A_187 : memref<128x64xf32, #tpu.memory_space<vmem_shared>>) target(%arg12 : memref<128x64xf32, #tpu.memory_space<vmem>>) target_semaphore(%run_scoped3A : memref<!tpu.dma_semaphore, #tpu.memory_space<semaphore_mem>>)
      %dma_wait3A_188 = arith.constant 0 : i32
      %dma_wait3A_189 = tpu.memref_slice %arg15[%add3A_139, %dma_wait3A_188] : memref<10240x64xf32, #tpu.memory_space<vmem_shared>> -> memref<128x64xf32, #tpu.memory_space<vmem_shared>>
      %dma_wait3A_190 = arith.constant 0 : i32
      %dma_wait3A_191 = tpu.memref_slice %arg15[%add3A_139, %dma_wait3A_190] : memref<10240x64xf32, #tpu.memory_space<vmem_shared>> -> memref<128x64xf32, #tpu.memory_space<vmem_shared>>
      tpu.wait_dma2 semaphore(%run_scoped3A : memref<!tpu.dma_semaphore, #tpu.memory_space<semaphore_mem>>) src(%dma_wait3A_191 : memref<128x64xf32, #tpu.memory_space<vmem_shared>>) dst(%arg12 : memref<128x64xf32, #tpu.memory_space<vmem>>)
      tpu.yield
    }) : () -> ()
    "tpu.region"() ({
      %run_scoped3A = tpu.sem_alloc : memref<!tpu.dma_semaphore, #tpu.memory_space<semaphore_mem>>
      %dma_start3A_184 = arith.constant 0 : i32
      %dma_start3A_185 = tpu.memref_slice %arg5[%add3A_139, %dma_start3A_184] : memref<10240x64xf32, #tpu.memory_space<hbm>> -> memref<128x64xf32, #tpu.memory_space<hbm>>
      %dma_start3A_186 = arith.constant 0 : i32
      %dma_start3A_187 = tpu.memref_slice %arg5[%add3A_139, %dma_start3A_186] : memref<10240x64xf32, #tpu.memory_space<hbm>> -> memref<128x64xf32, #tpu.memory_space<hbm>>
      tpu.enqueue_dma source(%dma_start3A_187 : memref<128x64xf32, #tpu.memory_space<hbm>>) target(%arg13 : memref<128x64xf32, #tpu.memory_space<vmem>>) target_semaphore(%run_scoped3A : memref<!tpu.dma_semaphore, #tpu.memory_space<semaphore_mem>>)
      %dma_wait3A_188 = arith.constant 0 : i32
      %dma_wait3A_189 = tpu.memref_slice %arg5[%add3A_139, %dma_wait3A_188] : memref<10240x64xf32, #tpu.memory_space<hbm>> -> memref<128x64xf32, #tpu.memory_space<hbm>>
      %dma_wait3A_190 = arith.constant 0 : i32
      %dma_wait3A_191 = tpu.memref_slice %arg5[%add3A_139, %dma_wait3A_190] : memref<10240x64xf32, #tpu.memory_space<hbm>> -> memref<128x64xf32, #tpu.memory_space<hbm>>
      tpu.wait_dma2 semaphore(%run_scoped3A : memref<!tpu.dma_semaphore, #tpu.memory_space<semaphore_mem>>) src(%dma_wait3A_191 : memref<128x64xf32, #tpu.memory_space<hbm>>) dst(%arg13 : memref<128x64xf32, #tpu.memory_space<vmem>>)
      tpu.yield
    }) : () -> ()
    %scan3A_140 = arith.constant 0 : i32
    %scan3A_141 = arith.constant 0 : i32
    %scan3A_142 = arith.constant 128 : i32
    %scan3A_143 = arith.addi %scan3A_141, %scan3A_142 : i32
    %scan3A_144 = arith.constant 1 : i32
    scf.for %scan3A_184 = %scan3A_141 to %scan3A_143 step %scan3A_144  : i32 {
      %get3A = arith.index_cast %scan3A_184 : i32 to index
      %get3A_185 = arith.constant 0 : index
      %get3A_186 = tpu.vector_load %arg13[%get3A, %get3A_185] {strides = array<i32>} : memref<128x64xf32, #tpu.memory_space<vmem>>, vector<1x16xf32>,
      %get3A_187 = vector.shape_cast %get3A_186 : vector<1x16xf32> to vector<16xf32>
      %get3A_188 = arith.index_cast %scan3A_184 : i32 to index
      %get3A_189 = arith.constant 0 : index
      %get3A_190 = tpu.vector_load %arg11[%get3A_188, %get3A_189] {strides = array<i32>} : memref<128x64xf32, #tpu.memory_space<vmem>>, vector<1x16xf32>,
      %get3A_191 = vector.shape_cast %get3A_190 : vector<1x16xf32> to vector<16xf32>
      %get3A_192 = arith.index_cast %scan3A_184 : i32 to index
      %get3A_193 = arith.constant 0 : index
      %get3A_194 = tpu.vector_load %arg12[%get3A_192, %get3A_193] {strides = array<i32>} : memref<128x64xf32, #tpu.memory_space<vmem>>, vector<1x16xf32>,
      %get3A_195 = vector.shape_cast %get3A_194 : vector<1x16xf32> to vector<16xf32>
      %add3A_196 = arith.addf %get3A_191, %get3A_195 : vector<16xf32>
      %mul3A_197 = arith.mulf %get3A_187, %add3A_196 : vector<16xf32>
      %get3A_198 = arith.constant 0 : index
      %get3A_199 = tpu.vector_load %arg14[%get3A_198] {strides = array<i32>} : memref<64xf32, #tpu.memory_space<vmem>>, vector<16xf32>,
      %get3A_200 = vector.shape_cast %get3A_199 : vector<16xf32> to vector<16xf32>
      %add3A_201 = arith.addf %mul3A_197, %get3A_200 : vector<16xf32>
      %swap3A_202 = arith.index_cast %scan3A_184 : i32 to index
      %swap3A_203 = arith.constant 0 : index
      %swap3A_204 = tpu.vector_load %arg11[%swap3A_202, %swap3A_203] {strides = array<i32>} : memref<128x64xf32, #tpu.memory_space<vmem>>, vector<1x16xf32>,
      %swap3A_205 = vector.shape_cast %swap3A_204 : vector<1x16xf32> to vector<16xf32>
      %swap3A_206 = vector.shape_cast %add3A_201 : vector<16xf32> to vector<1x16xf32>
      tpu.vector_store %arg11[%swap3A_202, %swap3A_203], %swap3A_206 {strides = array<i32>} : memref<128x64xf32, #tpu.memory_space<vmem>>, vector<1x16xf32>,
      %get3A_207 = arith.index_cast %scan3A_184 : i32 to index
      %get3A_208 = arith.constant 16 : index
      %get3A_209 = tpu.vector_load %arg13[%get3A_207, %get3A_208] {strides = array<i32>} : memref<128x64xf32, #tpu.memory_space<vmem>>, vector<1x16xf32>,
      %get3A_210 = vector.shape_cast %get3A_209 : vector<1x16xf32> to vector<16xf32>
      %get3A_211 = arith.index_cast %scan3A_184 : i32 to index
      %get3A_212 = arith.constant 16 : index
      %get3A_213 = tpu.vector_load %arg11[%get3A_211, %get3A_212] {strides = array<i32>} : memref<128x64xf32, #tpu.memory_space<vmem>>, vector<1x16xf32>,
      %get3A_214 = vector.shape_cast %get3A_213 : vector<1x16xf32> to vector<16xf32>
      %get3A_215 = arith.index_cast %scan3A_184 : i32 to index
      %get3A_216 = arith.constant 16 : index
      %get3A_217 = tpu.vector_load %arg12[%get3A_215, %get3A_216] {strides = array<i32>} : memref<128x64xf32, #tpu.memory_space<vmem>>, vector<1x16xf32>,
      %get3A_218 = vector.shape_cast %get3A_217 : vector<1x16xf32> to vector<16xf32>
      %add3A_219 = arith.addf %get3A_214, %get3A_218 : vector<16xf32>
      %mul3A_220 = arith.mulf %get3A_210, %add3A_219 : vector<16xf32>
      %get3A_221 = arith.constant 16 : index
      %get3A_222 = tpu.vector_load %arg14[%get3A_221] {strides = array<i32>} : memref<64xf32, #tpu.memory_space<vmem>>, vector<16xf32>,
      %get3A_223 = vector.shape_cast %get3A_222 : vector<16xf32> to vector<16xf32>
      %add3A_224 = arith.addf %mul3A_220, %get3A_223 : vector<16xf32>
      %swap3A_225 = arith.index_cast %scan3A_184 : i32 to index
      %swap3A_226 = arith.constant 16 : index
      %swap3A_227 = tpu.vector_load %arg11[%swap3A_225, %swap3A_226] {strides = array<i32>} : memref<128x64xf32, #tpu.memory_space<vmem>>, vector<1x16xf32>,
      %swap3A_228 = vector.shape_cast %swap3A_227 : vector<1x16xf32> to vector<16xf32>
      %swap3A_229 = vector.shape_cast %add3A_224 : vector<16xf32> to vector<1x16xf32>
      tpu.vector_store %arg11[%swap3A_225, %swap3A_226], %swap3A_229 {strides = array<i32>} : memref<128x64xf32, #tpu.memory_space<vmem>>, vector<1x16xf32>,
      %get3A_230 = arith.index_cast %scan3A_184 : i32 to index
      %get3A_231 = arith.constant 32 : index
      %get3A_232 = tpu.vector_load %arg13[%get3A_230, %get3A_231] {strides = array<i32>} : memref<128x64xf32, #tpu.memory_space<vmem>>, vector<1x16xf32>,
      %get3A_233 = vector.shape_cast %get3A_232 : vector<1x16xf32> to vector<16xf32>
      %get3A_234 = arith.index_cast %scan3A_184 : i32 to index
      %get3A_235 = arith.constant 32 : index
      %get3A_236 = tpu.vector_load %arg11[%get3A_234, %get3A_235] {strides = array<i32>} : memref<128x64xf32, #tpu.memory_space<vmem>>, vector<1x16xf32>,
      %get3A_237 = vector.shape_cast %get3A_236 : vector<1x16xf32> to vector<16xf32>
      %get3A_238 = arith.index_cast %scan3A_184 : i32 to index
      %get3A_239 = arith.constant 32 : index
      %get3A_240 = tpu.vector_load %arg12[%get3A_238, %get3A_239] {strides = array<i32>} : memref<128x64xf32, #tpu.memory_space<vmem>>, vector<1x16xf32>,
      %get3A_241 = vector.shape_cast %get3A_240 : vector<1x16xf32> to vector<16xf32>
      %add3A_242 = arith.addf %get3A_237, %get3A_241 : vector<16xf32>
      %mul3A_243 = arith.mulf %get3A_233, %add3A_242 : vector<16xf32>
      %get3A_244 = arith.constant 32 : index
      %get3A_245 = tpu.vector_load %arg14[%get3A_244] {strides = array<i32>} : memref<64xf32, #tpu.memory_space<vmem>>, vector<16xf32>,
      %get3A_246 = vector.shape_cast %get3A_245 : vector<16xf32> to vector<16xf32>
      %add3A_247 = arith.addf %mul3A_243, %get3A_246 : vector<16xf32>
      %swap3A_248 = arith.index_cast %scan3A_184 : i32 to index
      %swap3A_249 = arith.constant 32 : index
      %swap3A_250 = tpu.vector_load %arg11[%swap3A_248, %swap3A_249] {strides = array<i32>} : memref<128x64xf32, #tpu.memory_space<vmem>>, vector<1x16xf32>,
      %swap3A_251 = vector.shape_cast %swap3A_250 : vector<1x16xf32> to vector<16xf32>
      %swap3A_252 = vector.shape_cast %add3A_247 : vector<16xf32> to vector<1x16xf32>
      tpu.vector_store %arg11[%swap3A_248, %swap3A_249], %swap3A_252 {strides = array<i32>} : memref<128x64xf32, #tpu.memory_space<vmem>>, vector<1x16xf32>,
      %get3A_253 = arith.index_cast %scan3A_184 : i32 to index
      %get3A_254 = arith.constant 48 : index
      %get3A_255 = tpu.vector_load %arg13[%get3A_253, %get3A_254] {strides = array<i32>} : memref<128x64xf32, #tpu.memory_space<vmem>>, vector<1x16xf32>,
      %get3A_256 = vector.shape_cast %get3A_255 : vector<1x16xf32> to vector<16xf32>
      %get3A_257 = arith.index_cast %scan3A_184 : i32 to index
      %get3A_258 = arith.constant 48 : index
      %get3A_259 = tpu.vector_load %arg11[%get3A_257, %get3A_258] {strides = array<i32>} : memref<128x64xf32, #tpu.memory_space<vmem>>, vector<1x16xf32>,
      %get3A_260 = vector.shape_cast %get3A_259 : vector<1x16xf32> to vector<16xf32>
      %get3A_261 = arith.index_cast %scan3A_184 : i32 to index
      %get3A_262 = arith.constant 48 : index
      %get3A_263 = tpu.vector_load %arg12[%get3A_261, %get3A_262] {strides = array<i32>} : memref<128x64xf32, #tpu.memory_space<vmem>>, vector<1x16xf32>,
      %get3A_264 = vector.shape_cast %get3A_263 : vector<1x16xf32> to vector<16xf32>
      %add3A_265 = arith.addf %get3A_260, %get3A_264 : vector<16xf32>
      %mul3A_266 = arith.mulf %get3A_256, %add3A_265 : vector<16xf32>
      %get3A_267 = arith.constant 48 : index
      %get3A_268 = tpu.vector_load %arg14[%get3A_267] {strides = array<i32>} : memref<64xf32, #tpu.memory_space<vmem>>, vector<16xf32>,
      %get3A_269 = vector.shape_cast %get3A_268 : vector<16xf32> to vector<16xf32>
      %add3A_270 = arith.addf %mul3A_266, %get3A_269 : vector<16xf32>
      %swap3A_271 = arith.index_cast %scan3A_184 : i32 to index
      %swap3A_272 = arith.constant 48 : index
      %swap3A_273 = tpu.vector_load %arg11[%swap3A_271, %swap3A_272] {strides = array<i32>} : memref<128x64xf32, #tpu.memory_space<vmem>>, vector<1x16xf32>,
      %swap3A_274 = vector.shape_cast %swap3A_273 : vector<1x16xf32> to vector<16xf32>
      %swap3A_275 = vector.shape_cast %add3A_270 : vector<16xf32> to vector<1x16xf32>
      tpu.vector_store %arg11[%swap3A_271, %swap3A_272], %swap3A_275 {strides = array<i32>} : memref<128x64xf32, #tpu.memory_space<vmem>>, vector<1x16xf32>,
    }
    %scan3A_145 = arith.constant 128 : i32
    %mul3A_146 = arith.constant 64 : i32
    %mul3A_147 = arith.muli %arg0, %mul3A_146 : i32
    "tpu.region"() ({
      %run_scoped3A = tpu.sem_alloc : memref<!tpu.dma_semaphore, #tpu.memory_space<semaphore_mem>>
      %dma_start3A_184 = tpu.memref_slice %arg8[%add3A_139, %mul3A_147] : memref<10240x128xf32, #tpu.memory_space<hbm>> -> memref<128x64xf32, #tpu.memory_space<hbm>>
      %dma_start3A_185 = tpu.memref_slice %arg8[%add3A_139, %mul3A_147] : memref<10240x128xf32, #tpu.memory_space<hbm>> -> memref<128x64xf32, #tpu.memory_space<hbm>>
      tpu.enqueue_dma source(%arg11 : memref<128x64xf32, #tpu.memory_space<vmem>>) target(%dma_start3A_185 : memref<128x64xf32, #tpu.memory_space<hbm>>) target_semaphore(%run_scoped3A : memref<!tpu.dma_semaphore, #tpu.memory_space<semaphore_mem>>)
      %dma_wait3A_186 = tpu.memref_slice %arg8[%add3A_139, %mul3A_147] : memref<10240x128xf32, #tpu.memory_space<hbm>> -> memref<128x64xf32, #tpu.memory_space<hbm>>
      %dma_wait3A_187 = tpu.memref_slice %arg8[%add3A_139, %mul3A_147] : memref<10240x128xf32, #tpu.memory_space<hbm>> -> memref<128x64xf32, #tpu.memory_space<hbm>>
      tpu.wait_dma2 semaphore(%run_scoped3A : memref<!tpu.dma_semaphore, #tpu.memory_space<semaphore_mem>>) src(%arg11 : memref<128x64xf32, #tpu.memory_space<vmem>>) dst(%dma_wait3A_187 : memref<128x64xf32, #tpu.memory_space<hbm>>)
      tpu.yield
    }) : () -> ()
    %mul3A_148 = arith.constant 640 : i32
    %mul3A_149 = arith.muli %arg1, %mul3A_148 : i32
    %add3A_150 = arith.constant 256 : i32
    %add3A_151 = arith.addi %mul3A_149, %add3A_150 : i32
    "tpu.region"() ({
      %run_scoped3A = tpu.sem_alloc : memref<!tpu.dma_semaphore, #tpu.memory_space<semaphore_mem>>
      %dma_start3A_184 = arith.constant 0 : i32
      %dma_start3A_185 = tpu.memref_slice %arg16[%add3A_151, %dma_start3A_184] : memref<10240x64xf32, #tpu.memory_space<vmem_shared>> -> memref<128x64xf32, #tpu.memory_space<vmem_shared>>
      %dma_start3A_186 = arith.constant 0 : i32
      %dma_start3A_187 = tpu.memref_slice %arg16[%add3A_151, %dma_start3A_186] : memref<10240x64xf32, #tpu.memory_space<vmem_shared>> -> memref<128x64xf32, #tpu.memory_space<vmem_shared>>
      tpu.enqueue_dma source(%dma_start3A_187 : memref<128x64xf32, #tpu.memory_space<vmem_shared>>) target(%arg11 : memref<128x64xf32, #tpu.memory_space<vmem>>) target_semaphore(%run_scoped3A : memref<!tpu.dma_semaphore, #tpu.memory_space<semaphore_mem>>)
      %dma_wait3A_188 = arith.constant 0 : i32
      %dma_wait3A_189 = tpu.memref_slice %arg16[%add3A_151, %dma_wait3A_188] : memref<10240x64xf32, #tpu.memory_space<vmem_shared>> -> memref<128x64xf32, #tpu.memory_space<vmem_shared>>
      %dma_wait3A_190 = arith.constant 0 : i32
      %dma_wait3A_191 = tpu.memref_slice %arg16[%add3A_151, %dma_wait3A_190] : memref<10240x64xf32, #tpu.memory_space<vmem_shared>> -> memref<128x64xf32, #tpu.memory_space<vmem_shared>>
      tpu.wait_dma2 semaphore(%run_scoped3A : memref<!tpu.dma_semaphore, #tpu.memory_space<semaphore_mem>>) src(%dma_wait3A_191 : memref<128x64xf32, #tpu.memory_space<vmem_shared>>) dst(%arg11 : memref<128x64xf32, #tpu.memory_space<vmem>>)
      tpu.yield
    }) : () -> ()
    "tpu.region"() ({
      %run_scoped3A = tpu.sem_alloc : memref<!tpu.dma_semaphore, #tpu.memory_space<semaphore_mem>>
      %dma_start3A_184 = arith.constant 0 : i32
      %dma_start3A_185 = tpu.memref_slice %arg15[%add3A_151, %dma_start3A_184] : memref<10240x64xf32, #tpu.memory_space<vmem_shared>> -> memref<128x64xf32, #tpu.memory_space<vmem_shared>>
      %dma_start3A_186 = arith.constant 0 : i32
      %dma_start3A_187 = tpu.memref_slice %arg15[%add3A_151, %dma_start3A_186] : memref<10240x64xf32, #tpu.memory_space<vmem_shared>> -> memref<128x64xf32, #tpu.memory_space<vmem_shared>>
      tpu.enqueue_dma source(%dma_start3A_187 : memref<128x64xf32, #tpu.memory_space<vmem_shared>>) target(%arg12 : memref<128x64xf32, #tpu.memory_space<vmem>>) target_semaphore(%run_scoped3A : memref<!tpu.dma_semaphore, #tpu.memory_space<semaphore_mem>>)
      %dma_wait3A_188 = arith.constant 0 : i32
      %dma_wait3A_189 = tpu.memref_slice %arg15[%add3A_151, %dma_wait3A_188] : memref<10240x64xf32, #tpu.memory_space<vmem_shared>> -> memref<128x64xf32, #tpu.memory_space<vmem_shared>>
      %dma_wait3A_190 = arith.constant 0 : i32
      %dma_wait3A_191 = tpu.memref_slice %arg15[%add3A_151, %dma_wait3A_190] : memref<10240x64xf32, #tpu.memory_space<vmem_shared>> -> memref<128x64xf32, #tpu.memory_space<vmem_shared>>
      tpu.wait_dma2 semaphore(%run_scoped3A : memref<!tpu.dma_semaphore, #tpu.memory_space<semaphore_mem>>) src(%dma_wait3A_191 : memref<128x64xf32, #tpu.memory_space<vmem_shared>>) dst(%arg12 : memref<128x64xf32, #tpu.memory_space<vmem>>)
      tpu.yield
    }) : () -> ()
    "tpu.region"() ({
      %run_scoped3A = tpu.sem_alloc : memref<!tpu.dma_semaphore, #tpu.memory_space<semaphore_mem>>
      %dma_start3A_184 = arith.constant 0 : i32
      %dma_start3A_185 = tpu.memref_slice %arg5[%add3A_151, %dma_start3A_184] : memref<10240x64xf32, #tpu.memory_space<hbm>> -> memref<128x64xf32, #tpu.memory_space<hbm>>
      %dma_start3A_186 = arith.constant 0 : i32
      %dma_start3A_187 = tpu.memref_slice %arg5[%add3A_151, %dma_start3A_186] : memref<10240x64xf32, #tpu.memory_space<hbm>> -> memref<128x64xf32, #tpu.memory_space<hbm>>
      tpu.enqueue_dma source(%dma_start3A_187 : memref<128x64xf32, #tpu.memory_space<hbm>>) target(%arg13 : memref<128x64xf32, #tpu.memory_space<vmem>>) target_semaphore(%run_scoped3A : memref<!tpu.dma_semaphore, #tpu.memory_space<semaphore_mem>>)
      %dma_wait3A_188 = arith.constant 0 : i32
      %dma_wait3A_189 = tpu.memref_slice %arg5[%add3A_151, %dma_wait3A_188] : memref<10240x64xf32, #tpu.memory_space<hbm>> -> memref<128x64xf32, #tpu.memory_space<hbm>>
      %dma_wait3A_190 = arith.constant 0 : i32
      %dma_wait3A_191 = tpu.memref_slice %arg5[%add3A_151, %dma_wait3A_190] : memref<10240x64xf32, #tpu.memory_space<hbm>> -> memref<128x64xf32, #tpu.memory_space<hbm>>
      tpu.wait_dma2 semaphore(%run_scoped3A : memref<!tpu.dma_semaphore, #tpu.memory_space<semaphore_mem>>) src(%dma_wait3A_191 : memref<128x64xf32, #tpu.memory_space<hbm>>) dst(%arg13 : memref<128x64xf32, #tpu.memory_space<vmem>>)
      tpu.yield
    }) : () -> ()
    %scan3A_152 = arith.constant 0 : i32
    %scan3A_153 = arith.constant 0 : i32
    %scan3A_154 = arith.constant 128 : i32
    %scan3A_155 = arith.addi %scan3A_153, %scan3A_154 : i32
    %scan3A_156 = arith.constant 1 : i32
    scf.for %scan3A_184 = %scan3A_153 to %scan3A_155 step %scan3A_156  : i32 {
      %get3A = arith.index_cast %scan3A_184 : i32 to index
      %get3A_185 = arith.constant 0 : index
      %get3A_186 = tpu.vector_load %arg13[%get3A, %get3A_185] {strides = array<i32>} : memref<128x64xf32, #tpu.memory_space<vmem>>, vector<1x16xf32>,
      %get3A_187 = vector.shape_cast %get3A_186 : vector<1x16xf32> to vector<16xf32>
      %get3A_188 = arith.index_cast %scan3A_184 : i32 to index
      %get3A_189 = arith.constant 0 : index
      %get3A_190 = tpu.vector_load %arg11[%get3A_188, %get3A_189] {strides = array<i32>} : memref<128x64xf32, #tpu.memory_space<vmem>>, vector<1x16xf32>,
      %get3A_191 = vector.shape_cast %get3A_190 : vector<1x16xf32> to vector<16xf32>
      %get3A_192 = arith.index_cast %scan3A_184 : i32 to index
      %get3A_193 = arith.constant 0 : index
      %get3A_194 = tpu.vector_load %arg12[%get3A_192, %get3A_193] {strides = array<i32>} : memref<128x64xf32, #tpu.memory_space<vmem>>, vector<1x16xf32>,
      %get3A_195 = vector.shape_cast %get3A_194 : vector<1x16xf32> to vector<16xf32>
      %add3A_196 = arith.addf %get3A_191, %get3A_195 : vector<16xf32>
      %mul3A_197 = arith.mulf %get3A_187, %add3A_196 : vector<16xf32>
      %get3A_198 = arith.constant 0 : index
      %get3A_199 = tpu.vector_load %arg14[%get3A_198] {strides = array<i32>} : memref<64xf32, #tpu.memory_space<vmem>>, vector<16xf32>,
      %get3A_200 = vector.shape_cast %get3A_199 : vector<16xf32> to vector<16xf32>
      %add3A_201 = arith.addf %mul3A_197, %get3A_200 : vector<16xf32>
      %swap3A_202 = arith.index_cast %scan3A_184 : i32 to index
      %swap3A_203 = arith.constant 0 : index
      %swap3A_204 = tpu.vector_load %arg11[%swap3A_202, %swap3A_203] {strides = array<i32>} : memref<128x64xf32, #tpu.memory_space<vmem>>, vector<1x16xf32>,
      %swap3A_205 = vector.shape_cast %swap3A_204 : vector<1x16xf32> to vector<16xf32>
      %swap3A_206 = vector.shape_cast %add3A_201 : vector<16xf32> to vector<1x16xf32>
      tpu.vector_store %arg11[%swap3A_202, %swap3A_203], %swap3A_206 {strides = array<i32>} : memref<128x64xf32, #tpu.memory_space<vmem>>, vector<1x16xf32>,
      %get3A_207 = arith.index_cast %scan3A_184 : i32 to index
      %get3A_208 = arith.constant 16 : index
      %get3A_209 = tpu.vector_load %arg13[%get3A_207, %get3A_208] {strides = array<i32>} : memref<128x64xf32, #tpu.memory_space<vmem>>, vector<1x16xf32>,
      %get3A_210 = vector.shape_cast %get3A_209 : vector<1x16xf32> to vector<16xf32>
      %get3A_211 = arith.index_cast %scan3A_184 : i32 to index
      %get3A_212 = arith.constant 16 : index
      %get3A_213 = tpu.vector_load %arg11[%get3A_211, %get3A_212] {strides = array<i32>} : memref<128x64xf32, #tpu.memory_space<vmem>>, vector<1x16xf32>,
      %get3A_214 = vector.shape_cast %get3A_213 : vector<1x16xf32> to vector<16xf32>
      %get3A_215 = arith.index_cast %scan3A_184 : i32 to index
      %get3A_216 = arith.constant 16 : index
      %get3A_217 = tpu.vector_load %arg12[%get3A_215, %get3A_216] {strides = array<i32>} : memref<128x64xf32, #tpu.memory_space<vmem>>, vector<1x16xf32>,
      %get3A_218 = vector.shape_cast %get3A_217 : vector<1x16xf32> to vector<16xf32>
      %add3A_219 = arith.addf %get3A_214, %get3A_218 : vector<16xf32>
      %mul3A_220 = arith.mulf %get3A_210, %add3A_219 : vector<16xf32>
      %get3A_221 = arith.constant 16 : index
      %get3A_222 = tpu.vector_load %arg14[%get3A_221] {strides = array<i32>} : memref<64xf32, #tpu.memory_space<vmem>>, vector<16xf32>,
      %get3A_223 = vector.shape_cast %get3A_222 : vector<16xf32> to vector<16xf32>
      %add3A_224 = arith.addf %mul3A_220, %get3A_223 : vector<16xf32>
      %swap3A_225 = arith.index_cast %scan3A_184 : i32 to index
      %swap3A_226 = arith.constant 16 : index
      %swap3A_227 = tpu.vector_load %arg11[%swap3A_225, %swap3A_226] {strides = array<i32>} : memref<128x64xf32, #tpu.memory_space<vmem>>, vector<1x16xf32>,
      %swap3A_228 = vector.shape_cast %swap3A_227 : vector<1x16xf32> to vector<16xf32>
      %swap3A_229 = vector.shape_cast %add3A_224 : vector<16xf32> to vector<1x16xf32>
      tpu.vector_store %arg11[%swap3A_225, %swap3A_226], %swap3A_229 {strides = array<i32>} : memref<128x64xf32, #tpu.memory_space<vmem>>, vector<1x16xf32>,
      %get3A_230 = arith.index_cast %scan3A_184 : i32 to index
      %get3A_231 = arith.constant 32 : index
      %get3A_232 = tpu.vector_load %arg13[%get3A_230, %get3A_231] {strides = array<i32>} : memref<128x64xf32, #tpu.memory_space<vmem>>, vector<1x16xf32>,
      %get3A_233 = vector.shape_cast %get3A_232 : vector<1x16xf32> to vector<16xf32>
      %get3A_234 = arith.index_cast %scan3A_184 : i32 to index
      %get3A_235 = arith.constant 32 : index
      %get3A_236 = tpu.vector_load %arg11[%get3A_234, %get3A_235] {strides = array<i32>} : memref<128x64xf32, #tpu.memory_space<vmem>>, vector<1x16xf32>,
      %get3A_237 = vector.shape_cast %get3A_236 : vector<1x16xf32> to vector<16xf32>
      %get3A_238 = arith.index_cast %scan3A_184 : i32 to index
      %get3A_239 = arith.constant 32 : index
      %get3A_240 = tpu.vector_load %arg12[%get3A_238, %get3A_239] {strides = array<i32>} : memref<128x64xf32, #tpu.memory_space<vmem>>, vector<1x16xf32>,
      %get3A_241 = vector.shape_cast %get3A_240 : vector<1x16xf32> to vector<16xf32>
      %add3A_242 = arith.addf %get3A_237, %get3A_241 : vector<16xf32>
      %mul3A_243 = arith.mulf %get3A_233, %add3A_242 : vector<16xf32>
      %get3A_244 = arith.constant 32 : index
      %get3A_245 = tpu.vector_load %arg14[%get3A_244] {strides = array<i32>} : memref<64xf32, #tpu.memory_space<vmem>>, vector<16xf32>,
      %get3A_246 = vector.shape_cast %get3A_245 : vector<16xf32> to vector<16xf32>
      %add3A_247 = arith.addf %mul3A_243, %get3A_246 : vector<16xf32>
      %swap3A_248 = arith.index_cast %scan3A_184 : i32 to index
      %swap3A_249 = arith.constant 32 : index
      %swap3A_250 = tpu.vector_load %arg11[%swap3A_248, %swap3A_249] {strides = array<i32>} : memref<128x64xf32, #tpu.memory_space<vmem>>, vector<1x16xf32>,
      %swap3A_251 = vector.shape_cast %swap3A_250 : vector<1x16xf32> to vector<16xf32>
      %swap3A_252 = vector.shape_cast %add3A_247 : vector<16xf32> to vector<1x16xf32>
      tpu.vector_store %arg11[%swap3A_248, %swap3A_249], %swap3A_252 {strides = array<i32>} : memref<128x64xf32, #tpu.memory_space<vmem>>, vector<1x16xf32>,
      %get3A_253 = arith.index_cast %scan3A_184 : i32 to index
      %get3A_254 = arith.constant 48 : index
      %get3A_255 = tpu.vector_load %arg13[%get3A_253, %get3A_254] {strides = array<i32>} : memref<128x64xf32, #tpu.memory_space<vmem>>, vector<1x16xf32>,
      %get3A_256 = vector.shape_cast %get3A_255 : vector<1x16xf32> to vector<16xf32>
      %get3A_257 = arith.index_cast %scan3A_184 : i32 to index
      %get3A_258 = arith.constant 48 : index
      %get3A_259 = tpu.vector_load %arg11[%get3A_257, %get3A_258] {strides = array<i32>} : memref<128x64xf32, #tpu.memory_space<vmem>>, vector<1x16xf32>,
      %get3A_260 = vector.shape_cast %get3A_259 : vector<1x16xf32> to vector<16xf32>
      %get3A_261 = arith.index_cast %scan3A_184 : i32 to index
      %get3A_262 = arith.constant 48 : index
      %get3A_263 = tpu.vector_load %arg12[%get3A_261, %get3A_262] {strides = array<i32>} : memref<128x64xf32, #tpu.memory_space<vmem>>, vector<1x16xf32>,
      %get3A_264 = vector.shape_cast %get3A_263 : vector<1x16xf32> to vector<16xf32>
      %add3A_265 = arith.addf %get3A_260, %get3A_264 : vector<16xf32>
      %mul3A_266 = arith.mulf %get3A_256, %add3A_265 : vector<16xf32>
      %get3A_267 = arith.constant 48 : index
      %get3A_268 = tpu.vector_load %arg14[%get3A_267] {strides = array<i32>} : memref<64xf32, #tpu.memory_space<vmem>>, vector<16xf32>,
      %get3A_269 = vector.shape_cast %get3A_268 : vector<16xf32> to vector<16xf32>
      %add3A_270 = arith.addf %mul3A_266, %get3A_269 : vector<16xf32>
      %swap3A_271 = arith.index_cast %scan3A_184 : i32 to index
      %swap3A_272 = arith.constant 48 : index
      %swap3A_273 = tpu.vector_load %arg11[%swap3A_271, %swap3A_272] {strides = array<i32>} : memref<128x64xf32, #tpu.memory_space<vmem>>, vector<1x16xf32>,
      %swap3A_274 = vector.shape_cast %swap3A_273 : vector<1x16xf32> to vector<16xf32>
      %swap3A_275 = vector.shape_cast %add3A_270 : vector<16xf32> to vector<1x16xf32>
      tpu.vector_store %arg11[%swap3A_271, %swap3A_272], %swap3A_275 {strides = array<i32>} : memref<128x64xf32, #tpu.memory_space<vmem>>, vector<1x16xf32>,
    }
    %scan3A_157 = arith.constant 128 : i32
    %mul3A_158 = arith.constant 64 : i32
    %mul3A_159 = arith.muli %arg0, %mul3A_158 : i32
    "tpu.region"() ({
      %run_scoped3A = tpu.sem_alloc : memref<!tpu.dma_semaphore, #tpu.memory_space<semaphore_mem>>
      %dma_start3A_184 = tpu.memref_slice %arg8[%add3A_151, %mul3A_159] : memref<10240x128xf32, #tpu.memory_space<hbm>> -> memref<128x64xf32, #tpu.memory_space<hbm>>
      %dma_start3A_185 = tpu.memref_slice %arg8[%add3A_151, %mul3A_159] : memref<10240x128xf32, #tpu.memory_space<hbm>> -> memref<128x64xf32, #tpu.memory_space<hbm>>
      tpu.enqueue_dma source(%arg11 : memref<128x64xf32, #tpu.memory_space<vmem>>) target(%dma_start3A_185 : memref<128x64xf32, #tpu.memory_space<hbm>>) target_semaphore(%run_scoped3A : memref<!tpu.dma_semaphore, #tpu.memory_space<semaphore_mem>>)
      %dma_wait3A_186 = tpu.memref_slice %arg8[%add3A_151, %mul3A_159] : memref<10240x128xf32, #tpu.memory_space<hbm>> -> memref<128x64xf32, #tpu.memory_space<hbm>>
      %dma_wait3A_187 = tpu.memref_slice %arg8[%add3A_151, %mul3A_159] : memref<10240x128xf32, #tpu.memory_space<hbm>> -> memref<128x64xf32, #tpu.memory_space<hbm>>
      tpu.wait_dma2 semaphore(%run_scoped3A : memref<!tpu.dma_semaphore, #tpu.memory_space<semaphore_mem>>) src(%arg11 : memref<128x64xf32, #tpu.memory_space<vmem>>) dst(%dma_wait3A_187 : memref<128x64xf32, #tpu.memory_space<hbm>>)
      tpu.yield
    }) : () -> ()
    %mul3A_160 = arith.constant 640 : i32
    %mul3A_161 = arith.muli %arg1, %mul3A_160 : i32
    %add3A_162 = arith.constant 384 : i32
    %add3A_163 = arith.addi %mul3A_161, %add3A_162 : i32
    "tpu.region"() ({
      %run_scoped3A = tpu.sem_alloc : memref<!tpu.dma_semaphore, #tpu.memory_space<semaphore_mem>>
      %dma_start3A_184 = arith.constant 0 : i32
      %dma_start3A_185 = tpu.memref_slice %arg16[%add3A_163, %dma_start3A_184] : memref<10240x64xf32, #tpu.memory_space<vmem_shared>> -> memref<128x64xf32, #tpu.memory_space<vmem_shared>>
      %dma_start3A_186 = arith.constant 0 : i32
      %dma_start3A_187 = tpu.memref_slice %arg16[%add3A_163, %dma_start3A_186] : memref<10240x64xf32, #tpu.memory_space<vmem_shared>> -> memref<128x64xf32, #tpu.memory_space<vmem_shared>>
      tpu.enqueue_dma source(%dma_start3A_187 : memref<128x64xf32, #tpu.memory_space<vmem_shared>>) target(%arg11 : memref<128x64xf32, #tpu.memory_space<vmem>>) target_semaphore(%run_scoped3A : memref<!tpu.dma_semaphore, #tpu.memory_space<semaphore_mem>>)
      %dma_wait3A_188 = arith.constant 0 : i32
      %dma_wait3A_189 = tpu.memref_slice %arg16[%add3A_163, %dma_wait3A_188] : memref<10240x64xf32, #tpu.memory_space<vmem_shared>> -> memref<128x64xf32, #tpu.memory_space<vmem_shared>>
      %dma_wait3A_190 = arith.constant 0 : i32
      %dma_wait3A_191 = tpu.memref_slice %arg16[%add3A_163, %dma_wait3A_190] : memref<10240x64xf32, #tpu.memory_space<vmem_shared>> -> memref<128x64xf32, #tpu.memory_space<vmem_shared>>
      tpu.wait_dma2 semaphore(%run_scoped3A : memref<!tpu.dma_semaphore, #tpu.memory_space<semaphore_mem>>) src(%dma_wait3A_191 : memref<128x64xf32, #tpu.memory_space<vmem_shared>>) dst(%arg11 : memref<128x64xf32, #tpu.memory_space<vmem>>)
      tpu.yield
    }) : () -> ()
    "tpu.region"() ({
      %run_scoped3A = tpu.sem_alloc : memref<!tpu.dma_semaphore, #tpu.memory_space<semaphore_mem>>
      %dma_start3A_184 = arith.constant 0 : i32
      %dma_start3A_185 = tpu.memref_slice %arg15[%add3A_163, %dma_start3A_184] : memref<10240x64xf32, #tpu.memory_space<vmem_shared>> -> memref<128x64xf32, #tpu.memory_space<vmem_shared>>
      %dma_start3A_186 = arith.constant 0 : i32
      %dma_start3A_187 = tpu.memref_slice %arg15[%add3A_163, %dma_start3A_186] : memref<10240x64xf32, #tpu.memory_space<vmem_shared>> -> memref<128x64xf32, #tpu.memory_space<vmem_shared>>
      tpu.enqueue_dma source(%dma_start3A_187 : memref<128x64xf32, #tpu.memory_space<vmem_shared>>) target(%arg12 : memref<128x64xf32, #tpu.memory_space<vmem>>) target_semaphore(%run_scoped3A : memref<!tpu.dma_semaphore, #tpu.memory_space<semaphore_mem>>)
      %dma_wait3A_188 = arith.constant 0 : i32
      %dma_wait3A_189 = tpu.memref_slice %arg15[%add3A_163, %dma_wait3A_188] : memref<10240x64xf32, #tpu.memory_space<vmem_shared>> -> memref<128x64xf32, #tpu.memory_space<vmem_shared>>
      %dma_wait3A_190 = arith.constant 0 : i32
      %dma_wait3A_191 = tpu.memref_slice %arg15[%add3A_163, %dma_wait3A_190] : memref<10240x64xf32, #tpu.memory_space<vmem_shared>> -> memref<128x64xf32, #tpu.memory_space<vmem_shared>>
      tpu.wait_dma2 semaphore(%run_scoped3A : memref<!tpu.dma_semaphore, #tpu.memory_space<semaphore_mem>>) src(%dma_wait3A_191 : memref<128x64xf32, #tpu.memory_space<vmem_shared>>) dst(%arg12 : memref<128x64xf32, #tpu.memory_space<vmem>>)
      tpu.yield
    }) : () -> ()
    "tpu.region"() ({
      %run_scoped3A = tpu.sem_alloc : memref<!tpu.dma_semaphore, #tpu.memory_space<semaphore_mem>>
      %dma_start3A_184 = arith.constant 0 : i32
      %dma_start3A_185 = tpu.memref_slice %arg5[%add3A_163, %dma_start3A_184] : memref<10240x64xf32, #tpu.memory_space<hbm>> -> memref<128x64xf32, #tpu.memory_space<hbm>>
      %dma_start3A_186 = arith.constant 0 : i32
      %dma_start3A_187 = tpu.memref_slice %arg5[%add3A_163, %dma_start3A_186] : memref<10240x64xf32, #tpu.memory_space<hbm>> -> memref<128x64xf32, #tpu.memory_space<hbm>>
      tpu.enqueue_dma source(%dma_start3A_187 : memref<128x64xf32, #tpu.memory_space<hbm>>) target(%arg13 : memref<128x64xf32, #tpu.memory_space<vmem>>) target_semaphore(%run_scoped3A : memref<!tpu.dma_semaphore, #tpu.memory_space<semaphore_mem>>)
      %dma_wait3A_188 = arith.constant 0 : i32
      %dma_wait3A_189 = tpu.memref_slice %arg5[%add3A_163, %dma_wait3A_188] : memref<10240x64xf32, #tpu.memory_space<hbm>> -> memref<128x64xf32, #tpu.memory_space<hbm>>
      %dma_wait3A_190 = arith.constant 0 : i32
      %dma_wait3A_191 = tpu.memref_slice %arg5[%add3A_163, %dma_wait3A_190] : memref<10240x64xf32, #tpu.memory_space<hbm>> -> memref<128x64xf32, #tpu.memory_space<hbm>>
      tpu.wait_dma2 semaphore(%run_scoped3A : memref<!tpu.dma_semaphore, #tpu.memory_space<semaphore_mem>>) src(%dma_wait3A_191 : memref<128x64xf32, #tpu.memory_space<hbm>>) dst(%arg13 : memref<128x64xf32, #tpu.memory_space<vmem>>)
      tpu.yield
    }) : () -> ()
    %scan3A_164 = arith.constant 0 : i32
    %scan3A_165 = arith.constant 0 : i32
    %scan3A_166 = arith.constant 128 : i32
    %scan3A_167 = arith.addi %scan3A_165, %scan3A_166 : i32
    %scan3A_168 = arith.constant 1 : i32
    scf.for %scan3A_184 = %scan3A_165 to %scan3A_167 step %scan3A_168  : i32 {
      %get3A = arith.index_cast %scan3A_184 : i32 to index
      %get3A_185 = arith.constant 0 : index
      %get3A_186 = tpu.vector_load %arg13[%get3A, %get3A_185] {strides = array<i32>} : memref<128x64xf32, #tpu.memory_space<vmem>>, vector<1x16xf32>,
      %get3A_187 = vector.shape_cast %get3A_186 : vector<1x16xf32> to vector<16xf32>
      %get3A_188 = arith.index_cast %scan3A_184 : i32 to index
      %get3A_189 = arith.constant 0 : index
      %get3A_190 = tpu.vector_load %arg11[%get3A_188, %get3A_189] {strides = array<i32>} : memref<128x64xf32, #tpu.memory_space<vmem>>, vector<1x16xf32>,
      %get3A_191 = vector.shape_cast %get3A_190 : vector<1x16xf32> to vector<16xf32>
      %get3A_192 = arith.index_cast %scan3A_184 : i32 to index
      %get3A_193 = arith.constant 0 : index
      %get3A_194 = tpu.vector_load %arg12[%get3A_192, %get3A_193] {strides = array<i32>} : memref<128x64xf32, #tpu.memory_space<vmem>>, vector<1x16xf32>,
      %get3A_195 = vector.shape_cast %get3A_194 : vector<1x16xf32> to vector<16xf32>
      %add3A_196 = arith.addf %get3A_191, %get3A_195 : vector<16xf32>
      %mul3A_197 = arith.mulf %get3A_187, %add3A_196 : vector<16xf32>
      %get3A_198 = arith.constant 0 : index
      %get3A_199 = tpu.vector_load %arg14[%get3A_198] {strides = array<i32>} : memref<64xf32, #tpu.memory_space<vmem>>, vector<16xf32>,
      %get3A_200 = vector.shape_cast %get3A_199 : vector<16xf32> to vector<16xf32>
      %add3A_201 = arith.addf %mul3A_197, %get3A_200 : vector<16xf32>
      %swap3A_202 = arith.index_cast %scan3A_184 : i32 to index
      %swap3A_203 = arith.constant 0 : index
      %swap3A_204 = tpu.vector_load %arg11[%swap3A_202, %swap3A_203] {strides = array<i32>} : memref<128x64xf32, #tpu.memory_space<vmem>>, vector<1x16xf32>,
      %swap3A_205 = vector.shape_cast %swap3A_204 : vector<1x16xf32> to vector<16xf32>
      %swap3A_206 = vector.shape_cast %add3A_201 : vector<16xf32> to vector<1x16xf32>
      tpu.vector_store %arg11[%swap3A_202, %swap3A_203], %swap3A_206 {strides = array<i32>} : memref<128x64xf32, #tpu.memory_space<vmem>>, vector<1x16xf32>,
      %get3A_207 = arith.index_cast %scan3A_184 : i32 to index
      %get3A_208 = arith.constant 16 : index
      %get3A_209 = tpu.vector_load %arg13[%get3A_207, %get3A_208] {strides = array<i32>} : memref<128x64xf32, #tpu.memory_space<vmem>>, vector<1x16xf32>,
      %get3A_210 = vector.shape_cast %get3A_209 : vector<1x16xf32> to vector<16xf32>
      %get3A_211 = arith.index_cast %scan3A_184 : i32 to index
      %get3A_212 = arith.constant 16 : index
      %get3A_213 = tpu.vector_load %arg11[%get3A_211, %get3A_212] {strides = array<i32>} : memref<128x64xf32, #tpu.memory_space<vmem>>, vector<1x16xf32>,
      %get3A_214 = vector.shape_cast %get3A_213 : vector<1x16xf32> to vector<16xf32>
      %get3A_215 = arith.index_cast %scan3A_184 : i32 to index
      %get3A_216 = arith.constant 16 : index
      %get3A_217 = tpu.vector_load %arg12[%get3A_215, %get3A_216] {strides = array<i32>} : memref<128x64xf32, #tpu.memory_space<vmem>>, vector<1x16xf32>,
      %get3A_218 = vector.shape_cast %get3A_217 : vector<1x16xf32> to vector<16xf32>
      %add3A_219 = arith.addf %get3A_214, %get3A_218 : vector<16xf32>
      %mul3A_220 = arith.mulf %get3A_210, %add3A_219 : vector<16xf32>
      %get3A_221 = arith.constant 16 : index
      %get3A_222 = tpu.vector_load %arg14[%get3A_221] {strides = array<i32>} : memref<64xf32, #tpu.memory_space<vmem>>, vector<16xf32>,
      %get3A_223 = vector.shape_cast %get3A_222 : vector<16xf32> to vector<16xf32>
      %add3A_224 = arith.addf %mul3A_220, %get3A_223 : vector<16xf32>
      %swap3A_225 = arith.index_cast %scan3A_184 : i32 to index
      %swap3A_226 = arith.constant 16 : index
      %swap3A_227 = tpu.vector_load %arg11[%swap3A_225, %swap3A_226] {strides = array<i32>} : memref<128x64xf32, #tpu.memory_space<vmem>>, vector<1x16xf32>,
      %swap3A_228 = vector.shape_cast %swap3A_227 : vector<1x16xf32> to vector<16xf32>
      %swap3A_229 = vector.shape_cast %add3A_224 : vector<16xf32> to vector<1x16xf32>
      tpu.vector_store %arg11[%swap3A_225, %swap3A_226], %swap3A_229 {strides = array<i32>} : memref<128x64xf32, #tpu.memory_space<vmem>>, vector<1x16xf32>,
      %get3A_230 = arith.index_cast %scan3A_184 : i32 to index
      %get3A_231 = arith.constant 32 : index
      %get3A_232 = tpu.vector_load %arg13[%get3A_230, %get3A_231] {strides = array<i32>} : memref<128x64xf32, #tpu.memory_space<vmem>>, vector<1x16xf32>,
      %get3A_233 = vector.shape_cast %get3A_232 : vector<1x16xf32> to vector<16xf32>
      %get3A_234 = arith.index_cast %scan3A_184 : i32 to index
      %get3A_235 = arith.constant 32 : index
      %get3A_236 = tpu.vector_load %arg11[%get3A_234, %get3A_235] {strides = array<i32>} : memref<128x64xf32, #tpu.memory_space<vmem>>, vector<1x16xf32>,
      %get3A_237 = vector.shape_cast %get3A_236 : vector<1x16xf32> to vector<16xf32>
      %get3A_238 = arith.index_cast %scan3A_184 : i32 to index
      %get3A_239 = arith.constant 32 : index
      %get3A_240 = tpu.vector_load %arg12[%get3A_238, %get3A_239] {strides = array<i32>} : memref<128x64xf32, #tpu.memory_space<vmem>>, vector<1x16xf32>,
      %get3A_241 = vector.shape_cast %get3A_240 : vector<1x16xf32> to vector<16xf32>
      %add3A_242 = arith.addf %get3A_237, %get3A_241 : vector<16xf32>
      %mul3A_243 = arith.mulf %get3A_233, %add3A_242 : vector<16xf32>
      %get3A_244 = arith.constant 32 : index
      %get3A_245 = tpu.vector_load %arg14[%get3A_244] {strides = array<i32>} : memref<64xf32, #tpu.memory_space<vmem>>, vector<16xf32>,
      %get3A_246 = vector.shape_cast %get3A_245 : vector<16xf32> to vector<16xf32>
      %add3A_247 = arith.addf %mul3A_243, %get3A_246 : vector<16xf32>
      %swap3A_248 = arith.index_cast %scan3A_184 : i32 to index
      %swap3A_249 = arith.constant 32 : index
      %swap3A_250 = tpu.vector_load %arg11[%swap3A_248, %swap3A_249] {strides = array<i32>} : memref<128x64xf32, #tpu.memory_space<vmem>>, vector<1x16xf32>,
      %swap3A_251 = vector.shape_cast %swap3A_250 : vector<1x16xf32> to vector<16xf32>
      %swap3A_252 = vector.shape_cast %add3A_247 : vector<16xf32> to vector<1x16xf32>
      tpu.vector_store %arg11[%swap3A_248, %swap3A_249], %swap3A_252 {strides = array<i32>} : memref<128x64xf32, #tpu.memory_space<vmem>>, vector<1x16xf32>,
      %get3A_253 = arith.index_cast %scan3A_184 : i32 to index
      %get3A_254 = arith.constant 48 : index
      %get3A_255 = tpu.vector_load %arg13[%get3A_253, %get3A_254] {strides = array<i32>} : memref<128x64xf32, #tpu.memory_space<vmem>>, vector<1x16xf32>,
      %get3A_256 = vector.shape_cast %get3A_255 : vector<1x16xf32> to vector<16xf32>
      %get3A_257 = arith.index_cast %scan3A_184 : i32 to index
      %get3A_258 = arith.constant 48 : index
      %get3A_259 = tpu.vector_load %arg11[%get3A_257, %get3A_258] {strides = array<i32>} : memref<128x64xf32, #tpu.memory_space<vmem>>, vector<1x16xf32>,
      %get3A_260 = vector.shape_cast %get3A_259 : vector<1x16xf32> to vector<16xf32>
      %get3A_261 = arith.index_cast %scan3A_184 : i32 to index
      %get3A_262 = arith.constant 48 : index
      %get3A_263 = tpu.vector_load %arg12[%get3A_261, %get3A_262] {strides = array<i32>} : memref<128x64xf32, #tpu.memory_space<vmem>>, vector<1x16xf32>,
      %get3A_264 = vector.shape_cast %get3A_263 : vector<1x16xf32> to vector<16xf32>
      %add3A_265 = arith.addf %get3A_260, %get3A_264 : vector<16xf32>
      %mul3A_266 = arith.mulf %get3A_256, %add3A_265 : vector<16xf32>
      %get3A_267 = arith.constant 48 : index
      %get3A_268 = tpu.vector_load %arg14[%get3A_267] {strides = array<i32>} : memref<64xf32, #tpu.memory_space<vmem>>, vector<16xf32>,
      %get3A_269 = vector.shape_cast %get3A_268 : vector<16xf32> to vector<16xf32>
      %add3A_270 = arith.addf %mul3A_266, %get3A_269 : vector<16xf32>
      %swap3A_271 = arith.index_cast %scan3A_184 : i32 to index
      %swap3A_272 = arith.constant 48 : index
      %swap3A_273 = tpu.vector_load %arg11[%swap3A_271, %swap3A_272] {strides = array<i32>} : memref<128x64xf32, #tpu.memory_space<vmem>>, vector<1x16xf32>,
      %swap3A_274 = vector.shape_cast %swap3A_273 : vector<1x16xf32> to vector<16xf32>
      %swap3A_275 = vector.shape_cast %add3A_270 : vector<16xf32> to vector<1x16xf32>
      tpu.vector_store %arg11[%swap3A_271, %swap3A_272], %swap3A_275 {strides = array<i32>} : memref<128x64xf32, #tpu.memory_space<vmem>>, vector<1x16xf32>,
    }
    %scan3A_169 = arith.constant 128 : i32
    %mul3A_170 = arith.constant 64 : i32
    %mul3A_171 = arith.muli %arg0, %mul3A_170 : i32
    "tpu.region"() ({
      %run_scoped3A = tpu.sem_alloc : memref<!tpu.dma_semaphore, #tpu.memory_space<semaphore_mem>>
      %dma_start3A_184 = tpu.memref_slice %arg8[%add3A_163, %mul3A_171] : memref<10240x128xf32, #tpu.memory_space<hbm>> -> memref<128x64xf32, #tpu.memory_space<hbm>>
      %dma_start3A_185 = tpu.memref_slice %arg8[%add3A_163, %mul3A_171] : memref<10240x128xf32, #tpu.memory_space<hbm>> -> memref<128x64xf32, #tpu.memory_space<hbm>>
      tpu.enqueue_dma source(%arg11 : memref<128x64xf32, #tpu.memory_space<vmem>>) target(%dma_start3A_185 : memref<128x64xf32, #tpu.memory_space<hbm>>) target_semaphore(%run_scoped3A : memref<!tpu.dma_semaphore, #tpu.memory_space<semaphore_mem>>)
      %dma_wait3A_186 = tpu.memref_slice %arg8[%add3A_163, %mul3A_171] : memref<10240x128xf32, #tpu.memory_space<hbm>> -> memref<128x64xf32, #tpu.memory_space<hbm>>
      %dma_wait3A_187 = tpu.memref_slice %arg8[%add3A_163, %mul3A_171] : memref<10240x128xf32, #tpu.memory_space<hbm>> -> memref<128x64xf32, #tpu.memory_space<hbm>>
      tpu.wait_dma2 semaphore(%run_scoped3A : memref<!tpu.dma_semaphore, #tpu.memory_space<semaphore_mem>>) src(%arg11 : memref<128x64xf32, #tpu.memory_space<vmem>>) dst(%dma_wait3A_187 : memref<128x64xf32, #tpu.memory_space<hbm>>)
      tpu.yield
    }) : () -> ()
    %mul3A_172 = arith.constant 640 : i32
    %mul3A_173 = arith.muli %arg1, %mul3A_172 : i32
    %add3A_174 = arith.constant 512 : i32
    %add3A_175 = arith.addi %mul3A_173, %add3A_174 : i32
    "tpu.region"() ({
      %run_scoped3A = tpu.sem_alloc : memref<!tpu.dma_semaphore, #tpu.memory_space<semaphore_mem>>
      %dma_start3A_184 = arith.constant 0 : i32
      %dma_start3A_185 = tpu.memref_slice %arg16[%add3A_175, %dma_start3A_184] : memref<10240x64xf32, #tpu.memory_space<vmem_shared>> -> memref<128x64xf32, #tpu.memory_space<vmem_shared>>
      %dma_start3A_186 = arith.constant 0 : i32
      %dma_start3A_187 = tpu.memref_slice %arg16[%add3A_175, %dma_start3A_186] : memref<10240x64xf32, #tpu.memory_space<vmem_shared>> -> memref<128x64xf32, #tpu.memory_space<vmem_shared>>
      tpu.enqueue_dma source(%dma_start3A_187 : memref<128x64xf32, #tpu.memory_space<vmem_shared>>) target(%arg11 : memref<128x64xf32, #tpu.memory_space<vmem>>) target_semaphore(%run_scoped3A : memref<!tpu.dma_semaphore, #tpu.memory_space<semaphore_mem>>)
      %dma_wait3A_188 = arith.constant 0 : i32
      %dma_wait3A_189 = tpu.memref_slice %arg16[%add3A_175, %dma_wait3A_188] : memref<10240x64xf32, #tpu.memory_space<vmem_shared>> -> memref<128x64xf32, #tpu.memory_space<vmem_shared>>
      %dma_wait3A_190 = arith.constant 0 : i32
      %dma_wait3A_191 = tpu.memref_slice %arg16[%add3A_175, %dma_wait3A_190] : memref<10240x64xf32, #tpu.memory_space<vmem_shared>> -> memref<128x64xf32, #tpu.memory_space<vmem_shared>>
      tpu.wait_dma2 semaphore(%run_scoped3A : memref<!tpu.dma_semaphore, #tpu.memory_space<semaphore_mem>>) src(%dma_wait3A_191 : memref<128x64xf32, #tpu.memory_space<vmem_shared>>) dst(%arg11 : memref<128x64xf32, #tpu.memory_space<vmem>>)
      tpu.yield
    }) : () -> ()
    "tpu.region"() ({
      %run_scoped3A = tpu.sem_alloc : memref<!tpu.dma_semaphore, #tpu.memory_space<semaphore_mem>>
      %dma_start3A_184 = arith.constant 0 : i32
      %dma_start3A_185 = tpu.memref_slice %arg15[%add3A_175, %dma_start3A_184] : memref<10240x64xf32, #tpu.memory_space<vmem_shared>> -> memref<128x64xf32, #tpu.memory_space<vmem_shared>>
      %dma_start3A_186 = arith.constant 0 : i32
      %dma_start3A_187 = tpu.memref_slice %arg15[%add3A_175, %dma_start3A_186] : memref<10240x64xf32, #tpu.memory_space<vmem_shared>> -> memref<128x64xf32, #tpu.memory_space<vmem_shared>>
      tpu.enqueue_dma source(%dma_start3A_187 : memref<128x64xf32, #tpu.memory_space<vmem_shared>>) target(%arg12 : memref<128x64xf32, #tpu.memory_space<vmem>>) target_semaphore(%run_scoped3A : memref<!tpu.dma_semaphore, #tpu.memory_space<semaphore_mem>>)
      %dma_wait3A_188 = arith.constant 0 : i32
      %dma_wait3A_189 = tpu.memref_slice %arg15[%add3A_175, %dma_wait3A_188] : memref<10240x64xf32, #tpu.memory_space<vmem_shared>> -> memref<128x64xf32, #tpu.memory_space<vmem_shared>>
      %dma_wait3A_190 = arith.constant 0 : i32
      %dma_wait3A_191 = tpu.memref_slice %arg15[%add3A_175, %dma_wait3A_190] : memref<10240x64xf32, #tpu.memory_space<vmem_shared>> -> memref<128x64xf32, #tpu.memory_space<vmem_shared>>
      tpu.wait_dma2 semaphore(%run_scoped3A : memref<!tpu.dma_semaphore, #tpu.memory_space<semaphore_mem>>) src(%dma_wait3A_191 : memref<128x64xf32, #tpu.memory_space<vmem_shared>>) dst(%arg12 : memref<128x64xf32, #tpu.memory_space<vmem>>)
      tpu.yield
    }) : () -> ()
    "tpu.region"() ({
      %run_scoped3A = tpu.sem_alloc : memref<!tpu.dma_semaphore, #tpu.memory_space<semaphore_mem>>
      %dma_start3A_184 = arith.constant 0 : i32
      %dma_start3A_185 = tpu.memref_slice %arg5[%add3A_175, %dma_start3A_184] : memref<10240x64xf32, #tpu.memory_space<hbm>> -> memref<128x64xf32, #tpu.memory_space<hbm>>
      %dma_start3A_186 = arith.constant 0 : i32
      %dma_start3A_187 = tpu.memref_slice %arg5[%add3A_175, %dma_start3A_186] : memref<10240x64xf32, #tpu.memory_space<hbm>> -> memref<128x64xf32, #tpu.memory_space<hbm>>
      tpu.enqueue_dma source(%dma_start3A_187 : memref<128x64xf32, #tpu.memory_space<hbm>>) target(%arg13 : memref<128x64xf32, #tpu.memory_space<vmem>>) target_semaphore(%run_scoped3A : memref<!tpu.dma_semaphore, #tpu.memory_space<semaphore_mem>>)
      %dma_wait3A_188 = arith.constant 0 : i32
      %dma_wait3A_189 = tpu.memref_slice %arg5[%add3A_175, %dma_wait3A_188] : memref<10240x64xf32, #tpu.memory_space<hbm>> -> memref<128x64xf32, #tpu.memory_space<hbm>>
      %dma_wait3A_190 = arith.constant 0 : i32
      %dma_wait3A_191 = tpu.memref_slice %arg5[%add3A_175, %dma_wait3A_190] : memref<10240x64xf32, #tpu.memory_space<hbm>> -> memref<128x64xf32, #tpu.memory_space<hbm>>
      tpu.wait_dma2 semaphore(%run_scoped3A : memref<!tpu.dma_semaphore, #tpu.memory_space<semaphore_mem>>) src(%dma_wait3A_191 : memref<128x64xf32, #tpu.memory_space<hbm>>) dst(%arg13 : memref<128x64xf32, #tpu.memory_space<vmem>>)
      tpu.yield
    }) : () -> ()
    %scan3A_176 = arith.constant 0 : i32
    %scan3A_177 = arith.constant 0 : i32
    %scan3A_178 = arith.constant 128 : i32
    %scan3A_179 = arith.addi %scan3A_177, %scan3A_178 : i32
    %scan3A_180 = arith.constant 1 : i32
    scf.for %scan3A_184 = %scan3A_177 to %scan3A_179 step %scan3A_180  : i32 {
      %get3A = arith.index_cast %scan3A_184 : i32 to index
      %get3A_185 = arith.constant 0 : index
      %get3A_186 = tpu.vector_load %arg13[%get3A, %get3A_185] {strides = array<i32>} : memref<128x64xf32, #tpu.memory_space<vmem>>, vector<1x16xf32>,
      %get3A_187 = vector.shape_cast %get3A_186 : vector<1x16xf32> to vector<16xf32>
      %get3A_188 = arith.index_cast %scan3A_184 : i32 to index
      %get3A_189 = arith.constant 0 : index
      %get3A_190 = tpu.vector_load %arg11[%get3A_188, %get3A_189] {strides = array<i32>} : memref<128x64xf32, #tpu.memory_space<vmem>>, vector<1x16xf32>,
      %get3A_191 = vector.shape_cast %get3A_190 : vector<1x16xf32> to vector<16xf32>
      %get3A_192 = arith.index_cast %scan3A_184 : i32 to index
      %get3A_193 = arith.constant 0 : index
      %get3A_194 = tpu.vector_load %arg12[%get3A_192, %get3A_193] {strides = array<i32>} : memref<128x64xf32, #tpu.memory_space<vmem>>, vector<1x16xf32>,
      %get3A_195 = vector.shape_cast %get3A_194 : vector<1x16xf32> to vector<16xf32>
      %add3A_196 = arith.addf %get3A_191, %get3A_195 : vector<16xf32>
      %mul3A_197 = arith.mulf %get3A_187, %add3A_196 : vector<16xf32>
      %get3A_198 = arith.constant 0 : index
      %get3A_199 = tpu.vector_load %arg14[%get3A_198] {strides = array<i32>} : memref<64xf32, #tpu.memory_space<vmem>>, vector<16xf32>,
      %get3A_200 = vector.shape_cast %get3A_199 : vector<16xf32> to vector<16xf32>
      %add3A_201 = arith.addf %mul3A_197, %get3A_200 : vector<16xf32>
      %swap3A_202 = arith.index_cast %scan3A_184 : i32 to index
      %swap3A_203 = arith.constant 0 : index
      %swap3A_204 = tpu.vector_load %arg11[%swap3A_202, %swap3A_203] {strides = array<i32>} : memref<128x64xf32, #tpu.memory_space<vmem>>, vector<1x16xf32>,
      %swap3A_205 = vector.shape_cast %swap3A_204 : vector<1x16xf32> to vector<16xf32>
      %swap3A_206 = vector.shape_cast %add3A_201 : vector<16xf32> to vector<1x16xf32>
      tpu.vector_store %arg11[%swap3A_202, %swap3A_203], %swap3A_206 {strides = array<i32>} : memref<128x64xf32, #tpu.memory_space<vmem>>, vector<1x16xf32>,
      %get3A_207 = arith.index_cast %scan3A_184 : i32 to index
      %get3A_208 = arith.constant 16 : index
      %get3A_209 = tpu.vector_load %arg13[%get3A_207, %get3A_208] {strides = array<i32>} : memref<128x64xf32, #tpu.memory_space<vmem>>, vector<1x16xf32>,
      %get3A_210 = vector.shape_cast %get3A_209 : vector<1x16xf32> to vector<16xf32>
      %get3A_211 = arith.index_cast %scan3A_184 : i32 to index
      %get3A_212 = arith.constant 16 : index
      %get3A_213 = tpu.vector_load %arg11[%get3A_211, %get3A_212] {strides = array<i32>} : memref<128x64xf32, #tpu.memory_space<vmem>>, vector<1x16xf32>,
      %get3A_214 = vector.shape_cast %get3A_213 : vector<1x16xf32> to vector<16xf32>
      %get3A_215 = arith.index_cast %scan3A_184 : i32 to index
      %get3A_216 = arith.constant 16 : index
      %get3A_217 = tpu.vector_load %arg12[%get3A_215, %get3A_216] {strides = array<i32>} : memref<128x64xf32, #tpu.memory_space<vmem>>, vector<1x16xf32>,
      %get3A_218 = vector.shape_cast %get3A_217 : vector<1x16xf32> to vector<16xf32>
      %add3A_219 = arith.addf %get3A_214, %get3A_218 : vector<16xf32>
      %mul3A_220 = arith.mulf %get3A_210, %add3A_219 : vector<16xf32>
      %get3A_221 = arith.constant 16 : index
      %get3A_222 = tpu.vector_load %arg14[%get3A_221] {strides = array<i32>} : memref<64xf32, #tpu.memory_space<vmem>>, vector<16xf32>,
      %get3A_223 = vector.shape_cast %get3A_222 : vector<16xf32> to vector<16xf32>
      %add3A_224 = arith.addf %mul3A_220, %get3A_223 : vector<16xf32>
      %swap3A_225 = arith.index_cast %scan3A_184 : i32 to index
      %swap3A_226 = arith.constant 16 : index
      %swap3A_227 = tpu.vector_load %arg11[%swap3A_225, %swap3A_226] {strides = array<i32>} : memref<128x64xf32, #tpu.memory_space<vmem>>, vector<1x16xf32>,
      %swap3A_228 = vector.shape_cast %swap3A_227 : vector<1x16xf32> to vector<16xf32>
      %swap3A_229 = vector.shape_cast %add3A_224 : vector<16xf32> to vector<1x16xf32>
      tpu.vector_store %arg11[%swap3A_225, %swap3A_226], %swap3A_229 {strides = array<i32>} : memref<128x64xf32, #tpu.memory_space<vmem>>, vector<1x16xf32>,
      %get3A_230 = arith.index_cast %scan3A_184 : i32 to index
      %get3A_231 = arith.constant 32 : index
      %get3A_232 = tpu.vector_load %arg13[%get3A_230, %get3A_231] {strides = array<i32>} : memref<128x64xf32, #tpu.memory_space<vmem>>, vector<1x16xf32>,
      %get3A_233 = vector.shape_cast %get3A_232 : vector<1x16xf32> to vector<16xf32>
      %get3A_234 = arith.index_cast %scan3A_184 : i32 to index
      %get3A_235 = arith.constant 32 : index
      %get3A_236 = tpu.vector_load %arg11[%get3A_234, %get3A_235] {strides = array<i32>} : memref<128x64xf32, #tpu.memory_space<vmem>>, vector<1x16xf32>,
      %get3A_237 = vector.shape_cast %get3A_236 : vector<1x16xf32> to vector<16xf32>
      %get3A_238 = arith.index_cast %scan3A_184 : i32 to index
      %get3A_239 = arith.constant 32 : index
      %get3A_240 = tpu.vector_load %arg12[%get3A_238, %get3A_239] {strides = array<i32>} : memref<128x64xf32, #tpu.memory_space<vmem>>, vector<1x16xf32>,
      %get3A_241 = vector.shape_cast %get3A_240 : vector<1x16xf32> to vector<16xf32>
      %add3A_242 = arith.addf %get3A_237, %get3A_241 : vector<16xf32>
      %mul3A_243 = arith.mulf %get3A_233, %add3A_242 : vector<16xf32>
      %get3A_244 = arith.constant 32 : index
      %get3A_245 = tpu.vector_load %arg14[%get3A_244] {strides = array<i32>} : memref<64xf32, #tpu.memory_space<vmem>>, vector<16xf32>,
      %get3A_246 = vector.shape_cast %get3A_245 : vector<16xf32> to vector<16xf32>
      %add3A_247 = arith.addf %mul3A_243, %get3A_246 : vector<16xf32>
      %swap3A_248 = arith.index_cast %scan3A_184 : i32 to index
      %swap3A_249 = arith.constant 32 : index
      %swap3A_250 = tpu.vector_load %arg11[%swap3A_248, %swap3A_249] {strides = array<i32>} : memref<128x64xf32, #tpu.memory_space<vmem>>, vector<1x16xf32>,
      %swap3A_251 = vector.shape_cast %swap3A_250 : vector<1x16xf32> to vector<16xf32>
      %swap3A_252 = vector.shape_cast %add3A_247 : vector<16xf32> to vector<1x16xf32>
      tpu.vector_store %arg11[%swap3A_248, %swap3A_249], %swap3A_252 {strides = array<i32>} : memref<128x64xf32, #tpu.memory_space<vmem>>, vector<1x16xf32>,
      %get3A_253 = arith.index_cast %scan3A_184 : i32 to index
      %get3A_254 = arith.constant 48 : index
      %get3A_255 = tpu.vector_load %arg13[%get3A_253, %get3A_254] {strides = array<i32>} : memref<128x64xf32, #tpu.memory_space<vmem>>, vector<1x16xf32>,
      %get3A_256 = vector.shape_cast %get3A_255 : vector<1x16xf32> to vector<16xf32>
      %get3A_257 = arith.index_cast %scan3A_184 : i32 to index
      %get3A_258 = arith.constant 48 : index
      %get3A_259 = tpu.vector_load %arg11[%get3A_257, %get3A_258] {strides = array<i32>} : memref<128x64xf32, #tpu.memory_space<vmem>>, vector<1x16xf32>,
      %get3A_260 = vector.shape_cast %get3A_259 : vector<1x16xf32> to vector<16xf32>
      %get3A_261 = arith.index_cast %scan3A_184 : i32 to index
      %get3A_262 = arith.constant 48 : index
      %get3A_263 = tpu.vector_load %arg12[%get3A_261, %get3A_262] {strides = array<i32>} : memref<128x64xf32, #tpu.memory_space<vmem>>, vector<1x16xf32>,
      %get3A_264 = vector.shape_cast %get3A_263 : vector<1x16xf32> to vector<16xf32>
      %add3A_265 = arith.addf %get3A_260, %get3A_264 : vector<16xf32>
      %mul3A_266 = arith.mulf %get3A_256, %add3A_265 : vector<16xf32>
      %get3A_267 = arith.constant 48 : index
      %get3A_268 = tpu.vector_load %arg14[%get3A_267] {strides = array<i32>} : memref<64xf32, #tpu.memory_space<vmem>>, vector<16xf32>,
      %get3A_269 = vector.shape_cast %get3A_268 : vector<16xf32> to vector<16xf32>
      %add3A_270 = arith.addf %mul3A_266, %get3A_269 : vector<16xf32>
      %swap3A_271 = arith.index_cast %scan3A_184 : i32 to index
      %swap3A_272 = arith.constant 48 : index
      %swap3A_273 = tpu.vector_load %arg11[%swap3A_271, %swap3A_272] {strides = array<i32>} : memref<128x64xf32, #tpu.memory_space<vmem>>, vector<1x16xf32>,
      %swap3A_274 = vector.shape_cast %swap3A_273 : vector<1x16xf32> to vector<16xf32>
      %swap3A_275 = vector.shape_cast %add3A_270 : vector<16xf32> to vector<1x16xf32>
      tpu.vector_store %arg11[%swap3A_271, %swap3A_272], %swap3A_275 {strides = array<i32>} : memref<128x64xf32, #tpu.memory_space<vmem>>, vector<1x16xf32>,
    }
    %scan3A_181 = arith.constant 128 : i32
    %mul3A_182 = arith.constant 64 : i32
    %mul3A_183 = arith.muli %arg0, %mul3A_182 : i32
    "tpu.region"() ({
      %run_scoped3A = tpu.sem_alloc : memref<!tpu.dma_semaphore, #tpu.memory_space<semaphore_mem>>
      %dma_start3A_184 = tpu.memref_slice %arg8[%add3A_175, %mul3A_183] : memref<10240x128xf32, #tpu.memory_space<hbm>> -> memref<128x64xf32, #tpu.memory_space<hbm>>
      %dma_start3A_185 = tpu.memref_slice %arg8[%add3A_175, %mul3A_183] : memref<10240x128xf32, #tpu.memory_space<hbm>> -> memref<128x64xf32, #tpu.memory_space<hbm>>
      tpu.enqueue_dma source(%arg11 : memref<128x64xf32, #tpu.memory_space<vmem>>) target(%dma_start3A_185 : memref<128x64xf32, #tpu.memory_space<hbm>>) target_semaphore(%run_scoped3A : memref<!tpu.dma_semaphore, #tpu.memory_space<semaphore_mem>>)
      %dma_wait3A_186 = tpu.memref_slice %arg8[%add3A_175, %mul3A_183] : memref<10240x128xf32, #tpu.memory_space<hbm>> -> memref<128x64xf32, #tpu.memory_space<hbm>>
      %dma_wait3A_187 = tpu.memref_slice %arg8[%add3A_175, %mul3A_183] : memref<10240x128xf32, #tpu.memory_space<hbm>> -> memref<128x64xf32, #tpu.memory_space<hbm>>
      tpu.wait_dma2 semaphore(%run_scoped3A : memref<!tpu.dma_semaphore, #tpu.memory_space<semaphore_mem>>) src(%arg11 : memref<128x64xf32, #tpu.memory_space<vmem>>) dst(%dma_wait3A_187 : memref<128x64xf32, #tpu.memory_space<hbm>>)
      tpu.yield
    }) : () -> ()
    return
  }
}

#map = affine_map<(d0, d1) -> (0, 0, 0)>
#map1 = affine_map<(d0, d1) -> (0)>
module attributes {stable_mosaic.version = 14 : i64} {
  func.func @hist(%arg0: i32, %arg1: i32, %arg2: memref<32x79x128xi32, #tpu.memory_space<hbm>>, %arg3: memref<128xf32, #tpu.memory_space<hbm>>, %arg4: memref<640xf32, #tpu.memory_space<hbm>>, %arg5: memref<20480xf32, #tpu.memory_space<hbm>>, %arg6: memref<79x128xi32, #tpu.memory_space<vmem>>, %arg7: memref<128xf32, #tpu.memory_space<vmem>>, %arg8: memref<640xf32, #tpu.memory_space<vmem>>, %arg9: memref<10240xf32, #tpu.memory_space<vmem_shared>>) attributes {dimension_semantics = [#tpu.dimension_semantics<core_parallel>, #tpu.dimension_semantics<subcore_parallel>], iteration_bounds = array<i64: 2, 16>, scalar_prefetch = 0 : i64, scratch_operands = 4 : i64, tpu.core_type = #tpu.core_type<sc_vector_subcore>, window_params = [{transform_indices = #map}, {transform_indices = #map1}, {transform_indices = #map1}, {transform_indices = #map1}]} {
    %mul3A = arith.constant 16 : i32
    %mul3A_0 = arith.muli %arg0, %mul3A : i32
    %add3A = arith.addi %mul3A_0, %arg1 : i32
    "tpu.region"() ({
      %run_scoped3A = tpu.sem_alloc : memref<!tpu.dma_semaphore, #tpu.memory_space<semaphore_mem>>
      tpu.enqueue_dma source(%arg4 : memref<640xf32, #tpu.memory_space<hbm>>) target(%arg8 : memref<640xf32, #tpu.memory_space<vmem>>) target_semaphore(%run_scoped3A : memref<!tpu.dma_semaphore, #tpu.memory_space<semaphore_mem>>)
      tpu.wait_dma2 semaphore(%run_scoped3A : memref<!tpu.dma_semaphore, #tpu.memory_space<semaphore_mem>>) src(%arg4 : memref<640xf32, #tpu.memory_space<hbm>>) dst(%arg8 : memref<640xf32, #tpu.memory_space<vmem>>)
      tpu.yield
    }) : () -> ()
    %mul3A_1 = arith.constant 640 : i32
    %mul3A_2 = arith.muli %arg1, %mul3A_1 : i32
    "tpu.region"() ({
      %run_scoped3A = tpu.sem_alloc : memref<!tpu.dma_semaphore, #tpu.memory_space<semaphore_mem>>
      %dma_start3A = tpu.memref_slice %arg9[%mul3A_2] : memref<10240xf32, #tpu.memory_space<vmem_shared>> -> memref<640xf32, #tpu.memory_space<vmem_shared>>
      %dma_start3A_16 = tpu.memref_slice %arg9[%mul3A_2] : memref<10240xf32, #tpu.memory_space<vmem_shared>> -> memref<640xf32, #tpu.memory_space<vmem_shared>>
      tpu.enqueue_dma source(%arg8 : memref<640xf32, #tpu.memory_space<vmem>>) target(%dma_start3A_16 : memref<640xf32, #tpu.memory_space<vmem_shared>>) target_semaphore(%run_scoped3A : memref<!tpu.dma_semaphore, #tpu.memory_space<semaphore_mem>>)
      %dma_wait3A = tpu.memref_slice %arg9[%mul3A_2] : memref<10240xf32, #tpu.memory_space<vmem_shared>> -> memref<640xf32, #tpu.memory_space<vmem_shared>>
      %dma_wait3A_17 = tpu.memref_slice %arg9[%mul3A_2] : memref<10240xf32, #tpu.memory_space<vmem_shared>> -> memref<640xf32, #tpu.memory_space<vmem_shared>>
      tpu.wait_dma2 semaphore(%run_scoped3A : memref<!tpu.dma_semaphore, #tpu.memory_space<semaphore_mem>>) src(%arg8 : memref<640xf32, #tpu.memory_space<vmem>>) dst(%dma_wait3A_17 : memref<640xf32, #tpu.memory_space<vmem_shared>>)
      tpu.yield
    }) : () -> ()
    "tpu.region"() ({
      %run_scoped3A = tpu.sem_alloc : memref<!tpu.dma_semaphore, #tpu.memory_space<semaphore_mem>>
      tpu.enqueue_dma source(%arg3 : memref<128xf32, #tpu.memory_space<hbm>>) target(%arg7 : memref<128xf32, #tpu.memory_space<vmem>>) target_semaphore(%run_scoped3A : memref<!tpu.dma_semaphore, #tpu.memory_space<semaphore_mem>>)
      tpu.wait_dma2 semaphore(%run_scoped3A : memref<!tpu.dma_semaphore, #tpu.memory_space<semaphore_mem>>) src(%arg3 : memref<128xf32, #tpu.memory_space<hbm>>) dst(%arg7 : memref<128xf32, #tpu.memory_space<vmem>>)
      tpu.yield
    }) : () -> ()
    "tpu.region"() ({
      %run_scoped3A = tpu.sem_alloc : memref<!tpu.dma_semaphore, #tpu.memory_space<semaphore_mem>>
      %dma_start3A = arith.constant 0 : i32
      %dma_start3A_16 = arith.constant 0 : i32
      %dma_start3A_17 = tpu.memref_slice %arg2[%add3A, %dma_start3A, %dma_start3A_16] : memref<32x79x128xi32, #tpu.memory_space<hbm>> -> memref<1x79x128xi32, #tpu.memory_space<hbm>>
      %dma_start3A_18 = tpu.memref_squeeze %dma_start3A_17 : memref<1x79x128xi32, #tpu.memory_space<hbm>> -> memref<79x128xi32, #tpu.memory_space<hbm>>
      %dma_start3A_19 = arith.constant 0 : i32
      %dma_start3A_20 = arith.constant 0 : i32
      %dma_start3A_21 = tpu.memref_slice %arg2[%add3A, %dma_start3A_19, %dma_start3A_20] : memref<32x79x128xi32, #tpu.memory_space<hbm>> -> memref<1x79x128xi32, #tpu.memory_space<hbm>>
      %dma_start3A_22 = tpu.memref_squeeze %dma_start3A_21 : memref<1x79x128xi32, #tpu.memory_space<hbm>> -> memref<79x128xi32, #tpu.memory_space<hbm>>
      tpu.enqueue_dma source(%dma_start3A_22 : memref<79x128xi32, #tpu.memory_space<hbm>>) target(%arg6 : memref<79x128xi32, #tpu.memory_space<vmem>>) target_semaphore(%run_scoped3A : memref<!tpu.dma_semaphore, #tpu.memory_space<semaphore_mem>>)
      %dma_wait3A = arith.constant 0 : i32
      %dma_wait3A_23 = arith.constant 0 : i32
      %dma_wait3A_24 = tpu.memref_slice %arg2[%add3A, %dma_wait3A, %dma_wait3A_23] : memref<32x79x128xi32, #tpu.memory_space<hbm>> -> memref<1x79x128xi32, #tpu.memory_space<hbm>>
      %dma_wait3A_25 = tpu.memref_squeeze %dma_wait3A_24 : memref<1x79x128xi32, #tpu.memory_space<hbm>> -> memref<79x128xi32, #tpu.memory_space<hbm>>
      %dma_wait3A_26 = arith.constant 0 : i32
      %dma_wait3A_27 = arith.constant 0 : i32
      %dma_wait3A_28 = tpu.memref_slice %arg2[%add3A, %dma_wait3A_26, %dma_wait3A_27] : memref<32x79x128xi32, #tpu.memory_space<hbm>> -> memref<1x79x128xi32, #tpu.memory_space<hbm>>
      %dma_wait3A_29 = tpu.memref_squeeze %dma_wait3A_28 : memref<1x79x128xi32, #tpu.memory_space<hbm>> -> memref<79x128xi32, #tpu.memory_space<hbm>>
      tpu.wait_dma2 semaphore(%run_scoped3A : memref<!tpu.dma_semaphore, #tpu.memory_space<semaphore_mem>>) src(%dma_wait3A_29 : memref<79x128xi32, #tpu.memory_space<hbm>>) dst(%arg6 : memref<79x128xi32, #tpu.memory_space<vmem>>)
      tpu.yield
    }) : () -> ()
    %barrier3A = arith.constant 0 : index
    tpu.barrier barrier_id(%barrier3A)
    %scan3A = arith.constant 0 : i32
    %scan3A_3 = arith.constant 0 : i32
    %scan3A_4 = arith.constant 79 : i32
    %scan3A_5 = arith.addi %scan3A_3, %scan3A_4 : i32
    %scan3A_6 = arith.constant 1 : i32
    scf.for %scan3A_16 = %scan3A_3 to %scan3A_5 step %scan3A_6  : i32 {
      "tpu.region"() ({
        %run_scoped3A = tpu.sem_alloc : memref<!tpu.dma_semaphore, #tpu.memory_space<semaphore_mem>>
        %dma_start3A = arith.constant 0 : i32
        %dma_start3A_17 = tpu.memref_slice %arg6[%scan3A_16, %dma_start3A] : memref<79x128xi32, #tpu.memory_space<vmem>> -> memref<1x128xi32, #tpu.memory_space<vmem>>
        %dma_start3A_18 = tpu.memref_squeeze %dma_start3A_17 : memref<1x128xi32, #tpu.memory_space<vmem>> -> memref<128xi32, #tpu.memory_space<vmem>>
        %dma_start3A_19 = arith.constant 0 : i32
        %dma_start3A_20 = tpu.memref_slice %arg9[%dma_start3A_19] : memref<10240xf32, #tpu.memory_space<vmem_shared>> -> memref<10240xf32, #tpu.memory_space<vmem_shared>>
        tpu.enqueue_indirect_dma source(%arg7 : memref<128xf32, #tpu.memory_space<vmem>>) target(%dma_start3A_20 : memref<10240xf32, #tpu.memory_space<vmem_shared>>) offsets(%dma_start3A_18 : memref<128xi32, #tpu.memory_space<vmem>>) semaphore(%run_scoped3A : memref<!tpu.dma_semaphore, #tpu.memory_space<semaphore_mem>>) {add = true}
        %dma_wait3A = arith.constant 0 : i32
        %dma_wait3A_21 = tpu.memref_slice %arg6[%scan3A_16, %dma_wait3A] : memref<79x128xi32, #tpu.memory_space<vmem>> -> memref<1x128xi32, #tpu.memory_space<vmem>>
        %dma_wait3A_22 = tpu.memref_squeeze %dma_wait3A_21 : memref<1x128xi32, #tpu.memory_space<vmem>> -> memref<128xi32, #tpu.memory_space<vmem>>
        %dma_wait3A_23 = arith.constant 0 : i32
        %dma_wait3A_24 = tpu.memref_slice %arg9[%dma_wait3A_23] : memref<10240xf32, #tpu.memory_space<vmem_shared>> -> memref<10240xf32, #tpu.memory_space<vmem_shared>>
        tpu.wait_indirect_dma semaphore(%run_scoped3A : memref<!tpu.dma_semaphore, #tpu.memory_space<semaphore_mem>>) src(%arg7 : memref<128xf32, #tpu.memory_space<vmem>>) dst(%dma_wait3A_24 : memref<10240xf32, #tpu.memory_space<vmem_shared>>)
        tpu.yield
      }) : () -> ()
    }
    %scan3A_7 = arith.constant 79 : i32
    %barrier3A_8 = arith.constant 0 : index
    tpu.barrier barrier_id(%barrier3A_8)
    %mul3A_9 = arith.constant 640 : i32
    %mul3A_10 = arith.muli %arg1, %mul3A_9 : i32
    "tpu.region"() ({
      %run_scoped3A = tpu.sem_alloc : memref<!tpu.dma_semaphore, #tpu.memory_space<semaphore_mem>>
      %dma_start3A = tpu.memref_slice %arg9[%mul3A_10] : memref<10240xf32, #tpu.memory_space<vmem_shared>> -> memref<640xf32, #tpu.memory_space<vmem_shared>>
      %dma_start3A_16 = tpu.memref_slice %arg9[%mul3A_10] : memref<10240xf32, #tpu.memory_space<vmem_shared>> -> memref<640xf32, #tpu.memory_space<vmem_shared>>
      tpu.enqueue_dma source(%dma_start3A_16 : memref<640xf32, #tpu.memory_space<vmem_shared>>) target(%arg8 : memref<640xf32, #tpu.memory_space<vmem>>) target_semaphore(%run_scoped3A : memref<!tpu.dma_semaphore, #tpu.memory_space<semaphore_mem>>)
      %dma_wait3A = tpu.memref_slice %arg9[%mul3A_10] : memref<10240xf32, #tpu.memory_space<vmem_shared>> -> memref<640xf32, #tpu.memory_space<vmem_shared>>
      %dma_wait3A_17 = tpu.memref_slice %arg9[%mul3A_10] : memref<10240xf32, #tpu.memory_space<vmem_shared>> -> memref<640xf32, #tpu.memory_space<vmem_shared>>
      tpu.wait_dma2 semaphore(%run_scoped3A : memref<!tpu.dma_semaphore, #tpu.memory_space<semaphore_mem>>) src(%dma_wait3A_17 : memref<640xf32, #tpu.memory_space<vmem_shared>>) dst(%arg8 : memref<640xf32, #tpu.memory_space<vmem>>)
      tpu.yield
    }) : () -> ()
    %mul3A_11 = arith.constant 10240 : i32
    %mul3A_12 = arith.muli %arg0, %mul3A_11 : i32
    %mul3A_13 = arith.constant 640 : i32
    %mul3A_14 = arith.muli %arg1, %mul3A_13 : i32
    %add3A_15 = arith.addi %mul3A_12, %mul3A_14 : i32
    "tpu.region"() ({
      %run_scoped3A = tpu.sem_alloc : memref<!tpu.dma_semaphore, #tpu.memory_space<semaphore_mem>>
      %dma_start3A = tpu.memref_slice %arg5[%add3A_15] : memref<20480xf32, #tpu.memory_space<hbm>> -> memref<640xf32, #tpu.memory_space<hbm>>
      %dma_start3A_16 = tpu.memref_slice %arg5[%add3A_15] : memref<20480xf32, #tpu.memory_space<hbm>> -> memref<640xf32, #tpu.memory_space<hbm>>
      tpu.enqueue_dma source(%arg8 : memref<640xf32, #tpu.memory_space<vmem>>) target(%dma_start3A_16 : memref<640xf32, #tpu.memory_space<hbm>>) target_semaphore(%run_scoped3A : memref<!tpu.dma_semaphore, #tpu.memory_space<semaphore_mem>>)
      %dma_wait3A = tpu.memref_slice %arg5[%add3A_15] : memref<20480xf32, #tpu.memory_space<hbm>> -> memref<640xf32, #tpu.memory_space<hbm>>
      %dma_wait3A_17 = tpu.memref_slice %arg5[%add3A_15] : memref<20480xf32, #tpu.memory_space<hbm>> -> memref<640xf32, #tpu.memory_space<hbm>>
      tpu.wait_dma2 semaphore(%run_scoped3A : memref<!tpu.dma_semaphore, #tpu.memory_space<semaphore_mem>>) src(%arg8 : memref<640xf32, #tpu.memory_space<vmem>>) dst(%dma_wait3A_17 : memref<640xf32, #tpu.memory_space<hbm>>)
      tpu.yield
    }) : () -> ()
    return
  }
}

module attributes {stable_mosaic.version = 14 : i64} {
  func.func @_mm_body(%arg0: i32, %arg1: i32, %arg2: memref<2000x128xf32, #tpu.memory_space<vmem>>, %arg3: memref<1x128x64xf32, #tpu.memory_space<vmem>>, %arg4: memref<2000x1xf32, #tpu.memory_space<vmem>>, %arg5: memref<2000x1xf32, #tpu.memory_space<vmem>>, %arg6: memref<1x2000x64xf32, #tpu.memory_space<vmem>>, %arg7: memref<2000x64xf32, #tpu.memory_space<vmem>>) attributes {dimension_semantics = [#tpu.dimension_semantics<arbitrary>, #tpu.dimension_semantics<arbitrary>], iteration_bounds = array<i64: 2, 5>, scalar_prefetch = 0 : i64, scratch_operands = 0 : i64, tpu.core_type = #tpu.core_type<tc>, window_params = [{transform_indices = @transform_0, window_bounds = array<i64: 2000, 128>}, {transform_indices = @transform_1, window_bounds = array<i64: 1, 128, 64>}, {transform_indices = @transform_2, window_bounds = array<i64: 2000, 1>}, {transform_indices = @transform_3, window_bounds = array<i64: 2000, 1>}, {transform_indices = @transform_4, window_bounds = array<i64: 1, 2000, 64>}, {transform_indices = @transform_5, window_bounds = array<i64: 2000, 64>}]} {
    %get3A = arith.constant 0 : index
    %get3A_0 = arith.constant 0 : index
    %get3A_1 = vector.load %arg4[%get3A, %get3A_0] : memref<2000x1xf32, #tpu.memory_space<vmem>>, vector<2000x1xf32>
    %get3A_2 = arith.constant 0 : index
    %get3A_3 = arith.constant 0 : index
    %get3A_4 = vector.load %arg5[%get3A_2, %get3A_3] : memref<2000x1xf32, #tpu.memory_space<vmem>>, vector<2000x1xf32>
    %add3A = arith.addf %get3A_1, %get3A_4 : vector<2000x1xf32>
    %add3A_5 = arith.constant 1.000000e+00 : f32
    %add3A_6 = vector.broadcast %add3A_5 : f32 to vector<2000x1xf32>
    %add3A_7 = arith.addf %add3A, %add3A_6 : vector<2000x1xf32>
    %rsqrt3A = math.rsqrt %add3A_7 : vector<2000x1xf32>
    %get3A_8 = arith.constant 0 : index
    %get3A_9 = arith.constant 0 : index
    %get3A_10 = vector.load %arg2[%get3A_8, %get3A_9] : memref<2000x128xf32, #tpu.memory_space<vmem>>, vector<2000x128xf32>
    %get3A_11 = arith.constant 0 : index
    %get3A_12 = arith.constant 0 : index
    %get3A_13 = arith.constant 0 : index
    %get3A_14 = vector.load %arg3[%get3A_11, %get3A_12, %get3A_13] : memref<1x128x64xf32, #tpu.memory_space<vmem>>, vector<1x128x64xf32>
    %get3A_15 = vector.shape_cast %get3A_14 : vector<1x128x64xf32> to vector<128x64xf32>
    %dot_general3A = arith.constant dense<0.000000e+00> : vector<2000x64xf32>
    %dot_general3A_16 = tpu.matmul %get3A_10, %get3A_15, %dot_general3A {dimension_numbers = #tpu.dot_dimension_numbers<[1], [0], [0], [1], [0, 0, 1, 1], [], []>, transpose_lhs_hint = false} : vector<2000x128xf32>, vector<128x64xf32>, vector<2000x64xf32> -> vector<2000x64xf32>
    %mul3A = vector.broadcast %rsqrt3A : vector<2000x1xf32> to vector<2000x64xf32>
    %mul3A_17 = arith.mulf %dot_general3A_16, %mul3A : vector<2000x64xf32>
    %swap3A = arith.constant 0 : index
    %swap3A_18 = arith.constant 0 : index
    %swap3A_19 = arith.constant 0 : index
    %swap3A_20 = vector.load %arg6[%swap3A, %swap3A_18, %swap3A_19] : memref<1x2000x64xf32, #tpu.memory_space<vmem>>, vector<1x2000x64xf32>
    %swap3A_21 = vector.shape_cast %swap3A_20 : vector<1x2000x64xf32> to vector<2000x64xf32>
    %swap3A_22 = vector.shape_cast %mul3A_17 : vector<2000x64xf32> to vector<1x2000x64xf32>
    tpu.vector_store %arg6[%swap3A, %swap3A_18, %swap3A_19], %swap3A_22 {strides = array<i32>} : memref<1x2000x64xf32, #tpu.memory_space<vmem>>, vector<1x2000x64xf32>,
    %broadcast_in_dim3A = vector.shape_cast %rsqrt3A : vector<2000x1xf32> to vector<2000x1xf32>
    %broadcast_in_dim3A_23 = vector.broadcast %broadcast_in_dim3A : vector<2000x1xf32> to vector<2000x64xf32>
    %swap3A_24 = arith.constant 0 : index
    %swap3A_25 = arith.constant 0 : index
    %swap3A_26 = vector.load %arg7[%swap3A_24, %swap3A_25] : memref<2000x64xf32, #tpu.memory_space<vmem>>, vector<2000x64xf32>
    tpu.vector_store %arg7[%swap3A_24, %swap3A_25], %broadcast_in_dim3A_23 {strides = array<i32>} : memref<2000x64xf32, #tpu.memory_space<vmem>>, vector<2000x64xf32>,
    return
  }
  func.func @transform_0(%arg0: i32, %arg1: i32) -> (i32, i32) {
    %c0_i32 = arith.constant 0 : i32
    %c0_i32_0 = arith.constant 0 : i32
    return %arg1, %c0_i32 : i32, i32
  }
  func.func @transform_1(%arg0: i32, %arg1: i32) -> (i32, i32, i32) {
    %c0_i32 = arith.constant 0 : i32
    %c0_i32_0 = arith.constant 0 : i32
    %c0_i32_1 = arith.constant 0 : i32
    return %arg0, %c0_i32, %c0_i32_0 : i32, i32, i32
  }
  func.func @transform_2(%arg0: i32, %arg1: i32) -> (i32, i32) {
    %c0_i32 = arith.constant 0 : i32
    %c0_i32_0 = arith.constant 0 : i32
    return %arg1, %c0_i32 : i32, i32
  }
  func.func @transform_3(%arg0: i32, %arg1: i32) -> (i32, i32) {
    %c0_i32 = arith.constant 0 : i32
    %c0_i32_0 = arith.constant 0 : i32
    return %arg1, %c0_i32 : i32, i32
  }
  func.func @transform_4(%arg0: i32, %arg1: i32) -> (i32, i32, i32) {
    %c0_i32 = arith.constant 0 : i32
    %c0_i32_0 = arith.constant 0 : i32
    return %arg0, %arg1, %c0_i32 : i32, i32, i32
  }
  func.func @transform_5(%arg0: i32, %arg1: i32) -> (i32, i32) {
    %c0_i32 = arith.constant 0 : i32
    %c0_i32_0 = arith.constant 0 : i32
    return %arg1, %c0_i32 : i32, i32
  }
}

</mosaic_0001>

<sc_bundles>
// kernel: kernel.5.cloned.1.call-start
scs
__scs_entry_jumppad:
0x0: {  	(pc) =	sbr.rel $0x88, $3  }
0x1: {  	(tag) =	ssettag $0x0;
	lr =	simm.s32 $0x1  }
0x2: {  	[smem:$0x3F9D] =	sst lr;
	_ =	strace $0xD0000000  }
0x3: {  	_ = 	snop  }
0x4: {  	_ = 	snop  }
0x5: {  	_ = 	snop  }
0x6: {  	_ = 	snop  }
0x7: {  	_ = 	snop  }
__scs_overlays_trampoline_lowered:
0x8: {  	[smem:$0x3FAC] =	sst s0  }
0x9: {  	[smem:$0x3FAD] =	sst s1  }
0xa: {  	[smem:$0x3FAE] =	sst s2  }
0xb: {  	[smem:$0x3FAF] =	sst s3  }
0xc: {  	[smem:$0x3FB0] =	sst s4  }
0xd: {  	[smem:$0x3FB1] =	sst s5  }
0xe: {  	[smem:$0x3FB2] =	sst s6  }
0xf: {  	[smem:$0x3FB3] =	sst s7  }
0x10: {  	[smem:$0x3FB4] =	sst s8  }
0x11: {  	[smem:$0x3FB5] =	sst s9;
	s0 =	simm.s32 @!p0 $0x0  }
0x12: {  	s1 =	sld [smem:$0x3F9B];
	s0 =	simm.s32 @p0 $0x1  }
0x13: {  	[smem:$0x3FB6] =	sst s0;
	s0 =	simm.s32 @!p1 $0x0  }
0x14: {  	s2 =	sld [smem:$0x3F9A];
	s0 =	simm.s32 @p1 $0x1  }
0x15: {  	[smem:$0x3FB7] =	sst s0;
	s0 =	simm.s32 @!p2 $0x0  }
0x16: {  	s3 =	sld [smem:$0x3FDB];
	s0 =	simm.s32 @p2 $0x1  }
0x17: {  	s4 =	simm.s32 $0x1BF5;
	[smem:$0x3FB9] =	sst s0  }
0x18: {  	s0 =	sld [smem:$0x3F9C];
	_ =	swait.ge [sflag:s4], $0x0  }
0x19: {  	s7 =	sld [smem:$0x3F9D]  }
0x1a: {  	s8 =	sadd.s32 $0xFFFFE003, lr  }
0x1b: {  	s9 =	sadd.s32 $0xFFFFFEF7, lr;
	s5 =	simm.s32 $0xFFFFFFFF;
	p2 =	slt.u32 s8, $0xFFFFF086  }
0x1c: {  	p1 =	slt.u32 s9, $0xF7A;
	s5 =	simm.s32 @!p2 $0x0  }
0x1d: {  	s5 =	simm.s32 @p1 $0x1;
	p0 =	seq.s32 s7, s2  }
0x1e: {  	s7 =	smul.u32 @!p0 $0xF7A, s2;
	p2 =	seq.s32 @!p0 s5, $0x0  }
0x1f: {  	s9 =	smul.u32 $0xF7A, s1;
	s8 =	simm.s32 @!p0 $0x1BF5;
	p2 =	por !p2, p0  }
0x20: {  	[sflag:s8] =	ssyncset.s32 @!p0 $0xFFFFF086;
	s6 =	sadd.s32 @!p0 s3, s7;
	s7 =	simm.s32 @!p0 $0x108  }
0x21: {  	s3 =	sadd.s32 s3, s9;
	s6 =	sadd.s32 @!p0 $0x88, s6;
	s7 =	simm.s32 @p2 $0x1082  }
0x22: {  	[simem:s7], [sflag:s8] =	dma.local @!p0 [hbm:s6], $0xF7A  }
0x23: {  	s9 =	sor.u32 $0xD0000000, s2;
	s6 =	simm.s32 $0x108;
	_ =	swait.ge @!p0 [sflag:s8], $0x0  }
0x24: {  	s3 =	sadd.s32 $0x88, s3;
	s6 =	simm.s32 @!p1 $0x1082;
	[sflag:s4] =	ssyncset.s32 $0xFFFFF086  }
0x25: {  	[simem:s6], [sflag:s4] =	dma.local [hbm:s3], $0xF7A  }
0x26: {  	[smem:$0x3F9D] =	sst s1;
	(tag) =	ssettag s2;
	_ =	strace s9  }
0x27: {  	s1 =	sld [smem:$0x3FAD]  }
0x28: {  	s2 =	sld [smem:$0x3FAE]  }
0x29: {  	s4 =	sld [smem:$0x3FB0]  }
0x2a: {  	p0 =	seq.s32 s5, $0x0;
	s5 =	sld [smem:$0x3FB1]  }
0x2b: {  	s6 =	sld [smem:$0x3FB2]  }
0x2c: {  	s7 =	sld [smem:$0x3FB3]  }
0x2d: {  	s3 =	simm.s32 $0x108;
	s8 =	sld [smem:$0x3FB4]  }
0x2e: {  	s3 =	simm.s32 @!p0 $0x1082;
	s9 =	sld [smem:$0x3FB5]  }
0x2f: {  	lr =	sadd.s32 s0, s3;
	s0 =	sld [smem:$0x3FAC]  }
0x30: {  	s3 =	sld [smem:$0x3FAF]  }
0x31: {  	[smem:$0x3FB8] =	sst s10  }
0x32: {  	s10 =	sld [smem:$0x3FB6];
	_ =	sdelay $0x3  }
0x33: {  	p0 =	seq.s32 s10, $0x1;
	s10 =	sld [smem:$0x3FB8];
	_ =	sdelay $0x3  }
0x34: {  	[smem:$0x3FB8] =	sst s10  }
0x35: {  	s10 =	sld [smem:$0x3FB7];
	_ =	sdelay $0x3  }
0x36: {  	p1 =	seq.s32 s10, $0x1;
	s10 =	sld [smem:$0x3FB8];
	_ =	sdelay $0x3  }
0x37: {  	[smem:$0x3FB8] =	sst s10  }
0x38: {  	s10 =	sld [smem:$0x3FB9]  }
0x39: {  	_ = 	snop;
	(pc) =	sbr.ind lr, $3  }
0x3a: {  	_ = 	snop  }
0x3b: {  	_ = 	snop  }
0x3c: {  	p2 =	seq.s32 s10, $0x1;
	s10 =	sld [smem:$0x3FB8]  }
0x3d: {  	_ =	shalt  }
0x3e: {  	_ =	shalt  }
0x3f: {  	_ =	shalt  }
0x40: {  	_ =	shalt  }
0x41: {  	_ =	shalt  }
0x42: {  	_ =	shalt  }
0x43: {  	_ =	shalt  }
0x44: {  	_ =	shalt  }
0x45: {  	_ =	shalt  }
0x46: {  	_ =	shalt  }
0x47: {  	_ =	shalt  }
0x48: {  	_ =	shalt  }
0x49: {  	_ =	shalt  }
0x4a: {  	_ =	shalt  }
0x4b: {  	_ =	shalt  }
0x4c: {  	_ =	shalt  }
0x4d: {  	_ =	shalt  }
0x4e: {  	_ =	shalt  }
0x4f: {  	_ =	shalt  }
0x50: {  	_ =	shalt  }
0x51: {  	_ =	shalt  }
0x52: {  	_ =	shalt  }
0x53: {  	_ =	shalt  }
0x54: {  	_ =	shalt  }
0x55: {  	_ =	shalt  }
0x56: {  	_ =	shalt  }
0x57: {  	_ =	shalt  }
0x58: {  	_ =	shalt  }
0x59: {  	_ =	shalt  }
0x5a: {  	_ =	shalt  }
0x5b: {  	_ =	shalt  }
0x5c: {  	_ =	shalt  }
0x5d: {  	_ =	shalt  }
0x5e: {  	_ =	shalt  }
0x5f: {  	_ =	shalt  }
0x60: {  	_ =	shalt  }
0x61: {  	_ =	shalt  }
0x62: {  	_ =	shalt  }
0x63: {  	_ =	shalt  }
0x64: {  	_ =	shalt  }
0x65: {  	_ =	shalt  }
0x66: {  	_ =	shalt  }
0x67: {  	_ =	shalt  }
0x68: {  	_ =	shalt  }
0x69: {  	_ =	shalt  }
0x6a: {  	_ =	shalt  }
0x6b: {  	_ =	shalt  }
0x6c: {  	_ =	shalt  }
0x6d: {  	_ =	shalt  }
0x6e: {  	_ =	shalt  }
0x6f: {  	_ =	shalt  }
0x70: {  	_ =	shalt  }
0x71: {  	_ =	shalt  }
0x72: {  	_ =	shalt  }
0x73: {  	_ =	shalt  }
0x74: {  	_ =	shalt  }
0x75: {  	_ =	shalt  }
0x76: {  	_ =	shalt  }
0x77: {  	_ =	shalt  }
0x78: {  	_ =	shalt  }
0x79: {  	_ =	shalt  }
0x7a: {  	_ =	shalt  }
0x7b: {  	_ =	shalt  }
0x7c: {  	_ =	shalt  }
0x7d: {  	_ =	shalt  }
0x7e: {  	_ =	shalt  }
0x7f: {  	_ =	shalt  }
0x80: {  	_ =	shalt  }
0x81: {  	_ =	shalt  }
0x82: {  	_ =	shalt  }
0x83: {  	_ =	shalt  }
0x84: {  	_ =	shalt  }
0x85: {  	_ =	shalt  }
0x86: {  	_ =	shalt  }
0x87: {  	_ =	shalt  }
.Lfunc_end0:
.L_simem_size_0:
called_computation_lowered:
.L_overlay_start_0:
0x88: {  	s2 =	sld [smem:$0x3FD9]  }
0x89: {  	s3 =	sld [smem:$0x3FFE];
	_ =	sdelay $0x1  }
0x8a: {  	s1 =	srdreg.scid  }
0x8b: {  	s0 =	sand.u32 $0x1, s1  }
0x8c: {  	s17 =	sshll.u32 s0, $0xA;
	s2 =	sadd.s32 s3, s2  }
0x8d: {  	s2 =	sadd.s32 s2, s17  }
0x8e: {  	[smem:$0x3FC4] =	sst s2  }
0x8f: {  	_ = 	snop  }
0x90: {  	s2 =	sld [smem:$0x3FD0];
	(tm) =	ssettm $0x1  }
0x91: {  	s18 =	sld [smem:$0x3FFB];
	_ =	sdelay $0x3  }
0x92: {  	_ =	strace s18  }
0x93: {  	s3 =	sld [smem:$0x3FFC];
	_ =	sdelay $0x3  }
0x94: {  	_ =	strace s3  }
0x95: {  	s3 =	sld [smem:$0x3FFD];
	_ =	sdelay $0x3  }
0x96: {  	_ =	strace s3  }
0x97: {  	_ =	strace $0x8FFFFFFF  }
0x98: {  	s19 =	sld [smem:$0x3FDB];
	_ =	sdelay $0x1  }
0x99: {  	s4 =	simm.s32 $_scs_section_size  }
0x9a: {  	s5 =	simm.s32 $_size__tile_overlayer_lowered;
	s6 =	simm.s32 $_tile_overlayer_lowered  }
0x9b: {  	s22 =	simm.s32 $0x1BFF;
	s21 =	sshll.u32 s6, $0x1;
	s3 =	sadd.s32 s4, s19  }
0x9c: {  	s7 =	simm.s32 $0x0;
	s20 =	sshll.u32 s5, $0x1;
	s5 =	sadd.s32 s21, s3  }
0x9d: {  	[timem:s7], [sflag:s22] =	dma.local [hbm:s5], s20  }
0x9e: {  	_ =	swait.ge [sflag:s22], s20  }
0x9f: {  	s4 =	ssub.s32 $0x0, s20;
	[sflag:s22] =	ssyncset.done $0x0  }
0xa0: {  	[sflag:s22] =	ssyncadd.s32 s4;
	_ =	sdelay $0x1  }
0xa1: {  	s23 =	simm.s32 $0x1B8B  }
0xa2: {  	_ =	swait.ge [sflag:s23], $0x1  }
0xa3: {  	[sflag:s23] =	ssyncset.done $0x0  }
0xa4: {  	s25 =	simm.s32 $0x1B8E;
	s24 =	sld [smem:$0x3FFE];
	[sflag:s23] =	ssyncadd.s32 $0xFFFFFFFF  }
0xa5: {  	s26 =	simm.s32 $execute0_lowered;
	[smem:$0x3FD2] =	sst s25  }
0xa6: {  	s5 =	sshll.u32 s26, $0x1;
	_ =	strace $0x80000046;
	[dreg:$0x1] =	wrdreg $0xFFFFFFFF  }
0xa7: {  	s28 =	simm.s32 $_size_execute0_lowered;
	s3 =	sadd.s32 s3, s5;
	[dreg:$0x0] =	wrdreg $0x0  }
0xa8: {  	s5 =	sshll.u32 s28, $0x1;
	[dreg:$0x2] =	wrdreg s3  }
0xa9: {  	[dreg:$0x3] =	wrdreg s5  }
0xaa: {  	[dreg:$0x4] =	wrdreg $0xC0  }
0xab: {  	_ =	task [dreg:s7], $0x5FFFF  }
0xac: {  	[dreg:$0x1] =	wrdreg $0xFFFFFFFF  }
0xad: {  	[dreg:$0x0] =	wrdreg $0x60  }
0xae: {  	[dreg:$0x2] =	wrdreg s2  }
0xaf: {  	[dreg:$0x3] =	wrdreg s24  }
0xb0: {  	[dreg:$0x4] =	wrdreg $0x2B000  }
0xb1: {  	[dreg:$0x5] =	wrdreg $0x9  }
0xb2: {  	_ =	task.clear_ibuf [dreg:s7], $0x6FFFF;
	_ =	strace $0x90000046  }
0xb3: {  	s29 =	simm.s32 $0x9;
	_ =	strace $0x80000048  }
0xb4: {  	_ =	swait.ge [sflag:s29], $0x1  }
0xb5: {  	[sflag:s29] =	ssyncadd.s32 $0xFFFFFFFF  }
0xb6: {  	_ =	strace $0x90000048  }
0xb7: {  	_ =	sfence  }
0xb8: {  	s30 =	sld [smem:$0x0];
	_ =	sdelay $0x2  }
0xb9: {  	s31 =	sshll.u32 s1, $0xD;
	s1 =	sshrl.u32 s1, $0x2  }
0xba: {  	s3 =	sand.u32 $0x4000, s31;
	s1 =	sadd.s32 s1, s30  }
0xbb: {  	s0 =	sor.u32 s3, s0;
	s1 =	sshll.u32 s1, $0x11  }
0xbc: {  	s0 =	sor.u32 s1, s0  }
0xbd: {  	s0 =	sadd.s32 $0x8F2B, s0  }
0xbe: {  	[sflag:s0] =	ssyncadd.remote.s32 $0x1  }
0xbf: {  	_ =	sfence.sel $0xFFFF  }
0xc0: {  	[dreg:$0x0] =	wrdreg $0xFFFFFFFF;
	(pc) =	sbr.abs _section_cstart, $3  }
0xc1: {  	[dreg:$0x1] =	wrdreg $0xFFFFFFFF  }
0xc2: {  	_ =	task.clear_ibuf [dreg:s7], $0x2FFFF;
	_ =	strace $0x9FFFFFFF  }
0xc3: {  	(tm) =	ssettm $0x7FFFFFFF  }
tec
execute0_lowered:
.L_overlay_start_1:
0x0: {  	(tag) =	ssettag $0x1  }
0x1: {  	s7 =	rddreg [dreg:$0x0]  }
0x2: {  	s6 =	rddreg [dreg:$0x1]  }
0x3: {  	s2 =	rddreg [dreg:$0x2]  }
0x4: {  	s0 =	rddreg [dreg:$0x3];
	s4 =	srdreg.scid  }
0x5: {  	s1 =	stileid.u32;
	s3 =	simm.s32 $0x0;
	s13 =	simm.s32 $0x80  }
0x6: {  	s14 =	simm.s32 $0x0;
	s5 =	sand.u32 $0x1, s4;
	s8 =	smul.u32 $0x280, s1  }
0x7: {  	[smem:$0x7FF] =	sst s3;
	s4 =	sadd.s32 $0x1000, s6;
	s9 =	smul.u32 $0x2800, s5  }
0x8: {  	_ =	strace $0x80000047;
	s10 =	sshll.u32 s5, $0x4;
	s11 =	ssub.s32 $0x2, s5  }
0x9: {  	s5 =	sadd.s32 $0xE00, s6;
	s30 =	sor.u32 s1, s10;
	s9 =	sadd.s32 s8, s9  }
0xa: {  	s31 =	sshrl.u32 s11, $0x1;
	s12 =	smul.u32 $0x500, s30;
	s9 =	sshrl.u32 s9, $0x3  }
0xb: {  	s10 =	ssub.s32 s11, s31;
	s11 =	simm.s32 $0x1;
	s9 =	sadd.s32 s9, s6  }
0xc: {  	s6 =	sadd.s32 s8, s2;
	s7 =	sadd.s32 s7, s12;
	s12 =	simm.s32 $0x2800  }
0xd: {  	s8 =	sadd.s32 $0x1200, s9;
	s9 =	smax.u32 s10, $0x1;
	s10 =	simm.s32 $0x2880  }
.LBB2_1:
0xe: {  	[tilespmem:s10], [sflag:$0x1] =	stream.linear.gather [hbm4b:s5+s3], $0x280, $0x38;
	[tilespmem:$0x2D80] =	vst v63  }
0xf: {  	_ =	swait.ge [sflag:s11], $0x280  }
0x10: {  	[sflag:s11] =	ssyncset.done $0x0  }
0x11: {  	[sflag:s11] =	ssyncadd.s32 $0xFFFFFD80  }
0x12: {  	[spmem:s6] =	stream.linear.scatter [tilespmem:s10], [sflag:$0x1], $0x280, $0x38;
	[tilespmem:$0x2D80] =	vst v63  }
0x13: {  	_ =	swait.ge [sflag:s11], $0x280  }
0x14: {  	[sflag:s11] =	ssyncset.done $0x0  }
0x15: {  	[sflag:s11] =	ssyncadd.s32 $0xFFFFFD80  }
0x16: {  	[tilespmem:s12], [sflag:$0x1] =	stream.linear.gather [hbm4b:s4+s3], $0x80, $0x38;
	[tilespmem:$0x2D80] =	vst v63  }
0x17: {  	_ =	swait.ge [sflag:s11], $0x80  }
0x18: {  	[sflag:s11] =	ssyncset.done $0x0  }
0x19: {  	[sflag:s11] =	ssyncadd.s32 $0xFFFFFF80  }
0x1a: {  	[tilespmem:s3], [sflag:$0x1] =	stream.linear.gather [hbm4b:s7+s3], $0x2780, $0x38;
	[tilespmem:$0x2D80] =	vst v63  }
0x1b: {  	_ =	swait.ge [sflag:s11], $0x2780  }
0x1c: {  	[sflag:s11] =	ssyncset.done $0x0  }
0x1d: {  	[sflag:s11] =	ssyncadd.s32 $0xFFFFD880  }
0x1e: {  	s15 =	simm.s32 $0x0;
	[bflag:$0x0] =	sbarrier.arrive $0xFFFF  }
0x1f: {  	[spmem:s2] =	stream.indirect.scatter.add.f32 [tilespmem:s12], [sflag:$0x1], $0x1, s15, s13, $0xb8;
	[tilespmem:$0x2D80] =	vst v63  }
0x20: {  	_ =	swait.ge [sflag:s11], $0x80  }
0x21: {  	s15 =	simm.s32 $0x200;
	[sflag:s11] =	ssyncset.done $0x0  }
.LBB2_2:
0x22: {  	s16 =	sshra.s32 s15, $0x2;
	[sflag:s11] =	ssyncadd.s32 $0xFFFFFF80;
	p0 =	sne.s32 s15, $0x9C00  }
0x23: {  	[spmem:s2] =	stream.indirect.scatter.add.f32 [tilespmem:s12], [sflag:$0x1], $0x1, s16, s13, $0xb8;
	[tilespmem:$0x2D80] =	vst v63  }
.Ltmp0:
0x24: {  	_ = 	snop;
	(pc) =	sbr.rel @p0 .LBB2_2-.Ltmp0, $4  }
0x25: {  	_ = 	snop  }
0x26: {  	s15 =	sadd.s32 $0x200, s15  }
0x27: {  	_ =	swait.ge [sflag:s11], $0x80  }
0x28: {  	[sflag:s11] =	ssyncset.done $0x0  }
0x29: {  	[sflag:s11] =	ssyncadd.s32 $0xFFFFFF80  }
0x2a: {  	[bflag:$0x0] =	sbarrier.arrive $0xFFFF  }
0x2b: {  	[tilespmem:s10], [sflag:$0x1] =	stream.linear.gather [spmem:s6], $0x280, $0x38;
	[tilespmem:$0x2D80] =	vst v63  }
0x2c: {  	s14 =	sadd.s32 $0x1, s14;
	_ =	swait.ge [sflag:s11], $0x280  }
0x2d: {  	p0 =	sne.s32 s14, s9;
	[sflag:s11] =	ssyncset.done $0x0  }
.Ltmp1:
0x2e: {  	[sflag:s11] =	ssyncadd.s32 $0xFFFFFD80;
	(pc) =	sbr.rel @p0 .LBB2_1-.Ltmp1, $4  }
0x2f: {  	[hbm4b:s8+s3] =	stream.linear.scatter [tilespmem:s10], [sflag:$0x1], $0x280, $0x38;
	[tilespmem:$0x2D80] =	vst v63  }
0x30: {  	_ =	swait.ge [sflag:s11], $0x280  }
0x31: {  	[sflag:s11] =	ssyncset.done $0x0  }
0x32: {  	[sflag:s11] =	ssyncadd.s32 $0xFFFFFD80  }
0x33: {  	_ =	sfence.sel $0x180000  }
0x34: {  	[bflag:$0x0] =	sbarrier.arrive $0xFFFF  }
0x35: {  	p0 =	sne.s32 s1, $0x0;
	_ =	strace $0x90000047  }
0x36: {  	s0 =	sadd.s32 @!p0 $0x100000, s0;
	[bflag:$0x2] =	sbarrier.arrive $0xFFFF  }
0x37: {  	[sflag:s0] =	ssyncadd.tile.s32 @!p0 $0x1;
	_ =	shalt  }
.Lfunc_end2:
_tile_overlayer_lowered:
.L_overlay_start_2:
0x38: {  	(tag) =	ssettag $0x2  }
0x39: {  	s0 =	rddreg [dreg:$0x0];
	s2 =	stileid.u32  }
0x3a: {  	s1 =	rddreg [dreg:$0x1];
	p0 =	sne.s32 s2, $0x0  }
0x3b: {  	s3 =	rddreg [dreg:$0x2];
	[bflag:$0x3] =	sbarrier.arrive $0xFFFF;
	s2 =	simm.s32 @!p0 $0x1C01  }
0x3c: {  	[timem:s3], [sflag:s2] =	dma.local @!p0 [hbm:s0], s1  }
0x3d: {  	s0 =	simm.s32 @!p0 $0x1  }
0x3e: {  	_ =	swait.ge @!p0 [sflag:s0], s1  }
0x3f: {  	s1 =	ssub.s32 @!p0 $0x0, s1;
	[sflag:s0] =	ssyncset.done @!p0 $0x0  }
0x40: {  	[sflag:s0] =	ssyncadd.s32 @!p0 s1  }
0x41: {  	[bflag:$0x3] =	sbarrier.arrive $0xFFFF  }
0x42: {  	_ =	shalt  }

// kernel: kernel.8.cloned.1.call-start
scs
__scs_entry_jumppad:
0x0: {  	(pc) =	sbr.rel $0x88, $3  }
0x1: {  	(tag) =	ssettag $0x0;
	lr =	simm.s32 $0x1  }
0x2: {  	[smem:$0x3F9D] =	sst lr;
	_ =	strace $0xD0000000  }
0x3: {  	_ = 	snop  }
0x4: {  	_ = 	snop  }
0x5: {  	_ = 	snop  }
0x6: {  	_ = 	snop  }
0x7: {  	_ = 	snop  }
__scs_overlays_trampoline_lowered:
0x8: {  	[smem:$0x3FAC] =	sst s0  }
0x9: {  	[smem:$0x3FAD] =	sst s1  }
0xa: {  	[smem:$0x3FAE] =	sst s2  }
0xb: {  	[smem:$0x3FAF] =	sst s3  }
0xc: {  	[smem:$0x3FB0] =	sst s4  }
0xd: {  	[smem:$0x3FB1] =	sst s5  }
0xe: {  	[smem:$0x3FB2] =	sst s6  }
0xf: {  	[smem:$0x3FB3] =	sst s7  }
0x10: {  	[smem:$0x3FB4] =	sst s8  }
0x11: {  	[smem:$0x3FB5] =	sst s9;
	s0 =	simm.s32 @!p0 $0x0  }
0x12: {  	s1 =	sld [smem:$0x3F9B];
	s0 =	simm.s32 @p0 $0x1  }
0x13: {  	[smem:$0x3FB6] =	sst s0;
	s0 =	simm.s32 @!p1 $0x0  }
0x14: {  	s2 =	sld [smem:$0x3F9A];
	s0 =	simm.s32 @p1 $0x1  }
0x15: {  	[smem:$0x3FB7] =	sst s0;
	s0 =	simm.s32 @!p2 $0x0  }
0x16: {  	s3 =	sld [smem:$0x3FDB];
	s0 =	simm.s32 @p2 $0x1  }
0x17: {  	s4 =	simm.s32 $0x1BF5;
	[smem:$0x3FB9] =	sst s0  }
0x18: {  	s0 =	sld [smem:$0x3F9C];
	_ =	swait.ge [sflag:s4], $0x0  }
0x19: {  	s7 =	sld [smem:$0x3F9D]  }
0x1a: {  	s8 =	sadd.s32 $0xFFFFE003, lr  }
0x1b: {  	s9 =	sadd.s32 $0xFFFFFEF7, lr;
	s5 =	simm.s32 $0xFFFFFFFF;
	p2 =	slt.u32 s8, $0xFFFFF086  }
0x1c: {  	p1 =	slt.u32 s9, $0xF7A;
	s5 =	simm.s32 @!p2 $0x0  }
0x1d: {  	s5 =	simm.s32 @p1 $0x1;
	p0 =	seq.s32 s7, s2  }
0x1e: {  	s7 =	smul.u32 @!p0 $0xF7A, s2;
	p2 =	seq.s32 @!p0 s5, $0x0  }
0x1f: {  	s9 =	smul.u32 $0xF7A, s1;
	s8 =	simm.s32 @!p0 $0x1BF5;
	p2 =	por !p2, p0  }
0x20: {  	[sflag:s8] =	ssyncset.s32 @!p0 $0xFFFFF086;
	s6 =	sadd.s32 @!p0 s3, s7;
	s7 =	simm.s32 @!p0 $0x108  }
0x21: {  	s3 =	sadd.s32 s3, s9;
	s6 =	sadd.s32 @!p0 $0x88, s6;
	s7 =	simm.s32 @p2 $0x1082  }
0x22: {  	[simem:s7], [sflag:s8] =	dma.local @!p0 [hbm:s6], $0xF7A  }
0x23: {  	s9 =	sor.u32 $0xD0000000, s2;
	s6 =	simm.s32 $0x108;
	_ =	swait.ge @!p0 [sflag:s8], $0x0  }
0x24: {  	s3 =	sadd.s32 $0x88, s3;
	s6 =	simm.s32 @!p1 $0x1082;
	[sflag:s4] =	ssyncset.s32 $0xFFFFF086  }
0x25: {  	[simem:s6], [sflag:s4] =	dma.local [hbm:s3], $0xF7A  }
0x26: {  	[smem:$0x3F9D] =	sst s1;
	(tag) =	ssettag s2;
	_ =	strace s9  }
0x27: {  	s1 =	sld [smem:$0x3FAD]  }
0x28: {  	s2 =	sld [smem:$0x3FAE]  }
0x29: {  	s4 =	sld [smem:$0x3FB0]  }
0x2a: {  	p0 =	seq.s32 s5, $0x0;
	s5 =	sld [smem:$0x3FB1]  }
0x2b: {  	s6 =	sld [smem:$0x3FB2]  }
0x2c: {  	s7 =	sld [smem:$0x3FB3]  }
0x2d: {  	s3 =	simm.s32 $0x108;
	s8 =	sld [smem:$0x3FB4]  }
0x2e: {  	s3 =	simm.s32 @!p0 $0x1082;
	s9 =	sld [smem:$0x3FB5]  }
0x2f: {  	lr =	sadd.s32 s0, s3;
	s0 =	sld [smem:$0x3FAC]  }
0x30: {  	s3 =	sld [smem:$0x3FAF]  }
0x31: {  	[smem:$0x3FB8] =	sst s10  }
0x32: {  	s10 =	sld [smem:$0x3FB6];
	_ =	sdelay $0x3  }
0x33: {  	p0 =	seq.s32 s10, $0x1;
	s10 =	sld [smem:$0x3FB8];
	_ =	sdelay $0x3  }
0x34: {  	[smem:$0x3FB8] =	sst s10  }
0x35: {  	s10 =	sld [smem:$0x3FB7];
	_ =	sdelay $0x3  }
0x36: {  	p1 =	seq.s32 s10, $0x1;
	s10 =	sld [smem:$0x3FB8];
	_ =	sdelay $0x3  }
0x37: {  	[smem:$0x3FB8] =	sst s10  }
0x38: {  	s10 =	sld [smem:$0x3FB9]  }
0x39: {  	_ = 	snop;
	(pc) =	sbr.ind lr, $3  }
0x3a: {  	_ = 	snop  }
0x3b: {  	_ = 	snop  }
0x3c: {  	p2 =	seq.s32 s10, $0x1;
	s10 =	sld [smem:$0x3FB8]  }
0x3d: {  	_ =	shalt  }
0x3e: {  	_ =	shalt  }
0x3f: {  	_ =	shalt  }
0x40: {  	_ =	shalt  }
0x41: {  	_ =	shalt  }
0x42: {  	_ =	shalt  }
0x43: {  	_ =	shalt  }
0x44: {  	_ =	shalt  }
0x45: {  	_ =	shalt  }
0x46: {  	_ =	shalt  }
0x47: {  	_ =	shalt  }
0x48: {  	_ =	shalt  }
0x49: {  	_ =	shalt  }
0x4a: {  	_ =	shalt  }
0x4b: {  	_ =	shalt  }
0x4c: {  	_ =	shalt  }
0x4d: {  	_ =	shalt  }
0x4e: {  	_ =	shalt  }
0x4f: {  	_ =	shalt  }
0x50: {  	_ =	shalt  }
0x51: {  	_ =	shalt  }
0x52: {  	_ =	shalt  }
0x53: {  	_ =	shalt  }
0x54: {  	_ =	shalt  }
0x55: {  	_ =	shalt  }
0x56: {  	_ =	shalt  }
0x57: {  	_ =	shalt  }
0x58: {  	_ =	shalt  }
0x59: {  	_ =	shalt  }
0x5a: {  	_ =	shalt  }
0x5b: {  	_ =	shalt  }
0x5c: {  	_ =	shalt  }
0x5d: {  	_ =	shalt  }
0x5e: {  	_ =	shalt  }
0x5f: {  	_ =	shalt  }
0x60: {  	_ =	shalt  }
0x61: {  	_ =	shalt  }
0x62: {  	_ =	shalt  }
0x63: {  	_ =	shalt  }
0x64: {  	_ =	shalt  }
0x65: {  	_ =	shalt  }
0x66: {  	_ =	shalt  }
0x67: {  	_ =	shalt  }
0x68: {  	_ =	shalt  }
0x69: {  	_ =	shalt  }
0x6a: {  	_ =	shalt  }
0x6b: {  	_ =	shalt  }
0x6c: {  	_ =	shalt  }
0x6d: {  	_ =	shalt  }
0x6e: {  	_ =	shalt  }
0x6f: {  	_ =	shalt  }
0x70: {  	_ =	shalt  }
0x71: {  	_ =	shalt  }
0x72: {  	_ =	shalt  }
0x73: {  	_ =	shalt  }
0x74: {  	_ =	shalt  }
0x75: {  	_ =	shalt  }
0x76: {  	_ =	shalt  }
0x77: {  	_ =	shalt  }
0x78: {  	_ =	shalt  }
0x79: {  	_ =	shalt  }
0x7a: {  	_ =	shalt  }
0x7b: {  	_ =	shalt  }
0x7c: {  	_ =	shalt  }
0x7d: {  	_ =	shalt  }
0x7e: {  	_ =	shalt  }
0x7f: {  	_ =	shalt  }
0x80: {  	_ =	shalt  }
0x81: {  	_ =	shalt  }
0x82: {  	_ =	shalt  }
0x83: {  	_ =	shalt  }
0x84: {  	_ =	shalt  }
0x85: {  	_ =	shalt  }
0x86: {  	_ =	shalt  }
0x87: {  	_ =	shalt  }
.Lfunc_end0:
.L_simem_size_0:
called_computation.1_lowered:
.L_overlay_start_0:
0x88: {  	s2 =	sld [smem:$0x3FD9]  }
0x89: {  	s3 =	sld [smem:$0x3FFE];
	_ =	sdelay $0x1  }
0x8a: {  	s1 =	srdreg.scid  }
0x8b: {  	s0 =	sand.u32 $0x1, s1  }
0x8c: {  	s17 =	sshll.u32 s0, $0xA;
	s2 =	sadd.s32 s3, s2  }
0x8d: {  	s2 =	sadd.s32 s2, s17  }
0x8e: {  	[smem:$0x3FC4] =	sst s2  }
0x8f: {  	_ = 	snop  }
0x90: {  	s2 =	sld [smem:$0x3FC6]  }
0x91: {  	s18 =	sld [smem:$0x3FD0];
	(tm) =	ssettm $0x1  }
0x92: {  	s4 =	sld [smem:$0x3FFB];
	_ =	sdelay $0x3  }
0x93: {  	_ =	strace s4  }
0x94: {  	s4 =	sld [smem:$0x3FFC];
	_ =	sdelay $0x3  }
0x95: {  	_ =	strace s4  }
0x96: {  	s4 =	sld [smem:$0x3FFD];
	_ =	sdelay $0x3  }
0x97: {  	_ =	strace s4  }
0x98: {  	_ =	strace $0x8FFFFFFF  }
0x99: {  	s19 =	sld [smem:$0x3FDB];
	_ =	sdelay $0x1  }
0x9a: {  	s5 =	simm.s32 $_scs_section_size  }
0x9b: {  	s6 =	simm.s32 $_size__tile_overlayer_lowered;
	s7 =	simm.s32 $_tile_overlayer_lowered  }
0x9c: {  	s22 =	simm.s32 $0x1BFF;
	s21 =	sshll.u32 s7, $0x1;
	s4 =	sadd.s32 s5, s19  }
0x9d: {  	s8 =	simm.s32 $0x0;
	s20 =	sshll.u32 s6, $0x1;
	s6 =	sadd.s32 s21, s4  }
0x9e: {  	[timem:s8], [sflag:s22] =	dma.local [hbm:s6], s20  }
0x9f: {  	_ =	swait.ge [sflag:s22], s20  }
0xa0: {  	s5 =	ssub.s32 $0x0, s20;
	[sflag:s22] =	ssyncset.done $0x0  }
0xa1: {  	[sflag:s22] =	ssyncadd.s32 s5;
	_ =	sdelay $0x1  }
0xa2: {  	s23 =	simm.s32 $0x1B8B  }
0xa3: {  	_ =	swait.ge [sflag:s23], $0x1  }
0xa4: {  	[sflag:s23] =	ssyncset.done $0x0  }
0xa5: {  	s25 =	simm.s32 $0x1B8E;
	s24 =	sld [smem:$0x3FFE];
	[sflag:s23] =	ssyncadd.s32 $0xFFFFFFFF  }
0xa6: {  	s26 =	simm.s32 $execute0_lowered;
	[smem:$0x3FD2] =	sst s25  }
0xa7: {  	s6 =	sshll.u32 s26, $0x1;
	_ =	strace $0x80000049;
	[dreg:$0x1] =	wrdreg $0xFFFFFFFF  }
0xa8: {  	s28 =	simm.s32 $_size_execute0_lowered;
	s4 =	sadd.s32 s4, s6;
	[dreg:$0x0] =	wrdreg $0x0  }
0xa9: {  	s6 =	sshll.u32 s28, $0x1;
	[dreg:$0x2] =	wrdreg s4  }
0xaa: {  	[dreg:$0x3] =	wrdreg s6  }
0xab: {  	[dreg:$0x4] =	wrdreg $0xC0  }
0xac: {  	_ =	task [dreg:s8], $0x5FFFF  }
0xad: {  	[dreg:$0x1] =	wrdreg $0xFFFFFFFF  }
0xae: {  	[dreg:$0x0] =	wrdreg $0x60  }
0xaf: {  	[dreg:$0x2] =	wrdreg s24  }
0xb0: {  	[dreg:$0x3] =	wrdreg s18  }
0xb1: {  	[dreg:$0x4] =	wrdreg s2  }
0xb2: {  	[dreg:$0x5] =	wrdreg $0x150C00  }
0xb3: {  	[dreg:$0x6] =	wrdreg $0xB0C00  }
0xb4: {  	[dreg:$0x7] =	wrdreg $0x9  }
0xb5: {  	_ =	task.clear_ibuf [dreg:s8], $0x8FFFF;
	_ =	strace $0x90000049  }
0xb6: {  	s29 =	simm.s32 $0x9;
	_ =	strace $0x8000004B  }
0xb7: {  	_ =	swait.ge [sflag:s29], $0x1  }
0xb8: {  	[sflag:s29] =	ssyncadd.s32 $0xFFFFFFFF  }
0xb9: {  	_ =	strace $0x9000004B  }
0xba: {  	_ =	sfence  }
0xbb: {  	s30 =	sld [smem:$0x0];
	_ =	sdelay $0x2  }
0xbc: {  	s31 =	sshll.u32 s1, $0xD;
	s1 =	sshrl.u32 s1, $0x2  }
0xbd: {  	s3 =	sand.u32 $0x4000, s31;
	s1 =	sadd.s32 s1, s30  }
0xbe: {  	s0 =	sor.u32 s3, s0;
	s1 =	sshll.u32 s1, $0x11  }
0xbf: {  	s0 =	sor.u32 s1, s0  }
0xc0: {  	s0 =	sadd.s32 $0x8F2B, s0  }
0xc1: {  	[sflag:s0] =	ssyncadd.remote.s32 $0x1  }
0xc2: {  	_ =	sfence.sel $0xFFFF  }
0xc3: {  	[dreg:$0x0] =	wrdreg $0xFFFFFFFF;
	(pc) =	sbr.abs _section_cstart, $3  }
0xc4: {  	[dreg:$0x1] =	wrdreg $0xFFFFFFFF  }
0xc5: {  	_ =	task.clear_ibuf [dreg:s8], $0x2FFFF;
	_ =	strace $0x9FFFFFFF  }
0xc6: {  	(tm) =	ssettm $0x7FFFFFFF  }
0xc7: {  	_ =	shalt  }
tec
execute0_lowered:
.L_overlay_start_1:
0x0: {  	(tag) =	ssettag $0x1  }
0x1: {  	s0 =	rddreg [dreg:$0x0]  }
0x2: {  	s7 =	rddreg [dreg:$0x1];
	s1 =	srdreg.scid  }
0x3: {  	s8 =	rddreg [dreg:$0x2];
	s21 =	stileid.u32;
	s9 =	sand.u32 $0x1, s1  }
0x4: {  	s10 =	sadd.s32 $0xBC00, s0;
	s5 =	smul.u32 $0x280, s21;
	s11 =	sadd.s32 $0x1C00, s0  }
0x5: {  	s12 =	sadd.s32 $0x65C00, s0;
	s25 =	smul.u32 $0x5000, s21;
	s1 =	ssub.s32 $0x2, s9  }
0x6: {  	s15 =	smul.u32 $0xA0000, s9;
	s26 =	sshll.u32 s9, $0x3;
	s2 =	sshrl.u32 s1, $0x1  }
0x7: {  	s13 =	sadd.s32 $0x80, s5;
	s14 =	sadd.s32 $0x100, s5;
	s16 =	sadd.s32 $0x180, s5  }
0x8: {  	s17 =	sadd.s32 $0x200, s5;
	s8 =	sadd.s32 s8, s26;
	s26 =	smul.u32 $0x14000, s21  }
0x9: {  	s4 =	ssub.s32 s1, s2;
	s1 =	smul.u32 $0xA000, s21;
	s2 =	sshll.u32 s13, $0x6  }
0xa: {  	s3 =	sshll.u32 s14, $0x6;
	s6 =	sshll.u32 s16, $0x6;
	[dreg:$0xb] =	wrdreg s8  }
0xb: {  	s5 =	sshll.u32 s17, $0x6;
	s21 =	rddreg [dreg:$0x3];
	s19 =	sadd.s32 s15, s2  }
0xc: {  	s20 =	sadd.s32 s15, s3;
	s24 =	sadd.s32 s15, s6;
	s29 =	sadd.s32 s2, s21  }
0xd: {  	s31 =	sadd.s32 s3, s21;
	s4 =	smax.u32 s4, $0x1;
	s18 =	sadd.s32 s1, s15  }
0xe: {  	s19 =	sshrl.u32 s19, $0x3;
	s22 =	sshrl.u32 s20, $0x3;
	s15 =	sadd.s32 s15, s5  }
0xf: {  	s20 =	sshrl.u32 s1, $0x3;
	s18 =	sshrl.u32 s18, $0x3;
	s23 =	sadd.s32 s12, s22  }
0x10: {  	s15 =	sshrl.u32 s15, $0x3;
	s18 =	sadd.s32 s12, s18;
	[dreg:$0x8] =	wrdreg s23  }
0x11: {  	s23 =	sshll.u32 s14, $0x3;
	[dreg:$0x6] =	wrdreg s18;
	s18 =	sadd.s32 s12, s19  }
0x12: {  	[dreg:$0x7] =	wrdreg s18;
	s18 =	sshrl.u32 s24, $0x3;
	s24 =	sadd.s32 s7, s23  }
0x13: {  	s22 =	sshll.u32 s13, $0x3;
	s18 =	sadd.s32 s12, s18;
	[dreg:$0x12] =	wrdreg s24  }
0x14: {  	s13 =	sshll.u32 s13, $0x7;
	s12 =	sadd.s32 s12, s15;
	[dreg:$0x9] =	wrdreg s18  }
0x15: {  	s15 =	sshrl.u32 s25, $0x3;
	s25 =	sshll.u32 s16, $0x3;
	[dreg:$0xa] =	wrdreg s12  }
0x16: {  	s18 =	sadd.s32 s10, s15;
	s19 =	sadd.s32 s11, s15;
	s8 =	sadd.s32 $0x500, s15  }
0x17: {  	s12 =	sshll.u32 s9, $0x6;
	s15 =	sshll.u32 s14, $0x7;
	[dreg:$0xc] =	wrdreg s18  }
0x18: {  	s14 =	simm.s32 $0x0;
	[dreg:$0xd] =	wrdreg s19;
	s10 =	sadd.s32 s10, s8  }
0x19: {  	s8 =	sadd.s32 s11, s8;
	s11 =	sshll.u32 s17, $0x3;
	s9 =	sor.u32 s12, s13  }
0x1a: {  	s18 =	sshll.u32 s16, $0x7;
	s19 =	sshll.u32 s17, $0x7;
	[dreg:$0xe] =	wrdreg s10  }
0x1b: {  	s16 =	simm.s32 $0x0;
	s13 =	simm.s32 $0x40;
	[dreg:$0xf] =	wrdreg s8  }
0x1c: {  	s8 =	sadd.s32 s7, s20;
	s10 =	sor.u32 s12, s15;
	[smem:$0x7FF] =	sst s16  }
0x1d: {  	s20 =	sadd.s32 $0x15C00, s0;
	s24 =	sshrl.u32 s9, $0x3;
	[dreg:$0x10] =	wrdreg s8  }
0x1e: {  	s9 =	simm.s32 $0x1;
	s8 =	sadd.s32 s7, s22;
	s22 =	rddreg [dreg:$0x4]  }
0x1f: {  	[dreg:$0x11] =	wrdreg s8;
	s8 =	sadd.s32 s7, s25;
	s7 =	sadd.s32 s7, s11  }
0x20: {  	s11 =	sor.u32 s12, s18;
	s25 =	sshrl.u32 s10, $0x3;
	s28 =	sadd.s32 s1, s22  }
0x21: {  	s30 =	sadd.s32 s2, s22;
	s2 =	sadd.s32 s5, s21;
	[dreg:$0x13] =	wrdreg s8  }
0x22: {  	s10 =	simm.s32 $0x7080;
	[dreg:$0x14] =	wrdreg s7;
	s8 =	sor.u32 s12, s26  }
0x23: {  	s7 =	sor.u32 s12, s19;
	s19 =	sadd.s32 s20, s25;
	s26 =	sshrl.u32 s11, $0x3  }
0x24: {  	s25 =	sadd.s32 $0xE00, s0;
	s0 =	sadd.s32 s6, s21;
	s11 =	simm.s32 $0x2  }
0x25: {  	s12 =	simm.s32 $0x9080;
	s8 =	sshrl.u32 s8, $0x3;
	s7 =	sshrl.u32 s7, $0x3  }
0x26: {  	s23 =	sadd.s32 s20, s26;
	s26 =	sadd.s32 s1, s21;
	s8 =	sadd.s32 s20, s8  }
0x27: {  	s1 =	sadd.s32 s6, s22;
	s6 =	simm.s32 $0x3;
	[dreg:$0x15] =	wrdreg s8  }
0x28: {  	s8 =	sadd.s32 s20, s24;
	s24 =	sadd.s32 s20, s7;
	s20 =	sadd.s32 s3, s22  }
0x29: {  	s3 =	sadd.s32 s5, s22;
	s5 =	simm.s32 $0x5080;
	[dreg:$0x16] =	wrdreg s8  }
0x2a: {  	v0 =	vimm.s32 $0x0;
	s7 =	simm.s32 $0x2880;
	s8 =	simm.s32 $0x80;
	_ =	strace $0x8000004A  }
.LBB2_1:
0x2b: {  	[tilespmem:s5], [sflag:$0x3] =	stream.linear.gather [hbm4b:s25+s16], $0x2000, $0x38;
	[tilespmem:$0x1F0C0] =	vst v63  }
0x2c: {  	_ =	swait.ge [sflag:s6], $0x2000  }
0x2d: {  	[sflag:s6] =	ssyncset.done $0x0  }
0x2e: {  	[sflag:s6] =	ssyncadd.s32 $0xFFFFE000  }
0x2f: {  	[spmem:s26] =	stream.linear.scatter [tilespmem:s5], [sflag:$0x3], $0x2000, $0x38;
	[tilespmem:$0x1F0C0] =	vst v63  }
0x30: {  	_ =	swait.ge [sflag:s6], $0x2000  }
0x31: {  	[sflag:s6] =	ssyncset.done $0x0  }
0x32: {  	[sflag:s6] =	ssyncadd.s32 $0xFFFFE000  }
0x33: {  	[spmem:s29] =	stream.linear.scatter [tilespmem:s5], [sflag:$0x3], $0x2000, $0x38;
	[tilespmem:$0x1F0C0] =	vst v63  }
0x34: {  	_ =	swait.ge [sflag:s6], $0x2000  }
0x35: {  	[sflag:s6] =	ssyncset.done $0x0  }
0x36: {  	[sflag:s6] =	ssyncadd.s32 $0xFFFFE000  }
0x37: {  	[spmem:s31] =	stream.linear.scatter [tilespmem:s5], [sflag:$0x3], $0x2000, $0x38;
	[tilespmem:$0x1F0C0] =	vst v63  }
0x38: {  	_ =	swait.ge [sflag:s6], $0x2000  }
0x39: {  	[sflag:s6] =	ssyncset.done $0x0  }
0x3a: {  	[sflag:s6] =	ssyncadd.s32 $0xFFFFE000  }
0x3b: {  	[spmem:s0] =	stream.linear.scatter [tilespmem:s5], [sflag:$0x3], $0x2000, $0x38;
	[tilespmem:$0x1F0C0] =	vst v63  }
0x3c: {  	_ =	swait.ge [sflag:s6], $0x2000  }
0x3d: {  	[sflag:s6] =	ssyncset.done $0x0  }
0x3e: {  	[sflag:s6] =	ssyncadd.s32 $0xFFFFE000  }
0x3f: {  	[spmem:s2] =	stream.linear.scatter [tilespmem:s5], [sflag:$0x3], $0x2000, $0x38;
	[tilespmem:$0x1F0C0] =	vst v63  }
0x40: {  	_ =	swait.ge [sflag:s6], $0x2000  }
0x41: {  	[sflag:s6] =	ssyncset.done $0x0  }
0x42: {  	s15 =	rddreg [dreg:$0x6];
	[sflag:s6] =	ssyncadd.s32 $0xFFFFE000  }
0x43: {  	[tilespmem:s5], [sflag:$0x3] =	stream.linear.gather [hbm4b:s15+s16], $0x2000, $0x38;
	[tilespmem:$0x1F0C0] =	vst v63  }
0x44: {  	_ =	swait.ge [sflag:s6], $0x2000  }
0x45: {  	[sflag:s6] =	ssyncset.done $0x0  }
0x46: {  	[sflag:s6] =	ssyncadd.s32 $0xFFFFE000  }
0x47: {  	[spmem:s28] =	stream.linear.scatter [tilespmem:s5], [sflag:$0x3], $0x2000, $0x38;
	[tilespmem:$0x1F0C0] =	vst v63  }
0x48: {  	_ =	swait.ge [sflag:s6], $0x2000  }
0x49: {  	[sflag:s6] =	ssyncset.done $0x0  }
0x4a: {  	s18 =	rddreg [dreg:$0x7];
	[sflag:s6] =	ssyncadd.s32 $0xFFFFE000  }
0x4b: {  	[tilespmem:s5], [sflag:$0x3] =	stream.linear.gather [hbm4b:s18+s16], $0x2000, $0x38;
	[tilespmem:$0x1F0C0] =	vst v63  }
0x4c: {  	_ =	swait.ge [sflag:s6], $0x2000  }
0x4d: {  	[sflag:s6] =	ssyncset.done $0x0  }
0x4e: {  	[sflag:s6] =	ssyncadd.s32 $0xFFFFE000  }
0x4f: {  	[spmem:s30] =	stream.linear.scatter [tilespmem:s5], [sflag:$0x3], $0x2000, $0x38;
	[tilespmem:$0x1F0C0] =	vst v63  }
0x50: {  	_ =	swait.ge [sflag:s6], $0x2000  }
0x51: {  	[sflag:s6] =	ssyncset.done $0x0  }
0x52: {  	s17 =	rddreg [dreg:$0x8];
	[sflag:s6] =	ssyncadd.s32 $0xFFFFE000  }
0x53: {  	[tilespmem:s5], [sflag:$0x3] =	stream.linear.gather [hbm4b:s17+s16], $0x2000, $0x38;
	[tilespmem:$0x1F0C0] =	vst v63  }
0x54: {  	_ =	swait.ge [sflag:s6], $0x2000  }
0x55: {  	[sflag:s6] =	ssyncset.done $0x0  }
0x56: {  	[sflag:s6] =	ssyncadd.s32 $0xFFFFE000  }
0x57: {  	[spmem:s20] =	stream.linear.scatter [tilespmem:s5], [sflag:$0x3], $0x2000, $0x38;
	[tilespmem:$0x1F0C0] =	vst v63  }
0x58: {  	_ =	swait.ge [sflag:s6], $0x2000  }
0x59: {  	[sflag:s6] =	ssyncset.done $0x0  }
0x5a: {  	s18 =	rddreg [dreg:$0x9];
	[sflag:s6] =	ssyncadd.s32 $0xFFFFE000  }
0x5b: {  	[tilespmem:s5], [sflag:$0x3] =	stream.linear.gather [hbm4b:s18+s16], $0x2000, $0x38;
	[tilespmem:$0x1F0C0] =	vst v63  }
0x5c: {  	_ =	swait.ge [sflag:s6], $0x2000  }
0x5d: {  	[sflag:s6] =	ssyncset.done $0x0  }
0x5e: {  	[sflag:s6] =	ssyncadd.s32 $0xFFFFE000  }
0x5f: {  	[spmem:s1] =	stream.linear.scatter [tilespmem:s5], [sflag:$0x3], $0x2000, $0x38;
	[tilespmem:$0x1F0C0] =	vst v63  }
0x60: {  	_ =	swait.ge [sflag:s6], $0x2000  }
0x61: {  	[sflag:s6] =	ssyncset.done $0x0  }
0x62: {  	s17 =	rddreg [dreg:$0xa];
	[sflag:s6] =	ssyncadd.s32 $0xFFFFE000  }
0x63: {  	[tilespmem:s5], [sflag:$0x3] =	stream.linear.gather [hbm4b:s17+s16], $0x2000, $0x38;
	[tilespmem:$0x1F0C0] =	vst v63  }
0x64: {  	_ =	swait.ge [sflag:s6], $0x2000  }
0x65: {  	[sflag:s6] =	ssyncset.done $0x0  }
0x66: {  	[sflag:s6] =	ssyncadd.s32 $0xFFFFE000  }
0x67: {  	[spmem:s3] =	stream.linear.scatter [tilespmem:s5], [sflag:$0x3], $0x2000, $0x38;
	[tilespmem:$0x1F0C0] =	vst v63  }
0x68: {  	_ =	swait.ge [sflag:s6], $0x2000  }
0x69: {  	[sflag:s6] =	ssyncset.done $0x0  }
0x6a: {  	s17 =	simm.s32 $0xB080;
	s18 =	rddreg [dreg:$0xb];
	[sflag:s6] =	ssyncadd.s32 $0xFFFFE000  }
0x6b: {  	[tilespmem:s17], [sflag:$0x3] =	stream.linear.gather [hbm4b:s18+s16], $0x40, $0x38;
	[tilespmem:$0x1F0C0] =	vst v63  }
0x6c: {  	_ =	swait.ge [sflag:s6], $0x40  }
0x6d: {  	[sflag:s6] =	ssyncset.done $0x0  }
0x6e: {  	[sflag:s6] =	ssyncadd.s32 $0xFFFFFFC0  }
0x6f: {  	[tilespmem:$0x2800] =	vst v0  }
0x70: {  	[tilespmem:$0x2810] =	vst v0  }
0x71: {  	[tilespmem:$0x2820] =	vst v0  }
0x72: {  	[tilespmem:$0x2830] =	vst v0  }
0x73: {  	[tilespmem:$0x2840] =	vst v0  }
0x74: {  	[tilespmem:$0x2850] =	vst v0  }
0x75: {  	[tilespmem:$0x2860] =	vst v0  }
0x76: {  	[tilespmem:$0x2870] =	vst v0  }
0x77: {  	[bflag:$0x0] =	sbarrier.arrive $0xFFFF  }
0x78: {  	s17 =	rddreg [dreg:$0xc]  }
0x79: {  	[tilespmem:s16], [sflag:$0x3] =	stream.linear.gather [hbm4b:s17+s16], $0x2800, $0x38;
	[tilespmem:$0x1F0C0] =	vst v63  }
0x7a: {  	_ =	swait.ge [sflag:s6], $0x2800  }
0x7b: {  	[sflag:s6] =	ssyncset.done $0x0  }
0x7c: {  	s18 =	rddreg [dreg:$0xd];
	[sflag:s6] =	ssyncadd.s32 $0xFFFFD800  }
0x7d: {  	[tilespmem:s7], [sflag:$0x3] =	stream.linear.gather [hbm4b:s18+s16], $0x2800, $0x38;
	[tilespmem:$0x1F0C0] =	vst v63  }
0x7e: {  	_ =	swait.ge [sflag:s6], $0x2800  }
0x7f: {  	[sflag:s6] =	ssyncset.done $0x0  }
0x80: {  	[sflag:s6] =	ssyncadd.s32 $0xFFFFD800  }
0x81: {  	[tilespmem:s5], [sflag:$0x1] =	stream.indirect.gather [spmem:s22], $0x40, s16, s8, $0xb8;
	[tilespmem:$0x1F0C0] =	vst v63  }
0x82: {  	_ =	swait.ge [sflag:s9], $0x2000  }
0x83: {  	[sflag:s9] =	ssyncset.done $0x0  }
0x84: {  	s17 =	simm.s32 $0x80;
	[sflag:s9] =	ssyncadd.s32 $0xFFFFE000  }
0x85: {  	[tilespmem:s10], [sflag:$0x2] =	stream.indirect.gather [spmem:s22], $0x40, s17, s8, $0xb8;
	[tilespmem:$0x1F0C0] =	vst v63  }
0x86: {  	s18 =	simm.s32 $0x2880  }
0x87: {  	[spmem:s21] =	stream.indirect.scatter.add.f32 [tilespmem:s5], [sflag:$0x3], $0x40, s18, s8, $0xb8;
	[tilespmem:$0x1F0C0] =	vst v63  }
0x88: {  	_ =	swait.ge [sflag:s6], $0x2000  }
0x89: {  	[sflag:s6] =	ssyncset.done $0x0  }
0x8a: {  	[sflag:s6] =	ssyncadd.s32 $0xFFFFE000  }
0x8b: {  	_ =	swait.ge [sflag:s11], $0x2000  }
0x8c: {  	[sflag:s11] =	ssyncset.done $0x0  }
0x8d: {  	s17 =	simm.s32 $0x100;
	[sflag:s11] =	ssyncadd.s32 $0xFFFFE000  }
0x8e: {  	[tilespmem:s5], [sflag:$0x1] =	stream.indirect.gather [spmem:s22], $0x40, s17, s8, $0xb8;
	[tilespmem:$0x1F0C0] =	vst v63  }
0x8f: {  	s18 =	simm.s32 $0x2900  }
0x90: {  	[spmem:s21] =	stream.indirect.scatter.add.f32 [tilespmem:s10], [sflag:$0x3], $0x40, s18, s8, $0xb8;
	[tilespmem:$0x1F0C0] =	vst v63  }
0x91: {  	_ =	swait.ge [sflag:s6], $0x2000  }
0x92: {  	s15 =	simm.s32 $0x400;
	[sflag:s6] =	ssyncset.done $0x0  }
.LBB2_2:
0x93: {  	p0 =	sne.s32 s15, $0x9C00  }
0x94: {  	[sflag:s6] =	ssyncadd.s32 $0xFFFFE000;
	s17 =	smov.u32 s15;
	s15 =	sadd.s32 $0x400, s15  }
0x95: {  	_ = 	snop  }
0x96: {  	_ =	swait.ge [sflag:s9], $0x2000  }
0x97: {  	s17 =	sshra.s32 s17, $0x2;
	[sflag:s9] =	ssyncset.done $0x0  }
0x98: {  	s18 =	sadd.s32 $0x80, s17;
	[sflag:s9] =	ssyncadd.s32 $0xFFFFE000  }
0x99: {  	[tilespmem:s10], [sflag:$0x2] =	stream.indirect.gather [spmem:s22], $0x40, s18, s8, $0xb8;
	[tilespmem:$0x1F0C0] =	vst v63  }
0x9a: {  	s18 =	sadd.s32 $0x2880, s17  }
0x9b: {  	[spmem:s21] =	stream.indirect.scatter.add.f32 [tilespmem:s5], [sflag:$0x3], $0x40, s18, s8, $0xb8;
	[tilespmem:$0x1F0C0] =	vst v63  }
0x9c: {  	_ =	swait.ge [sflag:s6], $0x2000  }
0x9d: {  	[sflag:s6] =	ssyncset.done $0x0  }
0x9e: {  	[sflag:s6] =	ssyncadd.s32 $0xFFFFE000  }
0x9f: {  	_ =	swait.ge [sflag:s11], $0x2000  }
0xa0: {  	[sflag:s11] =	ssyncset.done $0x0  }
0xa1: {  	s18 =	sadd.s32 $0x100, s17;
	[sflag:s11] =	ssyncadd.s32 $0xFFFFE000  }
0xa2: {  	[tilespmem:s5], [sflag:$0x1] =	stream.indirect.gather [spmem:s22], $0x40, s18, s8, $0xb8;
	[tilespmem:$0x1F0C0] =	vst v63  }
.Ltmp0:
0xa3: {  	_ = 	snop;
	(pc) =	sbr.rel @p0 .LBB2_2-.Ltmp0, $4  }
0xa4: {  	s17 =	sadd.s32 $0x2900, s17  }
0xa5: {  	[spmem:s21] =	stream.indirect.scatter.add.f32 [tilespmem:s10], [sflag:$0x3], $0x40, s17, s8, $0xb8;
	[tilespmem:$0x1F0C0] =	vst v63  }
0xa6: {  	_ =	swait.ge [sflag:s6], $0x2000  }
0xa7: {  	[sflag:s6] =	ssyncset.done $0x0  }
0xa8: {  	[sflag:s6] =	ssyncadd.s32 $0xFFFFE000  }
0xa9: {  	_ =	swait.ge [sflag:s9], $0x2000  }
0xaa: {  	[sflag:s9] =	ssyncset.done $0x0  }
0xab: {  	s15 =	simm.s32 $0x0;
	s17 =	rddreg [dreg:$0xe];
	[sflag:s9] =	ssyncadd.s32 $0xFFFFE000  }
0xac: {  	[tilespmem:s15], [sflag:$0x3] =	stream.linear.gather [hbm4b:s17+s15], $0x2800, $0x38;
	[tilespmem:$0x1F0C0] =	vst v63  }
0xad: {  	_ =	swait.ge [sflag:s6], $0x2800  }
0xae: {  	[sflag:s6] =	ssyncset.done $0x0  }
0xaf: {  	s18 =	rddreg [dreg:$0xf];
	[sflag:s6] =	ssyncadd.s32 $0xFFFFD800  }
0xb0: {  	[tilespmem:s7], [sflag:$0x3] =	stream.linear.gather [hbm4b:s18+s15], $0x2800, $0x38;
	[tilespmem:$0x1F0C0] =	vst v63  }
0xb1: {  	_ =	swait.ge [sflag:s6], $0x2800  }
0xb2: {  	[sflag:s6] =	ssyncset.done $0x0  }
0xb3: {  	[sflag:s6] =	ssyncadd.s32 $0xFFFFD800  }
0xb4: {  	[tilespmem:s5], [sflag:$0x1] =	stream.indirect.gather [spmem:s22], $0x40, s15, s8, $0xb8;
	[tilespmem:$0x1F0C0] =	vst v63  }
0xb5: {  	_ =	swait.ge [sflag:s9], $0x2000  }
0xb6: {  	[sflag:s9] =	ssyncset.done $0x0  }
0xb7: {  	s17 =	simm.s32 $0x80;
	[sflag:s9] =	ssyncadd.s32 $0xFFFFE000  }
0xb8: {  	[tilespmem:s10], [sflag:$0x2] =	stream.indirect.gather [spmem:s22], $0x40, s17, s8, $0xb8;
	[tilespmem:$0x1F0C0] =	vst v63  }
0xb9: {  	s18 =	simm.s32 $0x2880  }
0xba: {  	[spmem:s21] =	stream.indirect.scatter.add.f32 [tilespmem:s5], [sflag:$0x3], $0x40, s18, s8, $0xb8;
	[tilespmem:$0x1F0C0] =	vst v63  }
0xbb: {  	_ =	swait.ge [sflag:s6], $0x2000  }
0xbc: {  	[sflag:s6] =	ssyncset.done $0x0  }
0xbd: {  	[sflag:s6] =	ssyncadd.s32 $0xFFFFE000  }
0xbe: {  	_ =	swait.ge [sflag:s11], $0x2000  }
0xbf: {  	[sflag:s11] =	ssyncset.done $0x0  }
0xc0: {  	s17 =	simm.s32 $0x100;
	[sflag:s11] =	ssyncadd.s32 $0xFFFFE000  }
0xc1: {  	[tilespmem:s5], [sflag:$0x1] =	stream.indirect.gather [spmem:s22], $0x40, s17, s8, $0xb8;
	[tilespmem:$0x1F0C0] =	vst v63  }
0xc2: {  	s18 =	simm.s32 $0x2900  }
0xc3: {  	[spmem:s21] =	stream.indirect.scatter.add.f32 [tilespmem:s10], [sflag:$0x3], $0x40, s18, s8, $0xb8;
	[tilespmem:$0x1F0C0] =	vst v63  }
0xc4: {  	_ =	swait.ge [sflag:s6], $0x2000  }
0xc5: {  	s15 =	simm.s32 $0x400;
	[sflag:s6] =	ssyncset.done $0x0  }
.LBB2_4:
0xc6: {  	p0 =	sne.s32 s15, $0x9C00  }
0xc7: {  	[sflag:s6] =	ssyncadd.s32 $0xFFFFE000;
	s17 =	smov.u32 s15;
	s15 =	sadd.s32 $0x400, s15  }
0xc8: {  	_ = 	snop  }
0xc9: {  	_ =	swait.ge [sflag:s9], $0x2000  }
0xca: {  	s17 =	sshra.s32 s17, $0x2;
	[sflag:s9] =	ssyncset.done $0x0  }
0xcb: {  	s18 =	sadd.s32 $0x80, s17;
	[sflag:s9] =	ssyncadd.s32 $0xFFFFE000  }
0xcc: {  	[tilespmem:s10], [sflag:$0x2] =	stream.indirect.gather [spmem:s22], $0x40, s18, s8, $0xb8;
	[tilespmem:$0x1F0C0] =	vst v63  }
0xcd: {  	s18 =	sadd.s32 $0x2880, s17  }
0xce: {  	[spmem:s21] =	stream.indirect.scatter.add.f32 [tilespmem:s5], [sflag:$0x3], $0x40, s18, s8, $0xb8;
	[tilespmem:$0x1F0C0] =	vst v63  }
0xcf: {  	_ =	swait.ge [sflag:s6], $0x2000  }
0xd0: {  	[sflag:s6] =	ssyncset.done $0x0  }
0xd1: {  	[sflag:s6] =	ssyncadd.s32 $0xFFFFE000  }
0xd2: {  	_ =	swait.ge [sflag:s11], $0x2000  }
0xd3: {  	[sflag:s11] =	ssyncset.done $0x0  }
0xd4: {  	s18 =	sadd.s32 $0x100, s17;
	[sflag:s11] =	ssyncadd.s32 $0xFFFFE000  }
0xd5: {  	[tilespmem:s5], [sflag:$0x1] =	stream.indirect.gather [spmem:s22], $0x40, s18, s8, $0xb8;
	[tilespmem:$0x1F0C0] =	vst v63  }
.Ltmp1:
0xd6: {  	_ = 	snop;
	(pc) =	sbr.rel @p0 .LBB2_4-.Ltmp1, $4  }
0xd7: {  	s17 =	sadd.s32 $0x2900, s17  }
0xd8: {  	[spmem:s21] =	stream.indirect.scatter.add.f32 [tilespmem:s10], [sflag:$0x3], $0x40, s17, s8, $0xb8;
	[tilespmem:$0x1F0C0] =	vst v63  }
0xd9: {  	_ =	swait.ge [sflag:s6], $0x2000  }
0xda: {  	[sflag:s6] =	ssyncset.done $0x0  }
0xdb: {  	[sflag:s6] =	ssyncadd.s32 $0xFFFFE000  }
0xdc: {  	_ =	swait.ge [sflag:s9], $0x2000  }
0xdd: {  	[sflag:s9] =	ssyncset.done $0x0  }
0xde: {  	[sflag:s9] =	ssyncadd.s32 $0xFFFFE000  }
0xdf: {  	[bflag:$0x0] =	sbarrier.arrive $0xFFFF  }
0xe0: {  	[tilespmem:s5], [sflag:$0x3] =	stream.linear.gather [spmem:s26], $0x2000, $0x38;
	[tilespmem:$0x1F0C0] =	vst v63  }
0xe1: {  	_ =	swait.ge [sflag:s6], $0x2000  }
0xe2: {  	[sflag:s6] =	ssyncset.done $0x0  }
0xe3: {  	[sflag:s6] =	ssyncadd.s32 $0xFFFFE000  }
0xe4: {  	[tilespmem:s10], [sflag:$0x3] =	stream.linear.gather [spmem:s28], $0x2000, $0x38;
	[tilespmem:$0x1F0C0] =	vst v63  }
0xe5: {  	_ =	swait.ge [sflag:s6], $0x2000  }
0xe6: {  	[sflag:s6] =	ssyncset.done $0x0  }
0xe7: {  	s15 =	simm.s32 $0x0;
	s17 =	rddreg [dreg:$0x10];
	[sflag:s6] =	ssyncadd.s32 $0xFFFFE000  }
0xe8: {  	[tilespmem:s12], [sflag:$0x3] =	stream.linear.gather [hbm4b:s17+s15], $0x2000, $0x38;
	[tilespmem:$0x1F0C0] =	vst v63  }
0xe9: {  	_ =	swait.ge [sflag:s6], $0x2000  }
0xea: {  	[sflag:s6] =	ssyncset.done $0x0  }
0xeb: {  	s15 =	simm.s32 $0x0;
	[sflag:s6] =	ssyncadd.s32 $0xFFFFE000  }
0xec: {  	v1 =	vld [tilespmem:s15+$0x7080]  }
0xed: {  	v2 =	vld [tilespmem:s15+$0x5080];
	_ =	sdelay $0x1  }
0xee: {  	v3 =	vld [tilespmem:s15+$0x9080];
	_ =	sdelay $0x1  }
0xef: {  	v4 =	vld [tilespmem:$0xB080]  }
0xf0: {  	v1 =	vadd.f32 v1, v2;
	_ =	sdelay $0x1  }
0xf1: {  	v2 =	vld [tilespmem:s15+$0x7090];
	v1 =	vmul.f32 v1, v3  }
0xf2: {  	v3 =	vld [tilespmem:s15+$0x5090]  }
0xf3: {  	v1 =	vadd.f32 v1, v4  }
0xf4: {  	v4 =	vld [tilespmem:s15+$0x9090]  }
0xf5: {  	[tilespmem:s15+$0x5080] =	vst v1  }
0xf6: {  	v1 =	vld [tilespmem:$0xB090]  }
0xf7: {  	v2 =	vadd.f32 v2, v3;
	_ =	sdelay $0x1  }
0xf8: {  	v3 =	vld [tilespmem:s15+$0x70A0];
	v2 =	vmul.f32 v2, v4  }
0xf9: {  	v4 =	vld [tilespmem:s15+$0x50A0]  }
0xfa: {  	v1 =	vadd.f32 v2, v1  }
0xfb: {  	v2 =	vld [tilespmem:s15+$0x90A0]  }
0xfc: {  	[tilespmem:s15+$0x5090] =	vst v1  }
0xfd: {  	v1 =	vld [tilespmem:$0xB0A0]  }
0xfe: {  	v3 =	vadd.f32 v3, v4;
	_ =	sdelay $0x1  }
0xff: {  	v5 =	vld [tilespmem:s15+$0x50B0];
	v2 =	vmul.f32 v3, v2  }
0x100: {  	v4 =	vld [tilespmem:s15+$0x70B0]  }
0x101: {  	v1 =	vadd.f32 v2, v1  }
0x102: {  	v3 =	vld [tilespmem:s15+$0x90B0]  }
0x103: {  	[tilespmem:s15+$0x50A0] =	vst v1  }
0x104: {  	v2 =	vld [tilespmem:$0xB0B0]  }
0x105: {  	v4 =	vadd.f32 v4, v5  }
0x106: {  	s18 =	simm.s32 $0x40  }
0x107: {  	s17 =	simm.s32 $0x200;
	v3 =	vmul.f32 v4, v3;
	v1 =	vld [tilespmem:s18+$0x7080]  }
.LBB2_6:
0x108: {  	p0 =	sne.s32 s17, $0x7F00;
	v4 =	vld [tilespmem:s18+$0x5080]  }
0x109: {  	v2 =	vadd.f32 v3, v2  }
0x10a: {  	v3 =	vld [tilespmem:s18+$0x9080]  }
0x10b: {  	[tilespmem:s15+$0x50B0] =	vst v2;
	s15 =	smov.u32 s18  }
0x10c: {  	v2 =	vld [tilespmem:$0xB080]  }
0x10d: {  	v1 =	vadd.f32 v1, v4;
	_ =	sdelay $0x1  }
0x10e: {  	v1 =	vmul.f32 v1, v3;
	v3 =	vld [tilespmem:s15+$0x7090]  }
0x10f: {  	v4 =	vld [tilespmem:s15+$0x5090]  }
0x110: {  	v1 =	vadd.f32 v1, v2  }
0x111: {  	v2 =	vld [tilespmem:s15+$0x9090]  }
0x112: {  	[tilespmem:s15+$0x5080] =	vst v1  }
0x113: {  	v1 =	vld [tilespmem:$0xB090]  }
0x114: {  	v3 =	vadd.f32 v3, v4;
	_ =	sdelay $0x1  }
0x115: {  	v2 =	vmul.f32 v3, v2;
	v3 =	vld [tilespmem:s15+$0x70A0]  }
0x116: {  	v4 =	vld [tilespmem:s15+$0x50A0]  }
0x117: {  	v1 =	vadd.f32 v2, v1  }
0x118: {  	v2 =	vld [tilespmem:s15+$0x90A0]  }
0x119: {  	[tilespmem:s15+$0x5090] =	vst v1  }
0x11a: {  	v1 =	vld [tilespmem:$0xB0A0]  }
0x11b: {  	v3 =	vadd.f32 v3, v4;
	_ =	sdelay $0x1  }
0x11c: {  	v2 =	vmul.f32 v3, v2;
	v3 =	vld [tilespmem:s15+$0x70B0]  }
0x11d: {  	v4 =	vld [tilespmem:s15+$0x50B0]  }
0x11e: {  	v1 =	vadd.f32 v2, v1  }
0x11f: {  	v5 =	vld [tilespmem:s15+$0x90B0]  }
.Ltmp2:
0x120: {  	[tilespmem:s15+$0x50A0] =	vst v1;
	(pc) =	sbr.rel @p0 .LBB2_6-.Ltmp2, $4  }
0x121: {  	v2 =	vld [tilespmem:$0xB0B0]  }
0x122: {  	v3 =	vadd.f32 v3, v4  }
0x123: {  	s18 =	sshra.s32 s17, $0x2  }
0x124: {  	s17 =	sadd.s32 $0x100, s17;
	v1 =	vld [tilespmem:s18+$0x7080];
	v3 =	vmul.f32 v3, v5  }
0x125: {  	v4 =	vld [tilespmem:s18+$0x5080]  }
0x126: {  	v2 =	vadd.f32 v3, v2  }
0x127: {  	v3 =	vld [tilespmem:s18+$0x9080]  }
0x128: {  	[tilespmem:s15+$0x50B0] =	vst v2  }
0x129: {  	v2 =	vld [tilespmem:$0xB080]  }
0x12a: {  	v1 =	vadd.f32 v1, v4;
	_ =	sdelay $0x1  }
0x12b: {  	v4 =	vld [tilespmem:s18+$0x5090];
	v1 =	vmul.f32 v1, v3  }
0x12c: {  	v3 =	vld [tilespmem:s18+$0x7090]  }
0x12d: {  	v1 =	vadd.f32 v1, v2  }
0x12e: {  	v2 =	vld [tilespmem:s18+$0x9090]  }
0x12f: {  	[tilespmem:s18+$0x5080] =	vst v1  }
0x130: {  	v1 =	vld [tilespmem:$0xB090]  }
0x131: {  	v3 =	vadd.f32 v3, v4;
	_ =	sdelay $0x1  }
0x132: {  	v4 =	vld [tilespmem:s18+$0x50A0];
	v2 =	vmul.f32 v3, v2  }
0x133: {  	v3 =	vld [tilespmem:s18+$0x70A0]  }
0x134: {  	v1 =	vadd.f32 v2, v1  }
0x135: {  	v2 =	vld [tilespmem:s18+$0x90A0]  }
0x136: {  	[tilespmem:s18+$0x5090] =	vst v1  }
0x137: {  	v1 =	vld [tilespmem:$0xB0A0]  }
0x138: {  	v3 =	vadd.f32 v3, v4;
	_ =	sdelay $0x1  }
0x139: {  	v4 =	vld [tilespmem:s18+$0x50B0];
	v2 =	vmul.f32 v3, v2  }
0x13a: {  	v3 =	vld [tilespmem:s18+$0x70B0]  }
0x13b: {  	v1 =	vadd.f32 v2, v1  }
0x13c: {  	v2 =	vld [tilespmem:s18+$0x90B0]  }
0x13d: {  	[tilespmem:s18+$0x50A0] =	vst v1  }
0x13e: {  	v1 =	vld [tilespmem:$0xB0B0]  }
0x13f: {  	v3 =	vadd.f32 v3, v4;
	_ =	sdelay $0x1  }
0x140: {  	v2 =	vmul.f32 v3, v2;
	_ =	sdelay $0x1  }
0x141: {  	v1 =	vadd.f32 v2, v1;
	_ =	sdelay $0x1  }
0x142: {  	s17 =	rddreg [dreg:$0x15];
	[tilespmem:s18+$0x50B0] =	vst v1  }
0x143: {  	[hbm4b:s17+s13] =	stream.strided.scatter [tilespmem:s5], [sflag:$0x3], $0x2000, s8, s13, $0x38;
	[tilespmem:$0x1F0C0] =	vst v63  }
0x144: {  	_ =	swait.ge [sflag:s6], $0x2000  }
0x145: {  	[sflag:s6] =	ssyncset.done $0x0  }
0x146: {  	[sflag:s6] =	ssyncadd.s32 $0xFFFFE000  }
0x147: {  	[tilespmem:s5], [sflag:$0x3] =	stream.linear.gather [spmem:s29], $0x2000, $0x38;
	[tilespmem:$0x1F0C0] =	vst v63  }
0x148: {  	_ =	swait.ge [sflag:s6], $0x2000  }
0x149: {  	[sflag:s6] =	ssyncset.done $0x0  }
0x14a: {  	[sflag:s6] =	ssyncadd.s32 $0xFFFFE000  }
0x14b: {  	[tilespmem:s10], [sflag:$0x3] =	stream.linear.gather [spmem:s30], $0x2000, $0x38;
	[tilespmem:$0x1F0C0] =	vst v63  }
0x14c: {  	_ =	swait.ge [sflag:s6], $0x2000  }
0x14d: {  	[sflag:s6] =	ssyncset.done $0x0  }
0x14e: {  	s18 =	simm.s32 $0x0;
	s17 =	rddreg [dreg:$0x11];
	[sflag:s6] =	ssyncadd.s32 $0xFFFFE000  }
0x14f: {  	[tilespmem:s12], [sflag:$0x3] =	stream.linear.gather [hbm4b:s17+s18], $0x2000, $0x38;
	[tilespmem:$0x1F0C0] =	vst v63  }
0x150: {  	_ =	swait.ge [sflag:s6], $0x2000  }
0x151: {  	[sflag:s6] =	ssyncset.done $0x0  }
0x152: {  	s15 =	simm.s32 $0x0;
	[sflag:s6] =	ssyncadd.s32 $0xFFFFE000  }
0x153: {  	v1 =	vld [tilespmem:s15+$0x7080]  }
0x154: {  	v2 =	vld [tilespmem:s15+$0x5080];
	_ =	sdelay $0x1  }
0x155: {  	v3 =	vld [tilespmem:s15+$0x9080];
	_ =	sdelay $0x1  }
0x156: {  	v4 =	vld [tilespmem:$0xB080]  }
0x157: {  	v1 =	vadd.f32 v1, v2;
	_ =	sdelay $0x1  }
0x158: {  	v2 =	vld [tilespmem:s15+$0x7090];
	v1 =	vmul.f32 v1, v3  }
0x159: {  	v3 =	vld [tilespmem:s15+$0x5090]  }
0x15a: {  	v1 =	vadd.f32 v1, v4  }
0x15b: {  	v4 =	vld [tilespmem:s15+$0x9090]  }
0x15c: {  	[tilespmem:s15+$0x5080] =	vst v1  }
0x15d: {  	v1 =	vld [tilespmem:$0xB090]  }
0x15e: {  	v2 =	vadd.f32 v2, v3;
	_ =	sdelay $0x1  }
0x15f: {  	v3 =	vld [tilespmem:s15+$0x70A0];
	v2 =	vmul.f32 v2, v4  }
0x160: {  	v4 =	vld [tilespmem:s15+$0x50A0]  }
0x161: {  	v1 =	vadd.f32 v2, v1  }
0x162: {  	v2 =	vld [tilespmem:s15+$0x90A0]  }
0x163: {  	[tilespmem:s15+$0x5090] =	vst v1  }
0x164: {  	v1 =	vld [tilespmem:$0xB0A0]  }
0x165: {  	v3 =	vadd.f32 v3, v4;
	_ =	sdelay $0x1  }
0x166: {  	v5 =	vld [tilespmem:s15+$0x50B0];
	v2 =	vmul.f32 v3, v2  }
0x167: {  	v4 =	vld [tilespmem:s15+$0x70B0]  }
0x168: {  	v1 =	vadd.f32 v2, v1  }
0x169: {  	v3 =	vld [tilespmem:s15+$0x90B0]  }
0x16a: {  	[tilespmem:s15+$0x50A0] =	vst v1  }
0x16b: {  	v2 =	vld [tilespmem:$0xB0B0]  }
0x16c: {  	v4 =	vadd.f32 v4, v5  }
0x16d: {  	s18 =	simm.s32 $0x40  }
0x16e: {  	s17 =	simm.s32 $0x200;
	v3 =	vmul.f32 v4, v3;
	v1 =	vld [tilespmem:s18+$0x7080]  }
.LBB2_8:
0x16f: {  	p0 =	sne.s32 s17, $0x7F00;
	v4 =	vld [tilespmem:s18+$0x5080]  }
0x170: {  	v2 =	vadd.f32 v3, v2  }
0x171: {  	v3 =	vld [tilespmem:s18+$0x9080]  }
0x172: {  	[tilespmem:s15+$0x50B0] =	vst v2;
	s15 =	smov.u32 s18  }
0x173: {  	v2 =	vld [tilespmem:$0xB080]  }
0x174: {  	v1 =	vadd.f32 v1, v4;
	_ =	sdelay $0x1  }
0x175: {  	v1 =	vmul.f32 v1, v3;
	v3 =	vld [tilespmem:s15+$0x7090]  }
0x176: {  	v4 =	vld [tilespmem:s15+$0x5090]  }
0x177: {  	v1 =	vadd.f32 v1, v2  }
0x178: {  	v2 =	vld [tilespmem:s15+$0x9090]  }
0x179: {  	[tilespmem:s15+$0x5080] =	vst v1  }
0x17a: {  	v1 =	vld [tilespmem:$0xB090]  }
0x17b: {  	v3 =	vadd.f32 v3, v4;
	_ =	sdelay $0x1  }
0x17c: {  	v2 =	vmul.f32 v3, v2;
	v3 =	vld [tilespmem:s15+$0x70A0]  }
0x17d: {  	v4 =	vld [tilespmem:s15+$0x50A0]  }
0x17e: {  	v1 =	vadd.f32 v2, v1  }
0x17f: {  	v2 =	vld [tilespmem:s15+$0x90A0]  }
0x180: {  	[tilespmem:s15+$0x5090] =	vst v1  }
0x181: {  	v1 =	vld [tilespmem:$0xB0A0]  }
0x182: {  	v3 =	vadd.f32 v3, v4;
	_ =	sdelay $0x1  }
0x183: {  	v2 =	vmul.f32 v3, v2;
	v3 =	vld [tilespmem:s15+$0x70B0]  }
0x184: {  	v4 =	vld [tilespmem:s15+$0x50B0]  }
0x185: {  	v1 =	vadd.f32 v2, v1  }
0x186: {  	v5 =	vld [tilespmem:s15+$0x90B0]  }
.Ltmp3:
0x187: {  	[tilespmem:s15+$0x50A0] =	vst v1;
	(pc) =	sbr.rel @p0 .LBB2_8-.Ltmp3, $4  }
0x188: {  	v2 =	vld [tilespmem:$0xB0B0]  }
0x189: {  	v3 =	vadd.f32 v3, v4  }
0x18a: {  	s18 =	sshra.s32 s17, $0x2  }
0x18b: {  	s17 =	sadd.s32 $0x100, s17;
	v1 =	vld [tilespmem:s18+$0x7080];
	v3 =	vmul.f32 v3, v5  }
0x18c: {  	v4 =	vld [tilespmem:s18+$0x5080]  }
0x18d: {  	v2 =	vadd.f32 v3, v2  }
0x18e: {  	v3 =	vld [tilespmem:s18+$0x9080]  }
0x18f: {  	[tilespmem:s15+$0x50B0] =	vst v2  }
0x190: {  	v2 =	vld [tilespmem:$0xB080]  }
0x191: {  	v1 =	vadd.f32 v1, v4;
	_ =	sdelay $0x1  }
0x192: {  	v4 =	vld [tilespmem:s18+$0x5090];
	v1 =	vmul.f32 v1, v3  }
0x193: {  	v3 =	vld [tilespmem:s18+$0x7090]  }
0x194: {  	v1 =	vadd.f32 v1, v2  }
0x195: {  	v2 =	vld [tilespmem:s18+$0x9090]  }
0x196: {  	[tilespmem:s18+$0x5080] =	vst v1  }
0x197: {  	v1 =	vld [tilespmem:$0xB090]  }
0x198: {  	v3 =	vadd.f32 v3, v4;
	_ =	sdelay $0x1  }
0x199: {  	v4 =	vld [tilespmem:s18+$0x50A0];
	v2 =	vmul.f32 v3, v2  }
0x19a: {  	v3 =	vld [tilespmem:s18+$0x70A0]  }
0x19b: {  	v1 =	vadd.f32 v2, v1  }
0x19c: {  	v2 =	vld [tilespmem:s18+$0x90A0]  }
0x19d: {  	[tilespmem:s18+$0x5090] =	vst v1  }
0x19e: {  	v1 =	vld [tilespmem:$0xB0A0]  }
0x19f: {  	v3 =	vadd.f32 v3, v4;
	_ =	sdelay $0x1  }
0x1a0: {  	v4 =	vld [tilespmem:s18+$0x50B0];
	v2 =	vmul.f32 v3, v2  }
0x1a1: {  	v3 =	vld [tilespmem:s18+$0x70B0]  }
0x1a2: {  	v1 =	vadd.f32 v2, v1  }
0x1a3: {  	v2 =	vld [tilespmem:s18+$0x90B0]  }
0x1a4: {  	[tilespmem:s18+$0x50A0] =	vst v1  }
0x1a5: {  	v1 =	vld [tilespmem:$0xB0B0]  }
0x1a6: {  	v3 =	vadd.f32 v3, v4;
	_ =	sdelay $0x1  }
0x1a7: {  	v2 =	vmul.f32 v3, v2;
	_ =	sdelay $0x1  }
0x1a8: {  	v1 =	vadd.f32 v2, v1;
	_ =	sdelay $0x1  }
0x1a9: {  	s17 =	rddreg [dreg:$0x16];
	[tilespmem:s18+$0x50B0] =	vst v1  }
0x1aa: {  	[hbm4b:s17+s13] =	stream.strided.scatter [tilespmem:s5], [sflag:$0x3], $0x2000, s8, s13, $0x38;
	[tilespmem:$0x1F0C0] =	vst v63  }
0x1ab: {  	_ =	swait.ge [sflag:s6], $0x2000  }
0x1ac: {  	[sflag:s6] =	ssyncset.done $0x0  }
0x1ad: {  	[sflag:s6] =	ssyncadd.s32 $0xFFFFE000  }
0x1ae: {  	[tilespmem:s5], [sflag:$0x3] =	stream.linear.gather [spmem:s31], $0x2000, $0x38;
	[tilespmem:$0x1F0C0] =	vst v63  }
0x1af: {  	_ =	swait.ge [sflag:s6], $0x2000  }
0x1b0: {  	[sflag:s6] =	ssyncset.done $0x0  }
0x1b1: {  	[sflag:s6] =	ssyncadd.s32 $0xFFFFE000  }
0x1b2: {  	[tilespmem:s10], [sflag:$0x3] =	stream.linear.gather [spmem:s20], $0x2000, $0x38;
	[tilespmem:$0x1F0C0] =	vst v63  }
0x1b3: {  	_ =	swait.ge [sflag:s6], $0x2000  }
0x1b4: {  	[sflag:s6] =	ssyncset.done $0x0  }
0x1b5: {  	s18 =	simm.s32 $0x0;
	s17 =	rddreg [dreg:$0x12];
	[sflag:s6] =	ssyncadd.s32 $0xFFFFE000  }
0x1b6: {  	[tilespmem:s12], [sflag:$0x3] =	stream.linear.gather [hbm4b:s17+s18], $0x2000, $0x38;
	[tilespmem:$0x1F0C0] =	vst v63  }
0x1b7: {  	_ =	swait.ge [sflag:s6], $0x2000  }
0x1b8: {  	[sflag:s6] =	ssyncset.done $0x0  }
0x1b9: {  	s15 =	simm.s32 $0x0;
	[sflag:s6] =	ssyncadd.s32 $0xFFFFE000  }
0x1ba: {  	v1 =	vld [tilespmem:s15+$0x7080]  }
0x1bb: {  	v2 =	vld [tilespmem:s15+$0x5080];
	_ =	sdelay $0x1  }
0x1bc: {  	v3 =	vld [tilespmem:s15+$0x9080];
	_ =	sdelay $0x1  }
0x1bd: {  	v4 =	vld [tilespmem:$0xB080]  }
0x1be: {  	v1 =	vadd.f32 v1, v2;
	_ =	sdelay $0x1  }
0x1bf: {  	v2 =	vld [tilespmem:s15+$0x7090];
	v1 =	vmul.f32 v1, v3  }
0x1c0: {  	v3 =	vld [tilespmem:s15+$0x5090]  }
0x1c1: {  	v1 =	vadd.f32 v1, v4  }
0x1c2: {  	v4 =	vld [tilespmem:s15+$0x9090]  }
0x1c3: {  	[tilespmem:s15+$0x5080] =	vst v1  }
0x1c4: {  	v1 =	vld [tilespmem:$0xB090]  }
0x1c5: {  	v2 =	vadd.f32 v2, v3;
	_ =	sdelay $0x1  }
0x1c6: {  	v3 =	vld [tilespmem:s15+$0x70A0];
	v2 =	vmul.f32 v2, v4  }
0x1c7: {  	v4 =	vld [tilespmem:s15+$0x50A0]  }
0x1c8: {  	v1 =	vadd.f32 v2, v1  }
0x1c9: {  	v2 =	vld [tilespmem:s15+$0x90A0]  }
0x1ca: {  	[tilespmem:s15+$0x5090] =	vst v1  }
0x1cb: {  	v1 =	vld [tilespmem:$0xB0A0]  }
0x1cc: {  	v3 =	vadd.f32 v3, v4;
	_ =	sdelay $0x1  }
0x1cd: {  	v5 =	vld [tilespmem:s15+$0x50B0];
	v2 =	vmul.f32 v3, v2  }
0x1ce: {  	v4 =	vld [tilespmem:s15+$0x70B0]  }
0x1cf: {  	v1 =	vadd.f32 v2, v1  }
0x1d0: {  	v3 =	vld [tilespmem:s15+$0x90B0]  }
0x1d1: {  	[tilespmem:s15+$0x50A0] =	vst v1  }
0x1d2: {  	v2 =	vld [tilespmem:$0xB0B0]  }
0x1d3: {  	v4 =	vadd.f32 v4, v5  }
0x1d4: {  	s18 =	simm.s32 $0x40  }
0x1d5: {  	s17 =	simm.s32 $0x200;
	v3 =	vmul.f32 v4, v3;
	v1 =	vld [tilespmem:s18+$0x7080]  }
.LBB2_10:
0x1d6: {  	p0 =	sne.s32 s17, $0x7F00;
	v4 =	vld [tilespmem:s18+$0x5080]  }
0x1d7: {  	v2 =	vadd.f32 v3, v2  }
0x1d8: {  	v3 =	vld [tilespmem:s18+$0x9080]  }
0x1d9: {  	[tilespmem:s15+$0x50B0] =	vst v2;
	s15 =	smov.u32 s18  }
0x1da: {  	v2 =	vld [tilespmem:$0xB080]  }
0x1db: {  	v1 =	vadd.f32 v1, v4;
	_ =	sdelay $0x1  }
0x1dc: {  	v1 =	vmul.f32 v1, v3;
	v3 =	vld [tilespmem:s15+$0x7090]  }
0x1dd: {  	v4 =	vld [tilespmem:s15+$0x5090]  }
0x1de: {  	v1 =	vadd.f32 v1, v2  }
0x1df: {  	v2 =	vld [tilespmem:s15+$0x9090]  }
0x1e0: {  	[tilespmem:s15+$0x5080] =	vst v1  }
0x1e1: {  	v1 =	vld [tilespmem:$0xB090]  }
0x1e2: {  	v3 =	vadd.f32 v3, v4;
	_ =	sdelay $0x1  }
0x1e3: {  	v2 =	vmul.f32 v3, v2;
	v3 =	vld [tilespmem:s15+$0x70A0]  }
0x1e4: {  	v4 =	vld [tilespmem:s15+$0x50A0]  }
0x1e5: {  	v1 =	vadd.f32 v2, v1  }
0x1e6: {  	v2 =	vld [tilespmem:s15+$0x90A0]  }
0x1e7: {  	[tilespmem:s15+$0x5090] =	vst v1  }
0x1e8: {  	v1 =	vld [tilespmem:$0xB0A0]  }
0x1e9: {  	v3 =	vadd.f32 v3, v4;
	_ =	sdelay $0x1  }
0x1ea: {  	v2 =	vmul.f32 v3, v2;
	v3 =	vld [tilespmem:s15+$0x70B0]  }
0x1eb: {  	v4 =	vld [tilespmem:s15+$0x50B0]  }
0x1ec: {  	v1 =	vadd.f32 v2, v1  }
0x1ed: {  	v5 =	vld [tilespmem:s15+$0x90B0]  }
.Ltmp4:
0x1ee: {  	[tilespmem:s15+$0x50A0] =	vst v1;
	(pc) =	sbr.rel @p0 .LBB2_10-.Ltmp4, $4  }
0x1ef: {  	v2 =	vld [tilespmem:$0xB0B0]  }
0x1f0: {  	v3 =	vadd.f32 v3, v4  }
0x1f1: {  	s18 =	sshra.s32 s17, $0x2  }
0x1f2: {  	s17 =	sadd.s32 $0x100, s17;
	v1 =	vld [tilespmem:s18+$0x7080];
	v3 =	vmul.f32 v3, v5  }
0x1f3: {  	v4 =	vld [tilespmem:s18+$0x5080]  }
0x1f4: {  	v2 =	vadd.f32 v3, v2  }
0x1f5: {  	v3 =	vld [tilespmem:s18+$0x9080]  }
0x1f6: {  	[tilespmem:s15+$0x50B0] =	vst v2  }
0x1f7: {  	v2 =	vld [tilespmem:$0xB080]  }
0x1f8: {  	v1 =	vadd.f32 v1, v4;
	_ =	sdelay $0x1  }
0x1f9: {  	v4 =	vld [tilespmem:s18+$0x5090];
	v1 =	vmul.f32 v1, v3  }
0x1fa: {  	v3 =	vld [tilespmem:s18+$0x7090]  }
0x1fb: {  	v1 =	vadd.f32 v1, v2  }
0x1fc: {  	v2 =	vld [tilespmem:s18+$0x9090]  }
0x1fd: {  	[tilespmem:s18+$0x5080] =	vst v1  }
0x1fe: {  	v1 =	vld [tilespmem:$0xB090]  }
0x1ff: {  	v3 =	vadd.f32 v3, v4;
	_ =	sdelay $0x1  }
0x200: {  	v4 =	vld [tilespmem:s18+$0x50A0];
	v2 =	vmul.f32 v3, v2  }
0x201: {  	v3 =	vld [tilespmem:s18+$0x70A0]  }
0x202: {  	v1 =	vadd.f32 v2, v1  }
0x203: {  	v2 =	vld [tilespmem:s18+$0x90A0]  }
0x204: {  	[tilespmem:s18+$0x5090] =	vst v1  }
0x205: {  	v1 =	vld [tilespmem:$0xB0A0]  }
0x206: {  	v3 =	vadd.f32 v3, v4;
	_ =	sdelay $0x1  }
0x207: {  	v4 =	vld [tilespmem:s18+$0x50B0];
	v2 =	vmul.f32 v3, v2  }
0x208: {  	v3 =	vld [tilespmem:s18+$0x70B0]  }
0x209: {  	v1 =	vadd.f32 v2, v1  }
0x20a: {  	v2 =	vld [tilespmem:s18+$0x90B0]  }
0x20b: {  	[tilespmem:s18+$0x50A0] =	vst v1  }
0x20c: {  	v1 =	vld [tilespmem:$0xB0B0]  }
0x20d: {  	v3 =	vadd.f32 v3, v4;
	_ =	sdelay $0x1  }
0x20e: {  	v2 =	vmul.f32 v3, v2;
	_ =	sdelay $0x1  }
0x20f: {  	v1 =	vadd.f32 v2, v1;
	_ =	sdelay $0x1  }
0x210: {  	[tilespmem:s18+$0x50B0] =	vst v1  }
0x211: {  	[hbm4b:s19+s13] =	stream.strided.scatter [tilespmem:s5], [sflag:$0x3], $0x2000, s8, s13, $0x38;
	[tilespmem:$0x1F0C0] =	vst v63  }
0x212: {  	_ =	swait.ge [sflag:s6], $0x2000  }
0x213: {  	[sflag:s6] =	ssyncset.done $0x0  }
0x214: {  	[sflag:s6] =	ssyncadd.s32 $0xFFFFE000  }
0x215: {  	[tilespmem:s5], [sflag:$0x3] =	stream.linear.gather [spmem:s0], $0x2000, $0x38;
	[tilespmem:$0x1F0C0] =	vst v63  }
0x216: {  	_ =	swait.ge [sflag:s6], $0x2000  }
0x217: {  	[sflag:s6] =	ssyncset.done $0x0  }
0x218: {  	[sflag:s6] =	ssyncadd.s32 $0xFFFFE000  }
0x219: {  	[tilespmem:s10], [sflag:$0x3] =	stream.linear.gather [spmem:s1], $0x2000, $0x38;
	[tilespmem:$0x1F0C0] =	vst v63  }
0x21a: {  	_ =	swait.ge [sflag:s6], $0x2000  }
0x21b: {  	[sflag:s6] =	ssyncset.done $0x0  }
0x21c: {  	s18 =	simm.s32 $0x0;
	s17 =	rddreg [dreg:$0x13];
	[sflag:s6] =	ssyncadd.s32 $0xFFFFE000  }
0x21d: {  	[tilespmem:s12], [sflag:$0x3] =	stream.linear.gather [hbm4b:s17+s18], $0x2000, $0x38;
	[tilespmem:$0x1F0C0] =	vst v63  }
0x21e: {  	_ =	swait.ge [sflag:s6], $0x2000  }
0x21f: {  	[sflag:s6] =	ssyncset.done $0x0  }
0x220: {  	s15 =	simm.s32 $0x0;
	[sflag:s6] =	ssyncadd.s32 $0xFFFFE000  }
0x221: {  	v1 =	vld [tilespmem:s15+$0x7080]  }
0x222: {  	v2 =	vld [tilespmem:s15+$0x5080];
	_ =	sdelay $0x1  }
0x223: {  	v3 =	vld [tilespmem:s15+$0x9080];
	_ =	sdelay $0x1  }
0x224: {  	v4 =	vld [tilespmem:$0xB080]  }
0x225: {  	v1 =	vadd.f32 v1, v2;
	_ =	sdelay $0x1  }
0x226: {  	v2 =	vld [tilespmem:s15+$0x7090];
	v1 =	vmul.f32 v1, v3  }
0x227: {  	v3 =	vld [tilespmem:s15+$0x5090]  }
0x228: {  	v1 =	vadd.f32 v1, v4  }
0x229: {  	v4 =	vld [tilespmem:s15+$0x9090]  }
0x22a: {  	[tilespmem:s15+$0x5080] =	vst v1  }
0x22b: {  	v1 =	vld [tilespmem:$0xB090]  }
0x22c: {  	v2 =	vadd.f32 v2, v3;
	_ =	sdelay $0x1  }
0x22d: {  	v3 =	vld [tilespmem:s15+$0x70A0];
	v2 =	vmul.f32 v2, v4  }
0x22e: {  	v4 =	vld [tilespmem:s15+$0x50A0]  }
0x22f: {  	v1 =	vadd.f32 v2, v1  }
0x230: {  	v2 =	vld [tilespmem:s15+$0x90A0]  }
0x231: {  	[tilespmem:s15+$0x5090] =	vst v1  }
0x232: {  	v1 =	vld [tilespmem:$0xB0A0]  }
0x233: {  	v3 =	vadd.f32 v3, v4;
	_ =	sdelay $0x1  }
0x234: {  	v5 =	vld [tilespmem:s15+$0x50B0];
	v2 =	vmul.f32 v3, v2  }
0x235: {  	v4 =	vld [tilespmem:s15+$0x70B0]  }
0x236: {  	v1 =	vadd.f32 v2, v1  }
0x237: {  	v3 =	vld [tilespmem:s15+$0x90B0]  }
0x238: {  	[tilespmem:s15+$0x50A0] =	vst v1  }
0x239: {  	v2 =	vld [tilespmem:$0xB0B0]  }
0x23a: {  	v4 =	vadd.f32 v4, v5  }
0x23b: {  	s18 =	simm.s32 $0x40  }
0x23c: {  	s17 =	simm.s32 $0x200;
	v3 =	vmul.f32 v4, v3;
	v1 =	vld [tilespmem:s18+$0x7080]  }
.LBB2_12:
0x23d: {  	p0 =	sne.s32 s17, $0x7F00;
	v4 =	vld [tilespmem:s18+$0x5080]  }
0x23e: {  	v2 =	vadd.f32 v3, v2  }
0x23f: {  	v3 =	vld [tilespmem:s18+$0x9080]  }
0x240: {  	[tilespmem:s15+$0x50B0] =	vst v2;
	s15 =	smov.u32 s18  }
0x241: {  	v2 =	vld [tilespmem:$0xB080]  }
0x242: {  	v1 =	vadd.f32 v1, v4;
	_ =	sdelay $0x1  }
0x243: {  	v1 =	vmul.f32 v1, v3;
	v3 =	vld [tilespmem:s15+$0x7090]  }
0x244: {  	v4 =	vld [tilespmem:s15+$0x5090]  }
0x245: {  	v1 =	vadd.f32 v1, v2  }
0x246: {  	v2 =	vld [tilespmem:s15+$0x9090]  }
0x247: {  	[tilespmem:s15+$0x5080] =	vst v1  }
0x248: {  	v1 =	vld [tilespmem:$0xB090]  }
0x249: {  	v3 =	vadd.f32 v3, v4;
	_ =	sdelay $0x1  }
0x24a: {  	v2 =	vmul.f32 v3, v2;
	v3 =	vld [tilespmem:s15+$0x70A0]  }
0x24b: {  	v4 =	vld [tilespmem:s15+$0x50A0]  }
0x24c: {  	v1 =	vadd.f32 v2, v1  }
0x24d: {  	v2 =	vld [tilespmem:s15+$0x90A0]  }
0x24e: {  	[tilespmem:s15+$0x5090] =	vst v1  }
0x24f: {  	v1 =	vld [tilespmem:$0xB0A0]  }
0x250: {  	v3 =	vadd.f32 v3, v4;
	_ =	sdelay $0x1  }
0x251: {  	v2 =	vmul.f32 v3, v2;
	v3 =	vld [tilespmem:s15+$0x70B0]  }
0x252: {  	v4 =	vld [tilespmem:s15+$0x50B0]  }
0x253: {  	v1 =	vadd.f32 v2, v1  }
0x254: {  	v5 =	vld [tilespmem:s15+$0x90B0]  }
.Ltmp5:
0x255: {  	[tilespmem:s15+$0x50A0] =	vst v1;
	(pc) =	sbr.rel @p0 .LBB2_12-.Ltmp5, $4  }
0x256: {  	v2 =	vld [tilespmem:$0xB0B0]  }
0x257: {  	v3 =	vadd.f32 v3, v4  }
0x258: {  	s18 =	sshra.s32 s17, $0x2  }
0x259: {  	s17 =	sadd.s32 $0x100, s17;
	v1 =	vld [tilespmem:s18+$0x7080];
	v3 =	vmul.f32 v3, v5  }
0x25a: {  	v4 =	vld [tilespmem:s18+$0x5080]  }
0x25b: {  	v2 =	vadd.f32 v3, v2  }
0x25c: {  	v3 =	vld [tilespmem:s18+$0x9080]  }
0x25d: {  	[tilespmem:s15+$0x50B0] =	vst v2  }
0x25e: {  	v2 =	vld [tilespmem:$0xB080]  }
0x25f: {  	v1 =	vadd.f32 v1, v4;
	_ =	sdelay $0x1  }
0x260: {  	v4 =	vld [tilespmem:s18+$0x5090];
	v1 =	vmul.f32 v1, v3  }
0x261: {  	v3 =	vld [tilespmem:s18+$0x7090]  }
0x262: {  	v1 =	vadd.f32 v1, v2  }
0x263: {  	v2 =	vld [tilespmem:s18+$0x9090]  }
0x264: {  	[tilespmem:s18+$0x5080] =	vst v1  }
0x265: {  	v1 =	vld [tilespmem:$0xB090]  }
0x266: {  	v3 =	vadd.f32 v3, v4;
	_ =	sdelay $0x1  }
0x267: {  	v4 =	vld [tilespmem:s18+$0x50A0];
	v2 =	vmul.f32 v3, v2  }
0x268: {  	v3 =	vld [tilespmem:s18+$0x70A0]  }
0x269: {  	v1 =	vadd.f32 v2, v1  }
0x26a: {  	v2 =	vld [tilespmem:s18+$0x90A0]  }
0x26b: {  	[tilespmem:s18+$0x5090] =	vst v1  }
0x26c: {  	v1 =	vld [tilespmem:$0xB0A0]  }
0x26d: {  	v3 =	vadd.f32 v3, v4;
	_ =	sdelay $0x1  }
0x26e: {  	v4 =	vld [tilespmem:s18+$0x50B0];
	v2 =	vmul.f32 v3, v2  }
0x26f: {  	v3 =	vld [tilespmem:s18+$0x70B0]  }
0x270: {  	v1 =	vadd.f32 v2, v1  }
0x271: {  	v2 =	vld [tilespmem:s18+$0x90B0]  }
0x272: {  	[tilespmem:s18+$0x50A0] =	vst v1  }
0x273: {  	v1 =	vld [tilespmem:$0xB0B0]  }
0x274: {  	v3 =	vadd.f32 v3, v4;
	_ =	sdelay $0x1  }
0x275: {  	v2 =	vmul.f32 v3, v2;
	_ =	sdelay $0x1  }
0x276: {  	v1 =	vadd.f32 v2, v1;
	_ =	sdelay $0x1  }
0x277: {  	[tilespmem:s18+$0x50B0] =	vst v1  }
0x278: {  	[hbm4b:s23+s13] =	stream.strided.scatter [tilespmem:s5], [sflag:$0x3], $0x2000, s8, s13, $0x38;
	[tilespmem:$0x1F0C0] =	vst v63  }
0x279: {  	_ =	swait.ge [sflag:s6], $0x2000  }
0x27a: {  	[sflag:s6] =	ssyncset.done $0x0  }
0x27b: {  	[sflag:s6] =	ssyncadd.s32 $0xFFFFE000  }
0x27c: {  	[tilespmem:s5], [sflag:$0x3] =	stream.linear.gather [spmem:s2], $0x2000, $0x38;
	[tilespmem:$0x1F0C0] =	vst v63  }
0x27d: {  	_ =	swait.ge [sflag:s6], $0x2000  }
0x27e: {  	[sflag:s6] =	ssyncset.done $0x0  }
0x27f: {  	[sflag:s6] =	ssyncadd.s32 $0xFFFFE000  }
0x280: {  	[tilespmem:s10], [sflag:$0x3] =	stream.linear.gather [spmem:s3], $0x2000, $0x38;
	[tilespmem:$0x1F0C0] =	vst v63  }
0x281: {  	_ =	swait.ge [sflag:s6], $0x2000  }
0x282: {  	[sflag:s6] =	ssyncset.done $0x0  }
0x283: {  	s18 =	simm.s32 $0x0;
	s17 =	rddreg [dreg:$0x14];
	[sflag:s6] =	ssyncadd.s32 $0xFFFFE000  }
0x284: {  	[tilespmem:s12], [sflag:$0x3] =	stream.linear.gather [hbm4b:s17+s18], $0x2000, $0x38;
	[tilespmem:$0x1F0C0] =	vst v63  }
0x285: {  	_ =	swait.ge [sflag:s6], $0x2000  }
0x286: {  	[sflag:s6] =	ssyncset.done $0x0  }
0x287: {  	s15 =	simm.s32 $0x0;
	[sflag:s6] =	ssyncadd.s32 $0xFFFFE000  }
0x288: {  	v1 =	vld [tilespmem:s15+$0x7080]  }
0x289: {  	v2 =	vld [tilespmem:s15+$0x5080];
	_ =	sdelay $0x1  }
0x28a: {  	v3 =	vld [tilespmem:s15+$0x9080];
	_ =	sdelay $0x1  }
0x28b: {  	v4 =	vld [tilespmem:$0xB080]  }
0x28c: {  	v1 =	vadd.f32 v1, v2;
	_ =	sdelay $0x1  }
0x28d: {  	v2 =	vld [tilespmem:s15+$0x7090];
	v1 =	vmul.f32 v1, v3  }
0x28e: {  	v3 =	vld [tilespmem:s15+$0x5090]  }
0x28f: {  	v1 =	vadd.f32 v1, v4  }
0x290: {  	v4 =	vld [tilespmem:s15+$0x9090]  }
0x291: {  	[tilespmem:s15+$0x5080] =	vst v1  }
0x292: {  	v1 =	vld [tilespmem:$0xB090]  }
0x293: {  	v2 =	vadd.f32 v2, v3;
	_ =	sdelay $0x1  }
0x294: {  	v3 =	vld [tilespmem:s15+$0x70A0];
	v2 =	vmul.f32 v2, v4  }
0x295: {  	v4 =	vld [tilespmem:s15+$0x50A0]  }
0x296: {  	v1 =	vadd.f32 v2, v1  }
0x297: {  	v2 =	vld [tilespmem:s15+$0x90A0]  }
0x298: {  	[tilespmem:s15+$0x5090] =	vst v1  }
0x299: {  	v1 =	vld [tilespmem:$0xB0A0]  }
0x29a: {  	v3 =	vadd.f32 v3, v4;
	_ =	sdelay $0x1  }
0x29b: {  	v5 =	vld [tilespmem:s15+$0x50B0];
	v2 =	vmul.f32 v3, v2  }
0x29c: {  	v4 =	vld [tilespmem:s15+$0x70B0]  }
0x29d: {  	v1 =	vadd.f32 v2, v1  }
0x29e: {  	v3 =	vld [tilespmem:s15+$0x90B0]  }
0x29f: {  	[tilespmem:s15+$0x50A0] =	vst v1  }
0x2a0: {  	v2 =	vld [tilespmem:$0xB0B0]  }
0x2a1: {  	v4 =	vadd.f32 v4, v5  }
0x2a2: {  	s18 =	simm.s32 $0x40  }
0x2a3: {  	s17 =	simm.s32 $0x200;
	v3 =	vmul.f32 v4, v3;
	v1 =	vld [tilespmem:s18+$0x7080]  }
.LBB2_14:
0x2a4: {  	p0 =	sne.s32 s17, $0x7F00;
	v4 =	vld [tilespmem:s18+$0x5080]  }
0x2a5: {  	v2 =	vadd.f32 v3, v2  }
0x2a6: {  	v3 =	vld [tilespmem:s18+$0x9080]  }
0x2a7: {  	[tilespmem:s15+$0x50B0] =	vst v2;
	s15 =	smov.u32 s18  }
0x2a8: {  	v2 =	vld [tilespmem:$0xB080]  }
0x2a9: {  	v1 =	vadd.f32 v1, v4;
	_ =	sdelay $0x1  }
0x2aa: {  	v1 =	vmul.f32 v1, v3;
	v3 =	vld [tilespmem:s15+$0x7090]  }
0x2ab: {  	v4 =	vld [tilespmem:s15+$0x5090]  }
0x2ac: {  	v1 =	vadd.f32 v1, v2  }
0x2ad: {  	v2 =	vld [tilespmem:s15+$0x9090]  }
0x2ae: {  	[tilespmem:s15+$0x5080] =	vst v1  }
0x2af: {  	v1 =	vld [tilespmem:$0xB090]  }
0x2b0: {  	v3 =	vadd.f32 v3, v4;
	_ =	sdelay $0x1  }
0x2b1: {  	v2 =	vmul.f32 v3, v2;
	v3 =	vld [tilespmem:s15+$0x70A0]  }
0x2b2: {  	v4 =	vld [tilespmem:s15+$0x50A0]  }
0x2b3: {  	v1 =	vadd.f32 v2, v1  }
0x2b4: {  	v2 =	vld [tilespmem:s15+$0x90A0]  }
0x2b5: {  	[tilespmem:s15+$0x5090] =	vst v1  }
0x2b6: {  	v1 =	vld [tilespmem:$0xB0A0]  }
0x2b7: {  	v3 =	vadd.f32 v3, v4;
	_ =	sdelay $0x1  }
0x2b8: {  	v2 =	vmul.f32 v3, v2;
	v3 =	vld [tilespmem:s15+$0x70B0]  }
0x2b9: {  	v4 =	vld [tilespmem:s15+$0x50B0]  }
0x2ba: {  	v1 =	vadd.f32 v2, v1  }
0x2bb: {  	v5 =	vld [tilespmem:s15+$0x90B0]  }
.Ltmp6:
0x2bc: {  	[tilespmem:s15+$0x50A0] =	vst v1;
	(pc) =	sbr.rel @p0 .LBB2_14-.Ltmp6, $4  }
0x2bd: {  	v2 =	vld [tilespmem:$0xB0B0]  }
0x2be: {  	v3 =	vadd.f32 v3, v4  }
0x2bf: {  	s18 =	sshra.s32 s17, $0x2  }
0x2c0: {  	s17 =	sadd.s32 $0x100, s17;
	v1 =	vld [tilespmem:s18+$0x7080];
	v3 =	vmul.f32 v3, v5  }
0x2c1: {  	v4 =	vld [tilespmem:s18+$0x5080]  }
0x2c2: {  	v2 =	vadd.f32 v3, v2  }
0x2c3: {  	v3 =	vld [tilespmem:s18+$0x9080]  }
0x2c4: {  	[tilespmem:s15+$0x50B0] =	vst v2  }
0x2c5: {  	v2 =	vld [tilespmem:$0xB080]  }
0x2c6: {  	v1 =	vadd.f32 v1, v4;
	_ =	sdelay $0x1  }
0x2c7: {  	v61 =	vld [tilespmem:s18+$0x5090];
	v1 =	vmul.f32 v1, v3  }
0x2c8: {  	v3 =	vld [tilespmem:s18+$0x7090]  }
0x2c9: {  	v1 =	vadd.f32 v1, v2  }
0x2ca: {  	v2 =	vld [tilespmem:s18+$0x9090]  }
0x2cb: {  	[tilespmem:s18+$0x5080] =	vst v1  }
0x2cc: {  	v1 =	vld [tilespmem:$0xB090]  }
0x2cd: {  	v3 =	vadd.f32 v3, v61;
	_ =	sdelay $0x1  }
0x2ce: {  	v62 =	vld [tilespmem:s18+$0x50A0];
	v2 =	vmul.f32 v3, v2  }
0x2cf: {  	v3 =	vld [tilespmem:s18+$0x70A0]  }
0x2d0: {  	v1 =	vadd.f32 v2, v1  }
0x2d1: {  	v2 =	vld [tilespmem:s18+$0x90A0]  }
0x2d2: {  	[tilespmem:s18+$0x5090] =	vst v1  }
0x2d3: {  	v1 =	vld [tilespmem:$0xB0A0]  }
0x2d4: {  	v3 =	vadd.f32 v3, v62;
	_ =	sdelay $0x1  }
0x2d5: {  	v63 =	vld [tilespmem:s18+$0x50B0];
	v2 =	vmul.f32 v3, v2  }
0x2d6: {  	v3 =	vld [tilespmem:s18+$0x70B0]  }
0x2d7: {  	v1 =	vadd.f32 v2, v1  }
0x2d8: {  	v2 =	vld [tilespmem:s18+$0x90B0]  }
0x2d9: {  	[tilespmem:s18+$0x50A0] =	vst v1  }
0x2da: {  	v1 =	vld [tilespmem:$0xB0B0]  }
0x2db: {  	v3 =	vadd.f32 v3, v63;
	_ =	sdelay $0x1  }
0x2dc: {  	v2 =	vmul.f32 v3, v2;
	_ =	sdelay $0x1  }
0x2dd: {  	s14 =	sadd.s32 $0x1, s14;
	v1 =	vadd.f32 v2, v1  }
0x2de: {  	p0 =	sne.s32 s14, s4  }
.Ltmp7:
0x2df: {  	[tilespmem:s18+$0x50B0] =	vst v1;
	(pc) =	sbr.rel @p0 .LBB2_1-.Ltmp7, $4  }
0x2e0: {  	[hbm4b:s24+s13] =	stream.strided.scatter [tilespmem:s5], [sflag:$0x3], $0x2000, s8, s13, $0x38;
	[tilespmem:$0x1F0C0] =	vst v63  }
0x2e1: {  	_ =	swait.ge [sflag:s6], $0x2000  }
0x2e2: {  	[sflag:s6] =	ssyncset.done $0x0  }
0x2e3: {  	[sflag:s6] =	ssyncadd.s32 $0xFFFFE000  }
0x2e4: {  	_ =	sfence.sel $0x180000  }
0x2e5: {  	[bflag:$0x0] =	sbarrier.arrive $0xFFFF  }
0x2e6: {  	_ =	strace $0x9000004A  }
0x2e7: {  	s0 =	stileid.u32;
	[bflag:$0x2] =	sbarrier.arrive $0xFFFF  }
0x2e8: {  	p0 =	sne.s32 s0, $0x0;
	s0 =	rddreg [dreg:$0x5]  }
0x2e9: {  	s0 =	sadd.s32 @!p0 $0x100000, s0  }
0x2ea: {  	[sflag:s0] =	ssyncadd.tile.s32 @!p0 $0x1;
	_ =	shalt  }
.Lfunc_end2:
_tile_overlayer_lowered:
.L_overlay_start_2:
0x2eb: {  	(tag) =	ssettag $0x2  }
0x2ec: {  	s0 =	rddreg [dreg:$0x0];
	s2 =	stileid.u32  }
0x2ed: {  	s1 =	rddreg [dreg:$0x1];
	p0 =	sne.s32 s2, $0x0  }
0x2ee: {  	s3 =	rddreg [dreg:$0x2];
	[bflag:$0x3] =	sbarrier.arrive $0xFFFF;
	s2 =	simm.s32 @!p0 $0x1C03  }
0x2ef: {  	[timem:s3], [sflag:s2] =	dma.local @!p0 [hbm:s0], s1  }
0x2f0: {  	s0 =	simm.s32 @!p0 $0x3  }
0x2f1: {  	_ =	swait.ge @!p0 [sflag:s0], s1  }
0x2f2: {  	s1 =	ssub.s32 @!p0 $0x0, s1;
	[sflag:s0] =	ssyncset.done @!p0 $0x0  }
0x2f3: {  	[sflag:s0] =	ssyncadd.s32 @!p0 s1  }
0x2f4: {  	[bflag:$0x3] =	sbarrier.arrive $0xFFFF  }
0x2f5: {  	_ =	shalt  }

</sc_bundles>
